<compile_context>
chip_gen: v7x
topology: tpu7x:2x2x1
jax: 0.10.2.dev20260603
libtpu: 0.0.44.dev20260713+nightly
codegen_flags: <defaults>
</compile_context>

<pallas_src>
import jax
import jax.numpy as jnp
from jax import lax
from jax.experimental import pallas as pl
from jax.experimental.pallas import tpu as pltpu
from jax.experimental.pallas import tpu_sc as plsc

N_CORES = 2
N_SUBCORES = 16
N_WORKERS = N_CORES * N_SUBCORES

BATCH = 1024
SEQ = 200
D_MODEL = 128
SEQ_PER_W = BATCH // N_WORKERS
CHUNKS = 2 * SEQ_PER_W
CLEN = 104
STRIDE = 96
NSLOT = 4
LANES = 16


def _emb_body(ids_hbm, w_hbm, pos_hbm, out_hbm,
              idx_all, pos_v, buf, smem_buf,
              g0, g1, g2, g3, c0, c1, c2, c3, o0, o1):
    gsem = (g0, g1, g2, g3)
    csem = (c0, c1, c2, c3)
    osem = (o0, o1)
    c = lax.axis_index("c")
    s = lax.axis_index("s")
    wid = s * N_CORES + c
    base = wid * CHUNKS

    pltpu.sync_copy(ids_hbm.at[pl.ds(base, CHUNKS)], idx_all)
    pos_cp = pltpu.async_copy(pos_hbm.at[pl.ds(0, SEQ)], pos_v, o0)

    def _gather_args(t, slot):
        return w_hbm.at[idx_all.at[t]], buf.at[slot], gsem[slot]

    def _copy1_args(slot, h):
        n = CLEN if h else STRIDE
        return (buf.at[slot, pl.ds(0, n)],
                smem_buf.at[s, slot & 1, pl.ds(0, n)], csem[slot])

    def _copy2_args(t, slot, h):
        n = CLEN if h else STRIDE
        seq = wid * SEQ_PER_W + (t >> 1)
        dst = out_hbm.at[seq, pl.ds(h * STRIDE, n)]
        return smem_buf.at[s, slot & 1, pl.ds(0, n)], dst, osem[slot & 1]

    def fire_gather(t, slot):
        pltpu.async_copy(*_gather_args(t, slot))

    def wait_gather(t, slot):
        pltpu.make_async_copy(*_gather_args(t, slot)).wait()

    def fire_copy1(slot, h):
        pltpu.async_copy(*_copy1_args(slot, h))

    def wait_copy1(slot, h):
        pltpu.make_async_copy(*_copy1_args(slot, h)).wait()

    def fire_copy2(t, slot, h):
        pltpu.async_copy(*_copy2_args(t, slot, h))

    def wait_copy2(t, slot, h):
        pltpu.make_async_copy(*_copy2_args(t, slot, h)).wait()

    def add_pos(slot, h):
        def add_rows(g, carry):
            for u in range(4):
                r = g * 4 + u
                for cc in range(D_MODEL // LANES):
                    sl = pl.ds(cc * LANES, LANES)
                    plsc.addupdate(buf.at[slot, r, sl],
                                   pos_v[h * STRIDE + r, sl])
            return carry
        lax.fori_loop(0, (CLEN if h else STRIDE) // 4, add_rows, 0)

    for b in range(NSLOT - 1):
        fire_gather(b, b)
    pos_cp.wait()

    def outer(g, carry):
        for b in range(NSLOT):
            h = b & 1
            t = g * NSLOT + b
            ns = (b + NSLOT - 1) % NSLOT
            wait_gather(t, b)
            add_pos(b, h)

            @pl.when(t >= 1)
            def _hop():
                wait_copy1(ns, ns & 1)
                fire_copy2(t - 1, ns, ns & 1)

            @pl.when(t >= 2)
            def _reuse():
                wait_copy2(t - 2, b, h)
            fire_copy1(b, h)

            nxt = t + NSLOT - 1

            @pl.when(nxt < CHUNKS)
            def _fire():
                fire_gather(nxt, ns)
        return carry

    lax.fori_loop(0, CHUNKS // NSLOT, outer, 0)

    last = CHUNKS - 1
    wait_copy1(NSLOT - 1, last & 1)
    fire_copy2(last, NSLOT - 1, last & 1)
    wait_copy2(CHUNKS - 2, NSLOT - 2, (CHUNKS - 2) & 1)
    wait_copy2(last, NSLOT - 1, last & 1)


@jax.jit
def kernel(input_ids, W, pos_table):
    ids = jnp.concatenate(
        [input_ids[:, :CLEN], input_ids[:, STRIDE:]], axis=1
    ).reshape(BATCH * 2, CLEN)
    run = pl.kernel(
        _emb_body,
        mesh=plsc.VectorSubcoreMesh(core_axis_name="c", subcore_axis_name="s"),
        out_type=jax.ShapeDtypeStruct((BATCH, SEQ, D_MODEL), jnp.float32),
        scratch_types=[
            pltpu.VMEM((CHUNKS, CLEN), jnp.int32),
            pltpu.VMEM((SEQ, D_MODEL), jnp.float32),
            pltpu.VMEM((NSLOT, CLEN, D_MODEL), jnp.float32),
            pltpu.VMEM_SHARED((N_SUBCORES, 2, CLEN, D_MODEL),
                              jnp.float32),
        ] + [pltpu.SemaphoreType.DMA] * (2 * NSLOT + 2),
    )
    return run(ids, W, pos_table)

# --- scband reference (transcript-rebuilt; emitter-appended) ---
"""Pipeline reference for scband-embedding-18365280157697 (READ-ONLY COPY).

The authoritative reference and input builder live on the scoring server;
editing this copy changes nothing except your own understanding.
"""

import jax, jax.numpy as jnp
import numpy as np

N_VOCAB = 1000000
D_MODEL = 128
MAX_SEQ = 2048
BATCH = 1024
SEQ = 200


def get_sinusoid_encoding_table(n_position, d_hid, padding_idx=None):
    exponents = np.array([2 * (i // 2) / d_hid for i in range(d_hid)])
    pow_table = np.power(10000.0, exponents)
    sinusoid_table = np.array([pos / pow_table for pos in range(n_position)])
    sinusoid_table[:, 0::2] = np.sin(sinusoid_table[:, 0::2])
    sinusoid_table[:, 1::2] = np.cos(sinusoid_table[:, 1::2])
    if padding_idx is not None:
        sinusoid_table[padding_idx] = 0.0
    return jnp.asarray(sinusoid_table, dtype=jnp.float32)


def setup_inputs(seed: int = 0):
    key = jax.random.key(seed)
    k1, k2 = jax.random.split(key)
    input_ids = jax.random.randint(k1, (BATCH, SEQ), 0, N_VOCAB, dtype=jnp.int32)
    # learned word embedding table (nn.Embedding default init ~ N(0,1))
    W = jax.random.normal(k2, (N_VOCAB, D_MODEL), dtype=jnp.float32)
    # frozen sinusoid positional table (from_pretrained, freeze=True by default)
    pos_table = get_sinusoid_encoding_table(MAX_SEQ, D_MODEL)
    return {"input_ids": input_ids, "W": W, "pos_table": pos_table}


def reference(input_ids, W, pos_table):
    # pos_ids = arange(S); the original .unsqueeze(0).expand_as(...) result is unused
    S = input_ids.shape[-1]
    pos_ids = jnp.arange(S, dtype=jnp.int32)
    word_emb = jnp.take(W, input_ids, axis=0)              # [B, S, D] gather
    pos_emb = jnp.take(pos_table, pos_ids, axis=0)          # [S, D]
    embeddings = word_emb + pos_emb[None, :, :]             # broadcast over batch
    return embeddings

if __name__ == "__main__":
    import jax
    _d = setup_inputs()
    print(jax.jit(kernel)(*tuple(_d.values())))

</pallas_src>

<mosaic_0001>
#map = affine_map<(d0, d1) -> (0, 0)>
#map1 = affine_map<(d0, d1) -> (0, 0, 0)>
module attributes {stable_mosaic.version = 14 : i64} {
  func.func @_emb_body(%arg0: i32, %arg1: i32, %arg2: memref<2048x104xi32, #tpu.memory_space<hbm>>, %arg3: memref<1000000x128xf32, #tpu.memory_space<hbm>>, %arg4: memref<2048x128xf32, #tpu.memory_space<hbm>>, %arg5: memref<1024x200x128xf32, #tpu.memory_space<hbm>>, %arg6: memref<64x104xi32, #tpu.memory_space<vmem>>, %arg7: memref<200x128xf32, #tpu.memory_space<vmem>>, %arg8: memref<4x104x128xf32, #tpu.memory_space<vmem>>, %arg9: memref<16x2x104x128xf32, #tpu.memory_space<vmem_shared>>, %arg10: memref<!tpu.dma_semaphore, #tpu.memory_space<semaphore_mem>>, %arg11: memref<!tpu.dma_semaphore, #tpu.memory_space<semaphore_mem>>, %arg12: memref<!tpu.dma_semaphore, #tpu.memory_space<semaphore_mem>>, %arg13: memref<!tpu.dma_semaphore, #tpu.memory_space<semaphore_mem>>, %arg14: memref<!tpu.dma_semaphore, #tpu.memory_space<semaphore_mem>>, %arg15: memref<!tpu.dma_semaphore, #tpu.memory_space<semaphore_mem>>, %arg16: memref<!tpu.dma_semaphore, #tpu.memory_space<semaphore_mem>>, %arg17: memref<!tpu.dma_semaphore, #tpu.memory_space<semaphore_mem>>, %arg18: memref<!tpu.dma_semaphore, #tpu.memory_space<semaphore_mem>>, %arg19: memref<!tpu.dma_semaphore, #tpu.memory_space<semaphore_mem>>) attributes {dimension_semantics = [#tpu.dimension_semantics<core_parallel>, #tpu.dimension_semantics<subcore_parallel>], iteration_bounds = array<i64: 2, 16>, scalar_prefetch = 0 : i64, scratch_operands = 14 : i64, tpu.core_type = #tpu.core_type<sc_vector_subcore>, window_params = [{transform_indices = #map}, {transform_indices = #map}, {transform_indices = #map}, {transform_indices = #map1}]} {
    %mul3A = arith.constant 2 : i32
    %mul3A_0 = arith.muli %arg1, %mul3A : i32
    %add3A = arith.addi %mul3A_0, %arg0 : i32
    %mul3A_1 = arith.constant 64 : i32
    %mul3A_2 = arith.muli %add3A, %mul3A_1 : i32
    "tpu.region"() ({
      %run_scoped3A = tpu.sem_alloc : memref<!tpu.dma_semaphore, #tpu.memory_space<semaphore_mem>>
      %dma_start3A_111 = arith.constant 0 : i32
      %dma_start3A_112 = tpu.memref_slice %arg2[%mul3A_2, %dma_start3A_111] : memref<2048x104xi32, #tpu.memory_space<hbm>> -> memref<64x104xi32, #tpu.memory_space<hbm>>
      %dma_start3A_113 = arith.constant 0 : i32
      %dma_start3A_114 = tpu.memref_slice %arg2[%mul3A_2, %dma_start3A_113] : memref<2048x104xi32, #tpu.memory_space<hbm>> -> memref<64x104xi32, #tpu.memory_space<hbm>>
      tpu.enqueue_dma source(%dma_start3A_114 : memref<64x104xi32, #tpu.memory_space<hbm>>) target(%arg6 : memref<64x104xi32, #tpu.memory_space<vmem>>) target_semaphore(%run_scoped3A : memref<!tpu.dma_semaphore, #tpu.memory_space<semaphore_mem>>)
      %dma_wait3A_115 = arith.constant 0 : i32
      %dma_wait3A_116 = tpu.memref_slice %arg2[%mul3A_2, %dma_wait3A_115] : memref<2048x104xi32, #tpu.memory_space<hbm>> -> memref<64x104xi32, #tpu.memory_space<hbm>>
      %dma_wait3A_117 = arith.constant 0 : i32
      %dma_wait3A_118 = tpu.memref_slice %arg2[%mul3A_2, %dma_wait3A_117] : memref<2048x104xi32, #tpu.memory_space<hbm>> -> memref<64x104xi32, #tpu.memory_space<hbm>>
      tpu.wait_dma2 semaphore(%run_scoped3A : memref<!tpu.dma_semaphore, #tpu.memory_space<semaphore_mem>>) src(%dma_wait3A_118 : memref<64x104xi32, #tpu.memory_space<hbm>>) dst(%arg6 : memref<64x104xi32, #tpu.memory_space<vmem>>)
      tpu.yield
    }) : () -> ()
    %dma_start3A = arith.constant 0 : i32
    %dma_start3A_3 = arith.constant 0 : i32
    %dma_start3A_4 = tpu.memref_slice %arg4[%dma_start3A, %dma_start3A_3] : memref<2048x128xf32, #tpu.memory_space<hbm>> -> memref<200x128xf32, #tpu.memory_space<hbm>>
    %dma_start3A_5 = arith.constant 0 : i32
    %dma_start3A_6 = arith.constant 0 : i32
    %dma_start3A_7 = tpu.memref_slice %arg4[%dma_start3A_5, %dma_start3A_6] : memref<2048x128xf32, #tpu.memory_space<hbm>> -> memref<200x128xf32, #tpu.memory_space<hbm>>
    tpu.enqueue_dma source(%dma_start3A_7 : memref<200x128xf32, #tpu.memory_space<hbm>>) target(%arg7 : memref<200x128xf32, #tpu.memory_space<vmem>>) target_semaphore(%arg18 : memref<!tpu.dma_semaphore, #tpu.memory_space<semaphore_mem>>)
    %dma_start3A_8 = arith.constant 0 : i32
    %dma_start3A_9 = arith.constant 0 : i32
    %dma_start3A_10 = arith.constant 0 : i32
    %dma_start3A_11 = arith.constant 0 : i32
    %dma_start3A_12 = tpu.memref_slice %arg8[%dma_start3A_9, %dma_start3A_10, %dma_start3A_11] : memref<4x104x128xf32, #tpu.memory_space<vmem>> -> memref<1x104x128xf32, #tpu.memory_space<vmem>>
    %dma_start3A_13 = tpu.memref_squeeze %dma_start3A_12 : memref<1x104x128xf32, #tpu.memory_space<vmem>> -> memref<104x128xf32, #tpu.memory_space<vmem>>
    %dma_start3A_14 = arith.constant 0 : i32
    %dma_start3A_15 = tpu.memref_slice %arg6[%dma_start3A_8, %dma_start3A_14] : memref<64x104xi32, #tpu.memory_space<vmem>> -> memref<1x104xi32, #tpu.memory_space<vmem>>
    %dma_start3A_16 = tpu.memref_squeeze %dma_start3A_15 : memref<1x104xi32, #tpu.memory_space<vmem>> -> memref<104xi32, #tpu.memory_space<vmem>>
    %dma_start3A_17 = arith.constant 0 : i32
    %dma_start3A_18 = arith.constant 0 : i32
    %dma_start3A_19 = tpu.memref_slice %arg3[%dma_start3A_17, %dma_start3A_18] : memref<1000000x128xf32, #tpu.memory_space<hbm>> -> memref<1000000x128xf32, #tpu.memory_space<hbm>>
    tpu.enqueue_indirect_dma source(%dma_start3A_19 : memref<1000000x128xf32, #tpu.memory_space<hbm>>) target(%dma_start3A_13 : memref<104x128xf32, #tpu.memory_space<vmem>>) offsets(%dma_start3A_16 : memref<104xi32, #tpu.memory_space<vmem>>) semaphore(%arg10 : memref<!tpu.dma_semaphore, #tpu.memory_space<semaphore_mem>>)
    %dma_start3A_20 = arith.constant 1 : i32
    %dma_start3A_21 = arith.constant 1 : i32
    %dma_start3A_22 = arith.constant 0 : i32
    %dma_start3A_23 = arith.constant 0 : i32
    %dma_start3A_24 = tpu.memref_slice %arg8[%dma_start3A_21, %dma_start3A_22, %dma_start3A_23] : memref<4x104x128xf32, #tpu.memory_space<vmem>> -> memref<1x104x128xf32, #tpu.memory_space<vmem>>
    %dma_start3A_25 = tpu.memref_squeeze %dma_start3A_24 : memref<1x104x128xf32, #tpu.memory_space<vmem>> -> memref<104x128xf32, #tpu.memory_space<vmem>>
    %dma_start3A_26 = arith.constant 0 : i32
    %dma_start3A_27 = tpu.memref_slice %arg6[%dma_start3A_20, %dma_start3A_26] : memref<64x104xi32, #tpu.memory_space<vmem>> -> memref<1x104xi32, #tpu.memory_space<vmem>>
    %dma_start3A_28 = tpu.memref_squeeze %dma_start3A_27 : memref<1x104xi32, #tpu.memory_space<vmem>> -> memref<104xi32, #tpu.memory_space<vmem>>
    %dma_start3A_29 = arith.constant 0 : i32
    %dma_start3A_30 = arith.constant 0 : i32
    %dma_start3A_31 = tpu.memref_slice %arg3[%dma_start3A_29, %dma_start3A_30] : memref<1000000x128xf32, #tpu.memory_space<hbm>> -> memref<1000000x128xf32, #tpu.memory_space<hbm>>
    tpu.enqueue_indirect_dma source(%dma_start3A_31 : memref<1000000x128xf32, #tpu.memory_space<hbm>>) target(%dma_start3A_25 : memref<104x128xf32, #tpu.memory_space<vmem>>) offsets(%dma_start3A_28 : memref<104xi32, #tpu.memory_space<vmem>>) semaphore(%arg11 : memref<!tpu.dma_semaphore, #tpu.memory_space<semaphore_mem>>)
    %dma_start3A_32 = arith.constant 2 : i32
    %dma_start3A_33 = arith.constant 2 : i32
    %dma_start3A_34 = arith.constant 0 : i32
    %dma_start3A_35 = arith.constant 0 : i32
    %dma_start3A_36 = tpu.memref_slice %arg8[%dma_start3A_33, %dma_start3A_34, %dma_start3A_35] : memref<4x104x128xf32, #tpu.memory_space<vmem>> -> memref<1x104x128xf32, #tpu.memory_space<vmem>>
    %dma_start3A_37 = tpu.memref_squeeze %dma_start3A_36 : memref<1x104x128xf32, #tpu.memory_space<vmem>> -> memref<104x128xf32, #tpu.memory_space<vmem>>
    %dma_start3A_38 = arith.constant 0 : i32
    %dma_start3A_39 = tpu.memref_slice %arg6[%dma_start3A_32, %dma_start3A_38] : memref<64x104xi32, #tpu.memory_space<vmem>> -> memref<1x104xi32, #tpu.memory_space<vmem>>
    %dma_start3A_40 = tpu.memref_squeeze %dma_start3A_39 : memref<1x104xi32, #tpu.memory_space<vmem>> -> memref<104xi32, #tpu.memory_space<vmem>>
    %dma_start3A_41 = arith.constant 0 : i32
    %dma_start3A_42 = arith.constant 0 : i32
    %dma_start3A_43 = tpu.memref_slice %arg3[%dma_start3A_41, %dma_start3A_42] : memref<1000000x128xf32, #tpu.memory_space<hbm>> -> memref<1000000x128xf32, #tpu.memory_space<hbm>>
    tpu.enqueue_indirect_dma source(%dma_start3A_43 : memref<1000000x128xf32, #tpu.memory_space<hbm>>) target(%dma_start3A_37 : memref<104x128xf32, #tpu.memory_space<vmem>>) offsets(%dma_start3A_40 : memref<104xi32, #tpu.memory_space<vmem>>) semaphore(%arg12 : memref<!tpu.dma_semaphore, #tpu.memory_space<semaphore_mem>>)
    %dma_wait3A = arith.constant 0 : i32
    %dma_wait3A_44 = arith.constant 0 : i32
    %dma_wait3A_45 = tpu.memref_slice %arg4[%dma_wait3A, %dma_wait3A_44] : memref<2048x128xf32, #tpu.memory_space<hbm>> -> memref<200x128xf32, #tpu.memory_space<hbm>>
    %dma_wait3A_46 = arith.constant 0 : i32
    %dma_wait3A_47 = arith.constant 0 : i32
    %dma_wait3A_48 = tpu.memref_slice %arg4[%dma_wait3A_46, %dma_wait3A_47] : memref<2048x128xf32, #tpu.memory_space<hbm>> -> memref<200x128xf32, #tpu.memory_space<hbm>>
    tpu.wait_dma2 semaphore(%arg18 : memref<!tpu.dma_semaphore, #tpu.memory_space<semaphore_mem>>) src(%dma_wait3A_48 : memref<200x128xf32, #tpu.memory_space<hbm>>) dst(%arg7 : memref<200x128xf32, #tpu.memory_space<vmem>>)
    %scan3A = arith.constant 0 : i32
    %scan3A_49 = arith.constant 0 : i32
    %scan3A_50 = arith.constant 16 : i32
    %scan3A_51 = arith.addi %scan3A_49, %scan3A_50 : i32
    %scan3A_52 = arith.constant 1 : i32
    scf.for %scan3A_111 = %scan3A_49 to %scan3A_51 step %scan3A_52  : i32 {
      %mul3A_112 = arith.constant 4 : i32
      %mul3A_113 = arith.muli %scan3A_111, %mul3A_112 : i32
      %add3A_114 = arith.constant 0 : i32
      %add3A_115 = arith.addi %mul3A_113, %add3A_114 : i32
      %dma_wait3A_116 = arith.constant 0 : i32
      %dma_wait3A_117 = arith.constant 0 : i32
      %dma_wait3A_118 = arith.constant 0 : i32
      %dma_wait3A_119 = tpu.memref_slice %arg8[%dma_wait3A_116, %dma_wait3A_117, %dma_wait3A_118] : memref<4x104x128xf32, #tpu.memory_space<vmem>> -> memref<1x104x128xf32, #tpu.memory_space<vmem>>
      %dma_wait3A_120 = tpu.memref_squeeze %dma_wait3A_119 : memref<1x104x128xf32, #tpu.memory_space<vmem>> -> memref<104x128xf32, #tpu.memory_space<vmem>>
      %dma_wait3A_121 = arith.constant 0 : i32
      %dma_wait3A_122 = tpu.memref_slice %arg6[%add3A_115, %dma_wait3A_121] : memref<64x104xi32, #tpu.memory_space<vmem>> -> memref<1x104xi32, #tpu.memory_space<vmem>>
      %dma_wait3A_123 = tpu.memref_squeeze %dma_wait3A_122 : memref<1x104xi32, #tpu.memory_space<vmem>> -> memref<104xi32, #tpu.memory_space<vmem>>
      %dma_wait3A_124 = arith.constant 0 : i32
      %dma_wait3A_125 = arith.constant 0 : i32
      %dma_wait3A_126 = tpu.memref_slice %arg3[%dma_wait3A_124, %dma_wait3A_125] : memref<1000000x128xf32, #tpu.memory_space<hbm>> -> memref<1000000x128xf32, #tpu.memory_space<hbm>>
      tpu.wait_indirect_dma semaphore(%arg10 : memref<!tpu.dma_semaphore, #tpu.memory_space<semaphore_mem>>) src(%dma_wait3A_126 : memref<1000000x128xf32, #tpu.memory_space<hbm>>) dst(%dma_wait3A_120 : memref<104x128xf32, #tpu.memory_space<vmem>>)
      %scan3A_127 = arith.constant 0 : i32
      %scan3A_128 = arith.constant 0 : i32
      %scan3A_129 = arith.constant 24 : i32
      %scan3A_130 = arith.addi %scan3A_128, %scan3A_129 : i32
      %scan3A_131 = arith.constant 1 : i32
      scf.for %scan3A_339 = %scan3A_128 to %scan3A_130 step %scan3A_131  : i32 {
        %mul3A_340 = arith.constant 4 : i32
        %mul3A_341 = arith.muli %scan3A_339, %mul3A_340 : i32
        %add3A_342 = arith.constant 0 : i32
        %add3A_343 = arith.addi %mul3A_341, %add3A_342 : i32
        %add3A_344 = arith.constant 0 : i32
        %add3A_345 = arith.addi %add3A_344, %add3A_343 : i32
        %get3A = arith.index_cast %add3A_345 : i32 to index
        %get3A_346 = arith.constant 0 : index
        %get3A_347 = tpu.vector_load %arg7[%get3A, %get3A_346] {strides = array<i32>} : memref<200x128xf32, #tpu.memory_space<vmem>>, vector<1x16xf32>,
        %get3A_348 = vector.shape_cast %get3A_347 : vector<1x16xf32> to vector<16xf32>
        %swap3A = arith.constant 0 : i32
        %swap3A_349 = arith.index_cast %swap3A : i32 to index
        %swap3A_350 = arith.index_cast %add3A_343 : i32 to index
        %swap3A_351 = arith.constant 0 : index
        %swap3A_352 = tpu.vector_load %arg8[%swap3A_349, %swap3A_350, %swap3A_351] {strides = array<i32>} : memref<4x104x128xf32, #tpu.memory_space<vmem>>, vector<1x1x16xf32>,
        %swap3A_353 = vector.shape_cast %swap3A_352 : vector<1x1x16xf32> to vector<16xf32>
        %swap3A_354 = vector.shape_cast %get3A_348 : vector<16xf32> to vector<1x1x16xf32>
        tpu.vector_store %arg8[%swap3A_349, %swap3A_350, %swap3A_351], %swap3A_354 {add = true, strides = array<i32>} : memref<4x104x128xf32, #tpu.memory_space<vmem>>, vector<1x1x16xf32>,
        %add3A_355 = arith.constant 0 : i32
        %add3A_356 = arith.addi %add3A_355, %add3A_343 : i32
        %get3A_357 = arith.index_cast %add3A_356 : i32 to index
        %get3A_358 = arith.constant 16 : index
        %get3A_359 = tpu.vector_load %arg7[%get3A_357, %get3A_358] {strides = array<i32>} : memref<200x128xf32, #tpu.memory_space<vmem>>, vector<1x16xf32>,
        %get3A_360 = vector.shape_cast %get3A_359 : vector<1x16xf32> to vector<16xf32>
        %swap3A_361 = arith.constant 0 : i32
        %swap3A_362 = arith.index_cast %swap3A_361 : i32 to index
        %swap3A_363 = arith.index_cast %add3A_343 : i32 to index
        %swap3A_364 = arith.constant 16 : index
        %swap3A_365 = tpu.vector_load %arg8[%swap3A_362, %swap3A_363, %swap3A_364] {strides = array<i32>} : memref<4x104x128xf32, #tpu.memory_space<vmem>>, vector<1x1x16xf32>,
        %swap3A_366 = vector.shape_cast %swap3A_365 : vector<1x1x16xf32> to vector<16xf32>
        %swap3A_367 = vector.shape_cast %get3A_360 : vector<16xf32> to vector<1x1x16xf32>
        tpu.vector_store %arg8[%swap3A_362, %swap3A_363, %swap3A_364], %swap3A_367 {add = true, strides = array<i32>} : memref<4x104x128xf32, #tpu.memory_space<vmem>>, vector<1x1x16xf32>,
        %add3A_368 = arith.constant 0 : i32
        %add3A_369 = arith.addi %add3A_368, %add3A_343 : i32
        %get3A_370 = arith.index_cast %add3A_369 : i32 to index
        %get3A_371 = arith.constant 32 : index
        %get3A_372 = tpu.vector_load %arg7[%get3A_370, %get3A_371] {strides = array<i32>} : memref<200x128xf32, #tpu.memory_space<vmem>>, vector<1x16xf32>,
        %get3A_373 = vector.shape_cast %get3A_372 : vector<1x16xf32> to vector<16xf32>
        %swap3A_374 = arith.constant 0 : i32
        %swap3A_375 = arith.index_cast %swap3A_374 : i32 to index
        %swap3A_376 = arith.index_cast %add3A_343 : i32 to index
        %swap3A_377 = arith.constant 32 : index
        %swap3A_378 = tpu.vector_load %arg8[%swap3A_375, %swap3A_376, %swap3A_377] {strides = array<i32>} : memref<4x104x128xf32, #tpu.memory_space<vmem>>, vector<1x1x16xf32>,
        %swap3A_379 = vector.shape_cast %swap3A_378 : vector<1x1x16xf32> to vector<16xf32>
        %swap3A_380 = vector.shape_cast %get3A_373 : vector<16xf32> to vector<1x1x16xf32>
        tpu.vector_store %arg8[%swap3A_375, %swap3A_376, %swap3A_377], %swap3A_380 {add = true, strides = array<i32>} : memref<4x104x128xf32, #tpu.memory_space<vmem>>, vector<1x1x16xf32>,
        %add3A_381 = arith.constant 0 : i32
        %add3A_382 = arith.addi %add3A_381, %add3A_343 : i32
        %get3A_383 = arith.index_cast %add3A_382 : i32 to index
        %get3A_384 = arith.constant 48 : index
        %get3A_385 = tpu.vector_load %arg7[%get3A_383, %get3A_384] {strides = array<i32>} : memref<200x128xf32, #tpu.memory_space<vmem>>, vector<1x16xf32>,
        %get3A_386 = vector.shape_cast %get3A_385 : vector<1x16xf32> to vector<16xf32>
        %swap3A_387 = arith.constant 0 : i32
        %swap3A_388 = arith.index_cast %swap3A_387 : i32 to index
        %swap3A_389 = arith.index_cast %add3A_343 : i32 to index
        %swap3A_390 = arith.constant 48 : index
        %swap3A_391 = tpu.vector_load %arg8[%swap3A_388, %swap3A_389, %swap3A_390] {strides = array<i32>} : memref<4x104x128xf32, #tpu.memory_space<vmem>>, vector<1x1x16xf32>,
        %swap3A_392 = vector.shape_cast %swap3A_391 : vector<1x1x16xf32> to vector<16xf32>
        %swap3A_393 = vector.shape_cast %get3A_386 : vector<16xf32> to vector<1x1x16xf32>
        tpu.vector_store %arg8[%swap3A_388, %swap3A_389, %swap3A_390], %swap3A_393 {add = true, strides = array<i32>} : memref<4x104x128xf32, #tpu.memory_space<vmem>>, vector<1x1x16xf32>,
        %add3A_394 = arith.constant 0 : i32
        %add3A_395 = arith.addi %add3A_394, %add3A_343 : i32
        %get3A_396 = arith.index_cast %add3A_395 : i32 to index
        %get3A_397 = arith.constant 64 : index
        %get3A_398 = tpu.vector_load %arg7[%get3A_396, %get3A_397] {strides = array<i32>} : memref<200x128xf32, #tpu.memory_space<vmem>>, vector<1x16xf32>,
        %get3A_399 = vector.shape_cast %get3A_398 : vector<1x16xf32> to vector<16xf32>
        %swap3A_400 = arith.constant 0 : i32
        %swap3A_401 = arith.index_cast %swap3A_400 : i32 to index
        %swap3A_402 = arith.index_cast %add3A_343 : i32 to index
        %swap3A_403 = arith.constant 64 : index
        %swap3A_404 = tpu.vector_load %arg8[%swap3A_401, %swap3A_402, %swap3A_403] {strides = array<i32>} : memref<4x104x128xf32, #tpu.memory_space<vmem>>, vector<1x1x16xf32>,
        %swap3A_405 = vector.shape_cast %swap3A_404 : vector<1x1x16xf32> to vector<16xf32>
        %swap3A_406 = vector.shape_cast %get3A_399 : vector<16xf32> to vector<1x1x16xf32>
        tpu.vector_store %arg8[%swap3A_401, %swap3A_402, %swap3A_403], %swap3A_406 {add = true, strides = array<i32>} : memref<4x104x128xf32, #tpu.memory_space<vmem>>, vector<1x1x16xf32>,
        %add3A_407 = arith.constant 0 : i32
        %add3A_408 = arith.addi %add3A_407, %add3A_343 : i32
        %get3A_409 = arith.index_cast %add3A_408 : i32 to index
        %get3A_410 = arith.constant 80 : index
        %get3A_411 = tpu.vector_load %arg7[%get3A_409, %get3A_410] {strides = array<i32>} : memref<200x128xf32, #tpu.memory_space<vmem>>, vector<1x16xf32>,
        %get3A_412 = vector.shape_cast %get3A_411 : vector<1x16xf32> to vector<16xf32>
        %swap3A_413 = arith.constant 0 : i32
        %swap3A_414 = arith.index_cast %swap3A_413 : i32 to index
        %swap3A_415 = arith.index_cast %add3A_343 : i32 to index
        %swap3A_416 = arith.constant 80 : index
        %swap3A_417 = tpu.vector_load %arg8[%swap3A_414, %swap3A_415, %swap3A_416] {strides = array<i32>} : memref<4x104x128xf32, #tpu.memory_space<vmem>>, vector<1x1x16xf32>,
        %swap3A_418 = vector.shape_cast %swap3A_417 : vector<1x1x16xf32> to vector<16xf32>
        %swap3A_419 = vector.shape_cast %get3A_412 : vector<16xf32> to vector<1x1x16xf32>
        tpu.vector_store %arg8[%swap3A_414, %swap3A_415, %swap3A_416], %swap3A_419 {add = true, strides = array<i32>} : memref<4x104x128xf32, #tpu.memory_space<vmem>>, vector<1x1x16xf32>,
        %add3A_420 = arith.constant 0 : i32
        %add3A_421 = arith.addi %add3A_420, %add3A_343 : i32
        %get3A_422 = arith.index_cast %add3A_421 : i32 to index
        %get3A_423 = arith.constant 96 : index
        %get3A_424 = tpu.vector_load %arg7[%get3A_422, %get3A_423] {strides = array<i32>} : memref<200x128xf32, #tpu.memory_space<vmem>>, vector<1x16xf32>,
        %get3A_425 = vector.shape_cast %get3A_424 : vector<1x16xf32> to vector<16xf32>
        %swap3A_426 = arith.constant 0 : i32
        %swap3A_427 = arith.index_cast %swap3A_426 : i32 to index
        %swap3A_428 = arith.index_cast %add3A_343 : i32 to index
        %swap3A_429 = arith.constant 96 : index
        %swap3A_430 = tpu.vector_load %arg8[%swap3A_427, %swap3A_428, %swap3A_429] {strides = array<i32>} : memref<4x104x128xf32, #tpu.memory_space<vmem>>, vector<1x1x16xf32>,
        %swap3A_431 = vector.shape_cast %swap3A_430 : vector<1x1x16xf32> to vector<16xf32>
        %swap3A_432 = vector.shape_cast %get3A_425 : vector<16xf32> to vector<1x1x16xf32>
        tpu.vector_store %arg8[%swap3A_427, %swap3A_428, %swap3A_429], %swap3A_432 {add = true, strides = array<i32>} : memref<4x104x128xf32, #tpu.memory_space<vmem>>, vector<1x1x16xf32>,
        %add3A_433 = arith.constant 0 : i32
        %add3A_434 = arith.addi %add3A_433, %add3A_343 : i32
        %get3A_435 = arith.index_cast %add3A_434 : i32 to index
        %get3A_436 = arith.constant 112 : index
        %get3A_437 = tpu.vector_load %arg7[%get3A_435, %get3A_436] {strides = array<i32>} : memref<200x128xf32, #tpu.memory_space<vmem>>, vector<1x16xf32>,
        %get3A_438 = vector.shape_cast %get3A_437 : vector<1x16xf32> to vector<16xf32>
        %swap3A_439 = arith.constant 0 : i32
        %swap3A_440 = arith.index_cast %swap3A_439 : i32 to index
        %swap3A_441 = arith.index_cast %add3A_343 : i32 to index
        %swap3A_442 = arith.constant 112 : index
        %swap3A_443 = tpu.vector_load %arg8[%swap3A_440, %swap3A_441, %swap3A_442] {strides = array<i32>} : memref<4x104x128xf32, #tpu.memory_space<vmem>>, vector<1x1x16xf32>,
        %swap3A_444 = vector.shape_cast %swap3A_443 : vector<1x1x16xf32> to vector<16xf32>
        %swap3A_445 = vector.shape_cast %get3A_438 : vector<16xf32> to vector<1x1x16xf32>
        tpu.vector_store %arg8[%swap3A_440, %swap3A_441, %swap3A_442], %swap3A_445 {add = true, strides = array<i32>} : memref<4x104x128xf32, #tpu.memory_space<vmem>>, vector<1x1x16xf32>,
        %mul3A_446 = arith.constant 4 : i32
        %mul3A_447 = arith.muli %scan3A_339, %mul3A_446 : i32
        %add3A_448 = arith.constant 1 : i32
        %add3A_449 = arith.addi %mul3A_447, %add3A_448 : i32
        %add3A_450 = arith.constant 0 : i32
        %add3A_451 = arith.addi %add3A_450, %add3A_449 : i32
        %get3A_452 = arith.index_cast %add3A_451 : i32 to index
        %get3A_453 = arith.constant 0 : index
        %get3A_454 = tpu.vector_load %arg7[%get3A_452, %get3A_453] {strides = array<i32>} : memref<200x128xf32, #tpu.memory_space<vmem>>, vector<1x16xf32>,
        %get3A_455 = vector.shape_cast %get3A_454 : vector<1x16xf32> to vector<16xf32>
        %swap3A_456 = arith.constant 0 : i32
        %swap3A_457 = arith.index_cast %swap3A_456 : i32 to index
        %swap3A_458 = arith.index_cast %add3A_449 : i32 to index
        %swap3A_459 = arith.constant 0 : index
        %swap3A_460 = tpu.vector_load %arg8[%swap3A_457, %swap3A_458, %swap3A_459] {strides = array<i32>} : memref<4x104x128xf32, #tpu.memory_space<vmem>>, vector<1x1x16xf32>,
        %swap3A_461 = vector.shape_cast %swap3A_460 : vector<1x1x16xf32> to vector<16xf32>
        %swap3A_462 = vector.shape_cast %get3A_455 : vector<16xf32> to vector<1x1x16xf32>
        tpu.vector_store %arg8[%swap3A_457, %swap3A_458, %swap3A_459], %swap3A_462 {add = true, strides = array<i32>} : memref<4x104x128xf32, #tpu.memory_space<vmem>>, vector<1x1x16xf32>,
        %add3A_463 = arith.constant 0 : i32
        %add3A_464 = arith.addi %add3A_463, %add3A_449 : i32
        %get3A_465 = arith.index_cast %add3A_464 : i32 to index
        %get3A_466 = arith.constant 16 : index
        %get3A_467 = tpu.vector_load %arg7[%get3A_465, %get3A_466] {strides = array<i32>} : memref<200x128xf32, #tpu.memory_space<vmem>>, vector<1x16xf32>,
        %get3A_468 = vector.shape_cast %get3A_467 : vector<1x16xf32> to vector<16xf32>
        %swap3A_469 = arith.constant 0 : i32
        %swap3A_470 = arith.index_cast %swap3A_469 : i32 to index
        %swap3A_471 = arith.index_cast %add3A_449 : i32 to index
        %swap3A_472 = arith.constant 16 : index
        %swap3A_473 = tpu.vector_load %arg8[%swap3A_470, %swap3A_471, %swap3A_472] {strides = array<i32>} : memref<4x104x128xf32, #tpu.memory_space<vmem>>, vector<1x1x16xf32>,
        %swap3A_474 = vector.shape_cast %swap3A_473 : vector<1x1x16xf32> to vector<16xf32>
        %swap3A_475 = vector.shape_cast %get3A_468 : vector<16xf32> to vector<1x1x16xf32>
        tpu.vector_store %arg8[%swap3A_470, %swap3A_471, %swap3A_472], %swap3A_475 {add = true, strides = array<i32>} : memref<4x104x128xf32, #tpu.memory_space<vmem>>, vector<1x1x16xf32>,
        %add3A_476 = arith.constant 0 : i32
        %add3A_477 = arith.addi %add3A_476, %add3A_449 : i32
        %get3A_478 = arith.index_cast %add3A_477 : i32 to index
        %get3A_479 = arith.constant 32 : index
        %get3A_480 = tpu.vector_load %arg7[%get3A_478, %get3A_479] {strides = array<i32>} : memref<200x128xf32, #tpu.memory_space<vmem>>, vector<1x16xf32>,
        %get3A_481 = vector.shape_cast %get3A_480 : vector<1x16xf32> to vector<16xf32>
        %swap3A_482 = arith.constant 0 : i32
        %swap3A_483 = arith.index_cast %swap3A_482 : i32 to index
        %swap3A_484 = arith.index_cast %add3A_449 : i32 to index
        %swap3A_485 = arith.constant 32 : index
        %swap3A_486 = tpu.vector_load %arg8[%swap3A_483, %swap3A_484, %swap3A_485] {strides = array<i32>} : memref<4x104x128xf32, #tpu.memory_space<vmem>>, vector<1x1x16xf32>,
        %swap3A_487 = vector.shape_cast %swap3A_486 : vector<1x1x16xf32> to vector<16xf32>
        %swap3A_488 = vector.shape_cast %get3A_481 : vector<16xf32> to vector<1x1x16xf32>
        tpu.vector_store %arg8[%swap3A_483, %swap3A_484, %swap3A_485], %swap3A_488 {add = true, strides = array<i32>} : memref<4x104x128xf32, #tpu.memory_space<vmem>>, vector<1x1x16xf32>,
        %add3A_489 = arith.constant 0 : i32
        %add3A_490 = arith.addi %add3A_489, %add3A_449 : i32
        %get3A_491 = arith.index_cast %add3A_490 : i32 to index
        %get3A_492 = arith.constant 48 : index
        %get3A_493 = tpu.vector_load %arg7[%get3A_491, %get3A_492] {strides = array<i32>} : memref<200x128xf32, #tpu.memory_space<vmem>>, vector<1x16xf32>,
        %get3A_494 = vector.shape_cast %get3A_493 : vector<1x16xf32> to vector<16xf32>
        %swap3A_495 = arith.constant 0 : i32
        %swap3A_496 = arith.index_cast %swap3A_495 : i32 to index
        %swap3A_497 = arith.index_cast %add3A_449 : i32 to index
        %swap3A_498 = arith.constant 48 : index
        %swap3A_499 = tpu.vector_load %arg8[%swap3A_496, %swap3A_497, %swap3A_498] {strides = array<i32>} : memref<4x104x128xf32, #tpu.memory_space<vmem>>, vector<1x1x16xf32>,
        %swap3A_500 = vector.shape_cast %swap3A_499 : vector<1x1x16xf32> to vector<16xf32>
        %swap3A_501 = vector.shape_cast %get3A_494 : vector<16xf32> to vector<1x1x16xf32>
        tpu.vector_store %arg8[%swap3A_496, %swap3A_497, %swap3A_498], %swap3A_501 {add = true, strides = array<i32>} : memref<4x104x128xf32, #tpu.memory_space<vmem>>, vector<1x1x16xf32>,
        %add3A_502 = arith.constant 0 : i32
        %add3A_503 = arith.addi %add3A_502, %add3A_449 : i32
        %get3A_504 = arith.index_cast %add3A_503 : i32 to index
        %get3A_505 = arith.constant 64 : index
        %get3A_506 = tpu.vector_load %arg7[%get3A_504, %get3A_505] {strides = array<i32>} : memref<200x128xf32, #tpu.memory_space<vmem>>, vector<1x16xf32>,
        %get3A_507 = vector.shape_cast %get3A_506 : vector<1x16xf32> to vector<16xf32>
        %swap3A_508 = arith.constant 0 : i32
        %swap3A_509 = arith.index_cast %swap3A_508 : i32 to index
        %swap3A_510 = arith.index_cast %add3A_449 : i32 to index
        %swap3A_511 = arith.constant 64 : index
        %swap3A_512 = tpu.vector_load %arg8[%swap3A_509, %swap3A_510, %swap3A_511] {strides = array<i32>} : memref<4x104x128xf32, #tpu.memory_space<vmem>>, vector<1x1x16xf32>,
        %swap3A_513 = vector.shape_cast %swap3A_512 : vector<1x1x16xf32> to vector<16xf32>
        %swap3A_514 = vector.shape_cast %get3A_507 : vector<16xf32> to vector<1x1x16xf32>
        tpu.vector_store %arg8[%swap3A_509, %swap3A_510, %swap3A_511], %swap3A_514 {add = true, strides = array<i32>} : memref<4x104x128xf32, #tpu.memory_space<vmem>>, vector<1x1x16xf32>,
        %add3A_515 = arith.constant 0 : i32
        %add3A_516 = arith.addi %add3A_515, %add3A_449 : i32
        %get3A_517 = arith.index_cast %add3A_516 : i32 to index
        %get3A_518 = arith.constant 80 : index
        %get3A_519 = tpu.vector_load %arg7[%get3A_517, %get3A_518] {strides = array<i32>} : memref<200x128xf32, #tpu.memory_space<vmem>>, vector<1x16xf32>,
        %get3A_520 = vector.shape_cast %get3A_519 : vector<1x16xf32> to vector<16xf32>
        %swap3A_521 = arith.constant 0 : i32
        %swap3A_522 = arith.index_cast %swap3A_521 : i32 to index
        %swap3A_523 = arith.index_cast %add3A_449 : i32 to index
        %swap3A_524 = arith.constant 80 : index
        %swap3A_525 = tpu.vector_load %arg8[%swap3A_522, %swap3A_523, %swap3A_524] {strides = array<i32>} : memref<4x104x128xf32, #tpu.memory_space<vmem>>, vector<1x1x16xf32>,
        %swap3A_526 = vector.shape_cast %swap3A_525 : vector<1x1x16xf32> to vector<16xf32>
        %swap3A_527 = vector.shape_cast %get3A_520 : vector<16xf32> to vector<1x1x16xf32>
        tpu.vector_store %arg8[%swap3A_522, %swap3A_523, %swap3A_524], %swap3A_527 {add = true, strides = array<i32>} : memref<4x104x128xf32, #tpu.memory_space<vmem>>, vector<1x1x16xf32>,
        %add3A_528 = arith.constant 0 : i32
        %add3A_529 = arith.addi %add3A_528, %add3A_449 : i32
        %get3A_530 = arith.index_cast %add3A_529 : i32 to index
        %get3A_531 = arith.constant 96 : index
        %get3A_532 = tpu.vector_load %arg7[%get3A_530, %get3A_531] {strides = array<i32>} : memref<200x128xf32, #tpu.memory_space<vmem>>, vector<1x16xf32>,
        %get3A_533 = vector.shape_cast %get3A_532 : vector<1x16xf32> to vector<16xf32>
        %swap3A_534 = arith.constant 0 : i32
        %swap3A_535 = arith.index_cast %swap3A_534 : i32 to index
        %swap3A_536 = arith.index_cast %add3A_449 : i32 to index
        %swap3A_537 = arith.constant 96 : index
        %swap3A_538 = tpu.vector_load %arg8[%swap3A_535, %swap3A_536, %swap3A_537] {strides = array<i32>} : memref<4x104x128xf32, #tpu.memory_space<vmem>>, vector<1x1x16xf32>,
        %swap3A_539 = vector.shape_cast %swap3A_538 : vector<1x1x16xf32> to vector<16xf32>
        %swap3A_540 = vector.shape_cast %get3A_533 : vector<16xf32> to vector<1x1x16xf32>
        tpu.vector_store %arg8[%swap3A_535, %swap3A_536, %swap3A_537], %swap3A_540 {add = true, strides = array<i32>} : memref<4x104x128xf32, #tpu.memory_space<vmem>>, vector<1x1x16xf32>,
        %add3A_541 = arith.constant 0 : i32
        %add3A_542 = arith.addi %add3A_541, %add3A_449 : i32
        %get3A_543 = arith.index_cast %add3A_542 : i32 to index
        %get3A_544 = arith.constant 112 : index
        %get3A_545 = tpu.vector_load %arg7[%get3A_543, %get3A_544] {strides = array<i32>} : memref<200x128xf32, #tpu.memory_space<vmem>>, vector<1x16xf32>,
        %get3A_546 = vector.shape_cast %get3A_545 : vector<1x16xf32> to vector<16xf32>
        %swap3A_547 = arith.constant 0 : i32
        %swap3A_548 = arith.index_cast %swap3A_547 : i32 to index
        %swap3A_549 = arith.index_cast %add3A_449 : i32 to index
        %swap3A_550 = arith.constant 112 : index
        %swap3A_551 = tpu.vector_load %arg8[%swap3A_548, %swap3A_549, %swap3A_550] {strides = array<i32>} : memref<4x104x128xf32, #tpu.memory_space<vmem>>, vector<1x1x16xf32>,
        %swap3A_552 = vector.shape_cast %swap3A_551 : vector<1x1x16xf32> to vector<16xf32>
        %swap3A_553 = vector.shape_cast %get3A_546 : vector<16xf32> to vector<1x1x16xf32>
        tpu.vector_store %arg8[%swap3A_548, %swap3A_549, %swap3A_550], %swap3A_553 {add = true, strides = array<i32>} : memref<4x104x128xf32, #tpu.memory_space<vmem>>, vector<1x1x16xf32>,
        %mul3A_554 = arith.constant 4 : i32
        %mul3A_555 = arith.muli %scan3A_339, %mul3A_554 : i32
        %add3A_556 = arith.constant 2 : i32
        %add3A_557 = arith.addi %mul3A_555, %add3A_556 : i32
        %add3A_558 = arith.constant 0 : i32
        %add3A_559 = arith.addi %add3A_558, %add3A_557 : i32
        %get3A_560 = arith.index_cast %add3A_559 : i32 to index
        %get3A_561 = arith.constant 0 : index
        %get3A_562 = tpu.vector_load %arg7[%get3A_560, %get3A_561] {strides = array<i32>} : memref<200x128xf32, #tpu.memory_space<vmem>>, vector<1x16xf32>,
        %get3A_563 = vector.shape_cast %get3A_562 : vector<1x16xf32> to vector<16xf32>
        %swap3A_564 = arith.constant 0 : i32
        %swap3A_565 = arith.index_cast %swap3A_564 : i32 to index
        %swap3A_566 = arith.index_cast %add3A_557 : i32 to index
        %swap3A_567 = arith.constant 0 : index
        %swap3A_568 = tpu.vector_load %arg8[%swap3A_565, %swap3A_566, %swap3A_567] {strides = array<i32>} : memref<4x104x128xf32, #tpu.memory_space<vmem>>, vector<1x1x16xf32>,
        %swap3A_569 = vector.shape_cast %swap3A_568 : vector<1x1x16xf32> to vector<16xf32>
        %swap3A_570 = vector.shape_cast %get3A_563 : vector<16xf32> to vector<1x1x16xf32>
        tpu.vector_store %arg8[%swap3A_565, %swap3A_566, %swap3A_567], %swap3A_570 {add = true, strides = array<i32>} : memref<4x104x128xf32, #tpu.memory_space<vmem>>, vector<1x1x16xf32>,
        %add3A_571 = arith.constant 0 : i32
        %add3A_572 = arith.addi %add3A_571, %add3A_557 : i32
        %get3A_573 = arith.index_cast %add3A_572 : i32 to index
        %get3A_574 = arith.constant 16 : index
        %get3A_575 = tpu.vector_load %arg7[%get3A_573, %get3A_574] {strides = array<i32>} : memref<200x128xf32, #tpu.memory_space<vmem>>, vector<1x16xf32>,
        %get3A_576 = vector.shape_cast %get3A_575 : vector<1x16xf32> to vector<16xf32>
        %swap3A_577 = arith.constant 0 : i32
        %swap3A_578 = arith.index_cast %swap3A_577 : i32 to index
        %swap3A_579 = arith.index_cast %add3A_557 : i32 to index
        %swap3A_580 = arith.constant 16 : index
        %swap3A_581 = tpu.vector_load %arg8[%swap3A_578, %swap3A_579, %swap3A_580] {strides = array<i32>} : memref<4x104x128xf32, #tpu.memory_space<vmem>>, vector<1x1x16xf32>,
        %swap3A_582 = vector.shape_cast %swap3A_581 : vector<1x1x16xf32> to vector<16xf32>
        %swap3A_583 = vector.shape_cast %get3A_576 : vector<16xf32> to vector<1x1x16xf32>
        tpu.vector_store %arg8[%swap3A_578, %swap3A_579, %swap3A_580], %swap3A_583 {add = true, strides = array<i32>} : memref<4x104x128xf32, #tpu.memory_space<vmem>>, vector<1x1x16xf32>,
        %add3A_584 = arith.constant 0 : i32
        %add3A_585 = arith.addi %add3A_584, %add3A_557 : i32
        %get3A_586 = arith.index_cast %add3A_585 : i32 to index
        %get3A_587 = arith.constant 32 : index
        %get3A_588 = tpu.vector_load %arg7[%get3A_586, %get3A_587] {strides = array<i32>} : memref<200x128xf32, #tpu.memory_space<vmem>>, vector<1x16xf32>,
        %get3A_589 = vector.shape_cast %get3A_588 : vector<1x16xf32> to vector<16xf32>
        %swap3A_590 = arith.constant 0 : i32
        %swap3A_591 = arith.index_cast %swap3A_590 : i32 to index
        %swap3A_592 = arith.index_cast %add3A_557 : i32 to index
        %swap3A_593 = arith.constant 32 : index
        %swap3A_594 = tpu.vector_load %arg8[%swap3A_591, %swap3A_592, %swap3A_593] {strides = array<i32>} : memref<4x104x128xf32, #tpu.memory_space<vmem>>, vector<1x1x16xf32>,
        %swap3A_595 = vector.shape_cast %swap3A_594 : vector<1x1x16xf32> to vector<16xf32>
        %swap3A_596 = vector.shape_cast %get3A_589 : vector<16xf32> to vector<1x1x16xf32>
        tpu.vector_store %arg8[%swap3A_591, %swap3A_592, %swap3A_593], %swap3A_596 {add = true, strides = array<i32>} : memref<4x104x128xf32, #tpu.memory_space<vmem>>, vector<1x1x16xf32>,
        %add3A_597 = arith.constant 0 : i32
        %add3A_598 = arith.addi %add3A_597, %add3A_557 : i32
        %get3A_599 = arith.index_cast %add3A_598 : i32 to index
        %get3A_600 = arith.constant 48 : index
        %get3A_601 = tpu.vector_load %arg7[%get3A_599, %get3A_600] {strides = array<i32>} : memref<200x128xf32, #tpu.memory_space<vmem>>, vector<1x16xf32>,
        %get3A_602 = vector.shape_cast %get3A_601 : vector<1x16xf32> to vector<16xf32>
        %swap3A_603 = arith.constant 0 : i32
        %swap3A_604 = arith.index_cast %swap3A_603 : i32 to index
        %swap3A_605 = arith.index_cast %add3A_557 : i32 to index
        %swap3A_606 = arith.constant 48 : index
        %swap3A_607 = tpu.vector_load %arg8[%swap3A_604, %swap3A_605, %swap3A_606] {strides = array<i32>} : memref<4x104x128xf32, #tpu.memory_space<vmem>>, vector<1x1x16xf32>,
        %swap3A_608 = vector.shape_cast %swap3A_607 : vector<1x1x16xf32> to vector<16xf32>
        %swap3A_609 = vector.shape_cast %get3A_602 : vector<16xf32> to vector<1x1x16xf32>
        tpu.vector_store %arg8[%swap3A_604, %swap3A_605, %swap3A_606], %swap3A_609 {add = true, strides = array<i32>} : memref<4x104x128xf32, #tpu.memory_space<vmem>>, vector<1x1x16xf32>,
        %add3A_610 = arith.constant 0 : i32
        %add3A_611 = arith.addi %add3A_610, %add3A_557 : i32
        %get3A_612 = arith.index_cast %add3A_611 : i32 to index
        %get3A_613 = arith.constant 64 : index
        %get3A_614 = tpu.vector_load %arg7[%get3A_612, %get3A_613] {strides = array<i32>} : memref<200x128xf32, #tpu.memory_space<vmem>>, vector<1x16xf32>,
        %get3A_615 = vector.shape_cast %get3A_614 : vector<1x16xf32> to vector<16xf32>
        %swap3A_616 = arith.constant 0 : i32
        %swap3A_617 = arith.index_cast %swap3A_616 : i32 to index
        %swap3A_618 = arith.index_cast %add3A_557 : i32 to index
        %swap3A_619 = arith.constant 64 : index
        %swap3A_620 = tpu.vector_load %arg8[%swap3A_617, %swap3A_618, %swap3A_619] {strides = array<i32>} : memref<4x104x128xf32, #tpu.memory_space<vmem>>, vector<1x1x16xf32>,
        %swap3A_621 = vector.shape_cast %swap3A_620 : vector<1x1x16xf32> to vector<16xf32>
        %swap3A_622 = vector.shape_cast %get3A_615 : vector<16xf32> to vector<1x1x16xf32>
        tpu.vector_store %arg8[%swap3A_617, %swap3A_618, %swap3A_619], %swap3A_622 {add = true, strides = array<i32>} : memref<4x104x128xf32, #tpu.memory_space<vmem>>, vector<1x1x16xf32>,
        %add3A_623 = arith.constant 0 : i32
        %add3A_624 = arith.addi %add3A_623, %add3A_557 : i32
        %get3A_625 = arith.index_cast %add3A_624 : i32 to index
        %get3A_626 = arith.constant 80 : index
        %get3A_627 = tpu.vector_load %arg7[%get3A_625, %get3A_626] {strides = array<i32>} : memref<200x128xf32, #tpu.memory_space<vmem>>, vector<1x16xf32>,
        %get3A_628 = vector.shape_cast %get3A_627 : vector<1x16xf32> to vector<16xf32>
        %swap3A_629 = arith.constant 0 : i32
        %swap3A_630 = arith.index_cast %swap3A_629 : i32 to index
        %swap3A_631 = arith.index_cast %add3A_557 : i32 to index
        %swap3A_632 = arith.constant 80 : index
        %swap3A_633 = tpu.vector_load %arg8[%swap3A_630, %swap3A_631, %swap3A_632] {strides = array<i32>} : memref<4x104x128xf32, #tpu.memory_space<vmem>>, vector<1x1x16xf32>,
        %swap3A_634 = vector.shape_cast %swap3A_633 : vector<1x1x16xf32> to vector<16xf32>
        %swap3A_635 = vector.shape_cast %get3A_628 : vector<16xf32> to vector<1x1x16xf32>
        tpu.vector_store %arg8[%swap3A_630, %swap3A_631, %swap3A_632], %swap3A_635 {add = true, strides = array<i32>} : memref<4x104x128xf32, #tpu.memory_space<vmem>>, vector<1x1x16xf32>,
        %add3A_636 = arith.constant 0 : i32
        %add3A_637 = arith.addi %add3A_636, %add3A_557 : i32
        %get3A_638 = arith.index_cast %add3A_637 : i32 to index
        %get3A_639 = arith.constant 96 : index
        %get3A_640 = tpu.vector_load %arg7[%get3A_638, %get3A_639] {strides = array<i32>} : memref<200x128xf32, #tpu.memory_space<vmem>>, vector<1x16xf32>,
        %get3A_641 = vector.shape_cast %get3A_640 : vector<1x16xf32> to vector<16xf32>
        %swap3A_642 = arith.constant 0 : i32
        %swap3A_643 = arith.index_cast %swap3A_642 : i32 to index
        %swap3A_644 = arith.index_cast %add3A_557 : i32 to index
        %swap3A_645 = arith.constant 96 : index
        %swap3A_646 = tpu.vector_load %arg8[%swap3A_643, %swap3A_644, %swap3A_645] {strides = array<i32>} : memref<4x104x128xf32, #tpu.memory_space<vmem>>, vector<1x1x16xf32>,
        %swap3A_647 = vector.shape_cast %swap3A_646 : vector<1x1x16xf32> to vector<16xf32>
        %swap3A_648 = vector.shape_cast %get3A_641 : vector<16xf32> to vector<1x1x16xf32>
        tpu.vector_store %arg8[%swap3A_643, %swap3A_644, %swap3A_645], %swap3A_648 {add = true, strides = array<i32>} : memref<4x104x128xf32, #tpu.memory_space<vmem>>, vector<1x1x16xf32>,
        %add3A_649 = arith.constant 0 : i32
        %add3A_650 = arith.addi %add3A_649, %add3A_557 : i32
        %get3A_651 = arith.index_cast %add3A_650 : i32 to index
        %get3A_652 = arith.constant 112 : index
        %get3A_653 = tpu.vector_load %arg7[%get3A_651, %get3A_652] {strides = array<i32>} : memref<200x128xf32, #tpu.memory_space<vmem>>, vector<1x16xf32>,
        %get3A_654 = vector.shape_cast %get3A_653 : vector<1x16xf32> to vector<16xf32>
        %swap3A_655 = arith.constant 0 : i32
        %swap3A_656 = arith.index_cast %swap3A_655 : i32 to index
        %swap3A_657 = arith.index_cast %add3A_557 : i32 to index
        %swap3A_658 = arith.constant 112 : index
        %swap3A_659 = tpu.vector_load %arg8[%swap3A_656, %swap3A_657, %swap3A_658] {strides = array<i32>} : memref<4x104x128xf32, #tpu.memory_space<vmem>>, vector<1x1x16xf32>,
        %swap3A_660 = vector.shape_cast %swap3A_659 : vector<1x1x16xf32> to vector<16xf32>
        %swap3A_661 = vector.shape_cast %get3A_654 : vector<16xf32> to vector<1x1x16xf32>
        tpu.vector_store %arg8[%swap3A_656, %swap3A_657, %swap3A_658], %swap3A_661 {add = true, strides = array<i32>} : memref<4x104x128xf32, #tpu.memory_space<vmem>>, vector<1x1x16xf32>,
        %mul3A_662 = arith.constant 4 : i32
        %mul3A_663 = arith.muli %scan3A_339, %mul3A_662 : i32
        %add3A_664 = arith.constant 3 : i32
        %add3A_665 = arith.addi %mul3A_663, %add3A_664 : i32
        %add3A_666 = arith.constant 0 : i32
        %add3A_667 = arith.addi %add3A_666, %add3A_665 : i32
        %get3A_668 = arith.index_cast %add3A_667 : i32 to index
        %get3A_669 = arith.constant 0 : index
        %get3A_670 = tpu.vector_load %arg7[%get3A_668, %get3A_669] {strides = array<i32>} : memref<200x128xf32, #tpu.memory_space<vmem>>, vector<1x16xf32>,
        %get3A_671 = vector.shape_cast %get3A_670 : vector<1x16xf32> to vector<16xf32>
        %swap3A_672 = arith.constant 0 : i32
        %swap3A_673 = arith.index_cast %swap3A_672 : i32 to index
        %swap3A_674 = arith.index_cast %add3A_665 : i32 to index
        %swap3A_675 = arith.constant 0 : index
        %swap3A_676 = tpu.vector_load %arg8[%swap3A_673, %swap3A_674, %swap3A_675] {strides = array<i32>} : memref<4x104x128xf32, #tpu.memory_space<vmem>>, vector<1x1x16xf32>,
        %swap3A_677 = vector.shape_cast %swap3A_676 : vector<1x1x16xf32> to vector<16xf32>
        %swap3A_678 = vector.shape_cast %get3A_671 : vector<16xf32> to vector<1x1x16xf32>
        tpu.vector_store %arg8[%swap3A_673, %swap3A_674, %swap3A_675], %swap3A_678 {add = true, strides = array<i32>} : memref<4x104x128xf32, #tpu.memory_space<vmem>>, vector<1x1x16xf32>,
        %add3A_679 = arith.constant 0 : i32
        %add3A_680 = arith.addi %add3A_679, %add3A_665 : i32
        %get3A_681 = arith.index_cast %add3A_680 : i32 to index
        %get3A_682 = arith.constant 16 : index
        %get3A_683 = tpu.vector_load %arg7[%get3A_681, %get3A_682] {strides = array<i32>} : memref<200x128xf32, #tpu.memory_space<vmem>>, vector<1x16xf32>,
        %get3A_684 = vector.shape_cast %get3A_683 : vector<1x16xf32> to vector<16xf32>
        %swap3A_685 = arith.constant 0 : i32
        %swap3A_686 = arith.index_cast %swap3A_685 : i32 to index
        %swap3A_687 = arith.index_cast %add3A_665 : i32 to index
        %swap3A_688 = arith.constant 16 : index
        %swap3A_689 = tpu.vector_load %arg8[%swap3A_686, %swap3A_687, %swap3A_688] {strides = array<i32>} : memref<4x104x128xf32, #tpu.memory_space<vmem>>, vector<1x1x16xf32>,
        %swap3A_690 = vector.shape_cast %swap3A_689 : vector<1x1x16xf32> to vector<16xf32>
        %swap3A_691 = vector.shape_cast %get3A_684 : vector<16xf32> to vector<1x1x16xf32>
        tpu.vector_store %arg8[%swap3A_686, %swap3A_687, %swap3A_688], %swap3A_691 {add = true, strides = array<i32>} : memref<4x104x128xf32, #tpu.memory_space<vmem>>, vector<1x1x16xf32>,
        %add3A_692 = arith.constant 0 : i32
        %add3A_693 = arith.addi %add3A_692, %add3A_665 : i32
        %get3A_694 = arith.index_cast %add3A_693 : i32 to index
        %get3A_695 = arith.constant 32 : index
        %get3A_696 = tpu.vector_load %arg7[%get3A_694, %get3A_695] {strides = array<i32>} : memref<200x128xf32, #tpu.memory_space<vmem>>, vector<1x16xf32>,
        %get3A_697 = vector.shape_cast %get3A_696 : vector<1x16xf32> to vector<16xf32>
        %swap3A_698 = arith.constant 0 : i32
        %swap3A_699 = arith.index_cast %swap3A_698 : i32 to index
        %swap3A_700 = arith.index_cast %add3A_665 : i32 to index
        %swap3A_701 = arith.constant 32 : index
        %swap3A_702 = tpu.vector_load %arg8[%swap3A_699, %swap3A_700, %swap3A_701] {strides = array<i32>} : memref<4x104x128xf32, #tpu.memory_space<vmem>>, vector<1x1x16xf32>,
        %swap3A_703 = vector.shape_cast %swap3A_702 : vector<1x1x16xf32> to vector<16xf32>
        %swap3A_704 = vector.shape_cast %get3A_697 : vector<16xf32> to vector<1x1x16xf32>
        tpu.vector_store %arg8[%swap3A_699, %swap3A_700, %swap3A_701], %swap3A_704 {add = true, strides = array<i32>} : memref<4x104x128xf32, #tpu.memory_space<vmem>>, vector<1x1x16xf32>,
        %add3A_705 = arith.constant 0 : i32
        %add3A_706 = arith.addi %add3A_705, %add3A_665 : i32
        %get3A_707 = arith.index_cast %add3A_706 : i32 to index
        %get3A_708 = arith.constant 48 : index
        %get3A_709 = tpu.vector_load %arg7[%get3A_707, %get3A_708] {strides = array<i32>} : memref<200x128xf32, #tpu.memory_space<vmem>>, vector<1x16xf32>,
        %get3A_710 = vector.shape_cast %get3A_709 : vector<1x16xf32> to vector<16xf32>
        %swap3A_711 = arith.constant 0 : i32
        %swap3A_712 = arith.index_cast %swap3A_711 : i32 to index
        %swap3A_713 = arith.index_cast %add3A_665 : i32 to index
        %swap3A_714 = arith.constant 48 : index
        %swap3A_715 = tpu.vector_load %arg8[%swap3A_712, %swap3A_713, %swap3A_714] {strides = array<i32>} : memref<4x104x128xf32, #tpu.memory_space<vmem>>, vector<1x1x16xf32>,
        %swap3A_716 = vector.shape_cast %swap3A_715 : vector<1x1x16xf32> to vector<16xf32>
        %swap3A_717 = vector.shape_cast %get3A_710 : vector<16xf32> to vector<1x1x16xf32>
        tpu.vector_store %arg8[%swap3A_712, %swap3A_713, %swap3A_714], %swap3A_717 {add = true, strides = array<i32>} : memref<4x104x128xf32, #tpu.memory_space<vmem>>, vector<1x1x16xf32>,
        %add3A_718 = arith.constant 0 : i32
        %add3A_719 = arith.addi %add3A_718, %add3A_665 : i32
        %get3A_720 = arith.index_cast %add3A_719 : i32 to index
        %get3A_721 = arith.constant 64 : index
        %get3A_722 = tpu.vector_load %arg7[%get3A_720, %get3A_721] {strides = array<i32>} : memref<200x128xf32, #tpu.memory_space<vmem>>, vector<1x16xf32>,
        %get3A_723 = vector.shape_cast %get3A_722 : vector<1x16xf32> to vector<16xf32>
        %swap3A_724 = arith.constant 0 : i32
        %swap3A_725 = arith.index_cast %swap3A_724 : i32 to index
        %swap3A_726 = arith.index_cast %add3A_665 : i32 to index
        %swap3A_727 = arith.constant 64 : index
        %swap3A_728 = tpu.vector_load %arg8[%swap3A_725, %swap3A_726, %swap3A_727] {strides = array<i32>} : memref<4x104x128xf32, #tpu.memory_space<vmem>>, vector<1x1x16xf32>,
        %swap3A_729 = vector.shape_cast %swap3A_728 : vector<1x1x16xf32> to vector<16xf32>
        %swap3A_730 = vector.shape_cast %get3A_723 : vector<16xf32> to vector<1x1x16xf32>
        tpu.vector_store %arg8[%swap3A_725, %swap3A_726, %swap3A_727], %swap3A_730 {add = true, strides = array<i32>} : memref<4x104x128xf32, #tpu.memory_space<vmem>>, vector<1x1x16xf32>,
        %add3A_731 = arith.constant 0 : i32
        %add3A_732 = arith.addi %add3A_731, %add3A_665 : i32
        %get3A_733 = arith.index_cast %add3A_732 : i32 to index
        %get3A_734 = arith.constant 80 : index
        %get3A_735 = tpu.vector_load %arg7[%get3A_733, %get3A_734] {strides = array<i32>} : memref<200x128xf32, #tpu.memory_space<vmem>>, vector<1x16xf32>,
        %get3A_736 = vector.shape_cast %get3A_735 : vector<1x16xf32> to vector<16xf32>
        %swap3A_737 = arith.constant 0 : i32
        %swap3A_738 = arith.index_cast %swap3A_737 : i32 to index
        %swap3A_739 = arith.index_cast %add3A_665 : i32 to index
        %swap3A_740 = arith.constant 80 : index
        %swap3A_741 = tpu.vector_load %arg8[%swap3A_738, %swap3A_739, %swap3A_740] {strides = array<i32>} : memref<4x104x128xf32, #tpu.memory_space<vmem>>, vector<1x1x16xf32>,
        %swap3A_742 = vector.shape_cast %swap3A_741 : vector<1x1x16xf32> to vector<16xf32>
        %swap3A_743 = vector.shape_cast %get3A_736 : vector<16xf32> to vector<1x1x16xf32>
        tpu.vector_store %arg8[%swap3A_738, %swap3A_739, %swap3A_740], %swap3A_743 {add = true, strides = array<i32>} : memref<4x104x128xf32, #tpu.memory_space<vmem>>, vector<1x1x16xf32>,
        %add3A_744 = arith.constant 0 : i32
        %add3A_745 = arith.addi %add3A_744, %add3A_665 : i32
        %get3A_746 = arith.index_cast %add3A_745 : i32 to index
        %get3A_747 = arith.constant 96 : index
        %get3A_748 = tpu.vector_load %arg7[%get3A_746, %get3A_747] {strides = array<i32>} : memref<200x128xf32, #tpu.memory_space<vmem>>, vector<1x16xf32>,
        %get3A_749 = vector.shape_cast %get3A_748 : vector<1x16xf32> to vector<16xf32>
        %swap3A_750 = arith.constant 0 : i32
        %swap3A_751 = arith.index_cast %swap3A_750 : i32 to index
        %swap3A_752 = arith.index_cast %add3A_665 : i32 to index
        %swap3A_753 = arith.constant 96 : index
        %swap3A_754 = tpu.vector_load %arg8[%swap3A_751, %swap3A_752, %swap3A_753] {strides = array<i32>} : memref<4x104x128xf32, #tpu.memory_space<vmem>>, vector<1x1x16xf32>,
        %swap3A_755 = vector.shape_cast %swap3A_754 : vector<1x1x16xf32> to vector<16xf32>
        %swap3A_756 = vector.shape_cast %get3A_749 : vector<16xf32> to vector<1x1x16xf32>
        tpu.vector_store %arg8[%swap3A_751, %swap3A_752, %swap3A_753], %swap3A_756 {add = true, strides = array<i32>} : memref<4x104x128xf32, #tpu.memory_space<vmem>>, vector<1x1x16xf32>,
        %add3A_757 = arith.constant 0 : i32
        %add3A_758 = arith.addi %add3A_757, %add3A_665 : i32
        %get3A_759 = arith.index_cast %add3A_758 : i32 to index
        %get3A_760 = arith.constant 112 : index
        %get3A_761 = tpu.vector_load %arg7[%get3A_759, %get3A_760] {strides = array<i32>} : memref<200x128xf32, #tpu.memory_space<vmem>>, vector<1x16xf32>,
        %get3A_762 = vector.shape_cast %get3A_761 : vector<1x16xf32> to vector<16xf32>
        %swap3A_763 = arith.constant 0 : i32
        %swap3A_764 = arith.index_cast %swap3A_763 : i32 to index
        %swap3A_765 = arith.index_cast %add3A_665 : i32 to index
        %swap3A_766 = arith.constant 112 : index
        %swap3A_767 = tpu.vector_load %arg8[%swap3A_764, %swap3A_765, %swap3A_766] {strides = array<i32>} : memref<4x104x128xf32, #tpu.memory_space<vmem>>, vector<1x1x16xf32>,
        %swap3A_768 = vector.shape_cast %swap3A_767 : vector<1x1x16xf32> to vector<16xf32>
        %swap3A_769 = vector.shape_cast %get3A_762 : vector<16xf32> to vector<1x1x16xf32>
        tpu.vector_store %arg8[%swap3A_764, %swap3A_765, %swap3A_766], %swap3A_769 {add = true, strides = array<i32>} : memref<4x104x128xf32, #tpu.memory_space<vmem>>, vector<1x1x16xf32>,
      }
      %scan3A_132 = arith.constant 24 : i32
      %ge3A = arith.constant 1 : i32
      %ge3A_133 = arith.cmpi sge, %add3A_115, %ge3A : i32
      %convert_element_type3A = arith.extui %ge3A_133 : i1 to i32
      %cond3A = arith.constant 0 : i32
      %cond3A_134 = arith.cmpi ne, %convert_element_type3A, %cond3A : i32
      scf.if %cond3A_134 {
        %dma_wait3A_339 = arith.constant 3 : i32
        %dma_wait3A_340 = arith.constant 1 : i32
        %dma_wait3A_341 = arith.constant 0 : i32
        %dma_wait3A_342 = arith.constant 0 : i32
        %dma_wait3A_343 = tpu.memref_slice %arg8[%dma_wait3A_339, %dma_wait3A_341, %dma_wait3A_342] : memref<4x104x128xf32, #tpu.memory_space<vmem>> -> memref<1x104x128xf32, #tpu.memory_space<vmem>>
        %dma_wait3A_344 = tpu.memref_squeeze %dma_wait3A_343 : memref<1x104x128xf32, #tpu.memory_space<vmem>> -> memref<104x128xf32, #tpu.memory_space<vmem>>
        %dma_wait3A_345 = arith.constant 0 : i32
        %dma_wait3A_346 = arith.constant 0 : i32
        %dma_wait3A_347 = tpu.memref_slice %arg9[%arg1, %dma_wait3A_340, %dma_wait3A_345, %dma_wait3A_346] : memref<16x2x104x128xf32, #tpu.memory_space<vmem_shared>> -> memref<1x1x104x128xf32, #tpu.memory_space<vmem_shared>>
        %dma_wait3A_348 = tpu.memref_squeeze %dma_wait3A_347 : memref<1x1x104x128xf32, #tpu.memory_space<vmem_shared>> -> memref<104x128xf32, #tpu.memory_space<vmem_shared>>
        %dma_wait3A_349 = arith.constant 0 : i32
        %dma_wait3A_350 = arith.constant 0 : i32
        %dma_wait3A_351 = tpu.memref_slice %arg9[%arg1, %dma_wait3A_340, %dma_wait3A_349, %dma_wait3A_350] : memref<16x2x104x128xf32, #tpu.memory_space<vmem_shared>> -> memref<1x1x104x128xf32, #tpu.memory_space<vmem_shared>>
        %dma_wait3A_352 = tpu.memref_squeeze %dma_wait3A_351 : memref<1x1x104x128xf32, #tpu.memory_space<vmem_shared>> -> memref<104x128xf32, #tpu.memory_space<vmem_shared>>
        %dma_wait3A_353 = arith.constant 0 : i32
        %dma_wait3A_354 = arith.constant 0 : i32
        %dma_wait3A_355 = tpu.memref_slice %arg8[%dma_wait3A_339, %dma_wait3A_353, %dma_wait3A_354] : memref<4x104x128xf32, #tpu.memory_space<vmem>> -> memref<1x104x128xf32, #tpu.memory_space<vmem>>
        %dma_wait3A_356 = tpu.memref_squeeze %dma_wait3A_355 : memref<1x104x128xf32, #tpu.memory_space<vmem>> -> memref<104x128xf32, #tpu.memory_space<vmem>>
        tpu.wait_dma2 semaphore(%arg17 : memref<!tpu.dma_semaphore, #tpu.memory_space<semaphore_mem>>) src(%dma_wait3A_356 : memref<104x128xf32, #tpu.memory_space<vmem>>) dst(%dma_wait3A_352 : memref<104x128xf32, #tpu.memory_space<vmem_shared>>)
        %sub3A_357 = arith.constant 1 : i32
        %sub3A_358 = arith.subi %add3A_115, %sub3A_357 : i32
        %mul3A_359 = arith.constant 32 : i32
        %mul3A_360 = arith.muli %add3A, %mul3A_359 : i32
        %shift_right_arithmetic3A = arith.constant 1 : i32
        %shift_right_arithmetic3A_361 = arith.shrsi %sub3A_358, %shift_right_arithmetic3A : i32
        %add3A_362 = arith.addi %mul3A_360, %shift_right_arithmetic3A_361 : i32
        %dma_start3A_363 = arith.constant 1 : i32
        %dma_start3A_364 = arith.constant 96 : i32
        %dma_start3A_365 = arith.constant 0 : i32
        %dma_start3A_366 = tpu.memref_slice %arg5[%add3A_362, %dma_start3A_364, %dma_start3A_365] : memref<1024x200x128xf32, #tpu.memory_space<hbm>> -> memref<1x104x128xf32, #tpu.memory_space<hbm>>
        %dma_start3A_367 = tpu.memref_squeeze %dma_start3A_366 : memref<1x104x128xf32, #tpu.memory_space<hbm>> -> memref<104x128xf32, #tpu.memory_space<hbm>>
        %dma_start3A_368 = arith.constant 0 : i32
        %dma_start3A_369 = arith.constant 0 : i32
        %dma_start3A_370 = tpu.memref_slice %arg9[%arg1, %dma_start3A_363, %dma_start3A_368, %dma_start3A_369] : memref<16x2x104x128xf32, #tpu.memory_space<vmem_shared>> -> memref<1x1x104x128xf32, #tpu.memory_space<vmem_shared>>
        %dma_start3A_371 = tpu.memref_squeeze %dma_start3A_370 : memref<1x1x104x128xf32, #tpu.memory_space<vmem_shared>> -> memref<104x128xf32, #tpu.memory_space<vmem_shared>>
        tpu.enqueue_dma source(%dma_start3A_371 : memref<104x128xf32, #tpu.memory_space<vmem_shared>>) target(%dma_start3A_367 : memref<104x128xf32, #tpu.memory_space<hbm>>) target_semaphore(%arg19 : memref<!tpu.dma_semaphore, #tpu.memory_space<semaphore_mem>>)
      } else {
      }
      %ge3A_135 = arith.constant 2 : i32
      %ge3A_136 = arith.cmpi sge, %add3A_115, %ge3A_135 : i32
      %convert_element_type3A_137 = arith.extui %ge3A_136 : i1 to i32
      %cond3A_138 = arith.constant 0 : i32
      %cond3A_139 = arith.cmpi ne, %convert_element_type3A_137, %cond3A_138 : i32
      scf.if %cond3A_139 {
        %sub3A_339 = arith.constant 2 : i32
        %sub3A_340 = arith.subi %add3A_115, %sub3A_339 : i32
        %mul3A_341 = arith.constant 32 : i32
        %mul3A_342 = arith.muli %add3A, %mul3A_341 : i32
        %shift_right_arithmetic3A = arith.constant 1 : i32
        %shift_right_arithmetic3A_343 = arith.shrsi %sub3A_340, %shift_right_arithmetic3A : i32
        %add3A_344 = arith.addi %mul3A_342, %shift_right_arithmetic3A_343 : i32
        %dma_wait3A_345 = arith.constant 0 : i32
        %dma_wait3A_346 = arith.constant 0 : i32
        %dma_wait3A_347 = arith.constant 0 : i32
        %dma_wait3A_348 = tpu.memref_slice %arg5[%add3A_344, %dma_wait3A_346, %dma_wait3A_347] : memref<1024x200x128xf32, #tpu.memory_space<hbm>> -> memref<1x96x128xf32, #tpu.memory_space<hbm>>
        %dma_wait3A_349 = tpu.memref_squeeze %dma_wait3A_348 : memref<1x96x128xf32, #tpu.memory_space<hbm>> -> memref<96x128xf32, #tpu.memory_space<hbm>>
        %dma_wait3A_350 = arith.constant 0 : i32
        %dma_wait3A_351 = arith.constant 0 : i32
        %dma_wait3A_352 = tpu.memref_slice %arg9[%arg1, %dma_wait3A_345, %dma_wait3A_350, %dma_wait3A_351] : memref<16x2x104x128xf32, #tpu.memory_space<vmem_shared>> -> memref<1x1x96x128xf32, #tpu.memory_space<vmem_shared>>
        %dma_wait3A_353 = tpu.memref_squeeze %dma_wait3A_352 : memref<1x1x96x128xf32, #tpu.memory_space<vmem_shared>> -> memref<96x128xf32, #tpu.memory_space<vmem_shared>>
        tpu.wait_dma2 semaphore(%arg18 : memref<!tpu.dma_semaphore, #tpu.memory_space<semaphore_mem>>) src(%dma_wait3A_353 : memref<96x128xf32, #tpu.memory_space<vmem_shared>>) dst(%dma_wait3A_349 : memref<96x128xf32, #tpu.memory_space<hbm>>)
      } else {
      }
      %dma_start3A_140 = arith.constant 0 : i32
      %dma_start3A_141 = arith.constant 0 : i32
      %dma_start3A_142 = arith.constant 0 : i32
      %dma_start3A_143 = arith.constant 0 : i32
      %dma_start3A_144 = tpu.memref_slice %arg8[%dma_start3A_140, %dma_start3A_142, %dma_start3A_143] : memref<4x104x128xf32, #tpu.memory_space<vmem>> -> memref<1x96x128xf32, #tpu.memory_space<vmem>>
      %dma_start3A_145 = tpu.memref_squeeze %dma_start3A_144 : memref<1x96x128xf32, #tpu.memory_space<vmem>> -> memref<96x128xf32, #tpu.memory_space<vmem>>
      %dma_start3A_146 = arith.constant 0 : i32
      %dma_start3A_147 = arith.constant 0 : i32
      %dma_start3A_148 = tpu.memref_slice %arg9[%arg1, %dma_start3A_141, %dma_start3A_146, %dma_start3A_147] : memref<16x2x104x128xf32, #tpu.memory_space<vmem_shared>> -> memref<1x1x96x128xf32, #tpu.memory_space<vmem_shared>>
      %dma_start3A_149 = tpu.memref_squeeze %dma_start3A_148 : memref<1x1x96x128xf32, #tpu.memory_space<vmem_shared>> -> memref<96x128xf32, #tpu.memory_space<vmem_shared>>
      %dma_start3A_150 = arith.constant 0 : i32
      %dma_start3A_151 = arith.constant 0 : i32
      %dma_start3A_152 = tpu.memref_slice %arg9[%arg1, %dma_start3A_141, %dma_start3A_150, %dma_start3A_151] : memref<16x2x104x128xf32, #tpu.memory_space<vmem_shared>> -> memref<1x1x96x128xf32, #tpu.memory_space<vmem_shared>>
      %dma_start3A_153 = tpu.memref_squeeze %dma_start3A_152 : memref<1x1x96x128xf32, #tpu.memory_space<vmem_shared>> -> memref<96x128xf32, #tpu.memory_space<vmem_shared>>
      %dma_start3A_154 = arith.constant 0 : i32
      %dma_start3A_155 = arith.constant 0 : i32
      %dma_start3A_156 = tpu.memref_slice %arg8[%dma_start3A_140, %dma_start3A_154, %dma_start3A_155] : memref<4x104x128xf32, #tpu.memory_space<vmem>> -> memref<1x96x128xf32, #tpu.memory_space<vmem>>
      %dma_start3A_157 = tpu.memref_squeeze %dma_start3A_156 : memref<1x96x128xf32, #tpu.memory_space<vmem>> -> memref<96x128xf32, #tpu.memory_space<vmem>>
      tpu.enqueue_dma source(%dma_start3A_157 : memref<96x128xf32, #tpu.memory_space<vmem>>) target(%dma_start3A_153 : memref<96x128xf32, #tpu.memory_space<vmem_shared>>) target_semaphore(%arg14 : memref<!tpu.dma_semaphore, #tpu.memory_space<semaphore_mem>>)
      %add3A_158 = arith.constant 4 : i32
      %add3A_159 = arith.addi %add3A_115, %add3A_158 : i32
      %sub3A = arith.constant 1 : i32
      %sub3A_160 = arith.subi %add3A_159, %sub3A : i32
      %lt3A = arith.constant 64 : i32
      %lt3A_161 = arith.cmpi slt, %sub3A_160, %lt3A : i32
      %convert_element_type3A_162 = arith.extui %lt3A_161 : i1 to i32
      %cond3A_163 = arith.constant 0 : i32
      %cond3A_164 = arith.cmpi ne, %convert_element_type3A_162, %cond3A_163 : i32
      scf.if %cond3A_164 {
        %dma_start3A_339 = arith.constant 3 : i32
        %dma_start3A_340 = arith.constant 0 : i32
        %dma_start3A_341 = arith.constant 0 : i32
        %dma_start3A_342 = tpu.memref_slice %arg8[%dma_start3A_339, %dma_start3A_340, %dma_start3A_341] : memref<4x104x128xf32, #tpu.memory_space<vmem>> -> memref<1x104x128xf32, #tpu.memory_space<vmem>>
        %dma_start3A_343 = tpu.memref_squeeze %dma_start3A_342 : memref<1x104x128xf32, #tpu.memory_space<vmem>> -> memref<104x128xf32, #tpu.memory_space<vmem>>
        %dma_start3A_344 = arith.constant 0 : i32
        %dma_start3A_345 = tpu.memref_slice %arg6[%sub3A_160, %dma_start3A_344] : memref<64x104xi32, #tpu.memory_space<vmem>> -> memref<1x104xi32, #tpu.memory_space<vmem>>
        %dma_start3A_346 = tpu.memref_squeeze %dma_start3A_345 : memref<1x104xi32, #tpu.memory_space<vmem>> -> memref<104xi32, #tpu.memory_space<vmem>>
        %dma_start3A_347 = arith.constant 0 : i32
        %dma_start3A_348 = arith.constant 0 : i32
        %dma_start3A_349 = tpu.memref_slice %arg3[%dma_start3A_347, %dma_start3A_348] : memref<1000000x128xf32, #tpu.memory_space<hbm>> -> memref<1000000x128xf32, #tpu.memory_space<hbm>>
        tpu.enqueue_indirect_dma source(%dma_start3A_349 : memref<1000000x128xf32, #tpu.memory_space<hbm>>) target(%dma_start3A_343 : memref<104x128xf32, #tpu.memory_space<vmem>>) offsets(%dma_start3A_346 : memref<104xi32, #tpu.memory_space<vmem>>) semaphore(%arg13 : memref<!tpu.dma_semaphore, #tpu.memory_space<semaphore_mem>>)
      } else {
      }
      %mul3A_165 = arith.constant 4 : i32
      %mul3A_166 = arith.muli %scan3A_111, %mul3A_165 : i32
      %add3A_167 = arith.constant 1 : i32
      %add3A_168 = arith.addi %mul3A_166, %add3A_167 : i32
      %dma_wait3A_169 = arith.constant 1 : i32
      %dma_wait3A_170 = arith.constant 0 : i32
      %dma_wait3A_171 = arith.constant 0 : i32
      %dma_wait3A_172 = tpu.memref_slice %arg8[%dma_wait3A_169, %dma_wait3A_170, %dma_wait3A_171] : memref<4x104x128xf32, #tpu.memory_space<vmem>> -> memref<1x104x128xf32, #tpu.memory_space<vmem>>
      %dma_wait3A_173 = tpu.memref_squeeze %dma_wait3A_172 : memref<1x104x128xf32, #tpu.memory_space<vmem>> -> memref<104x128xf32, #tpu.memory_space<vmem>>
      %dma_wait3A_174 = arith.constant 0 : i32
      %dma_wait3A_175 = tpu.memref_slice %arg6[%add3A_168, %dma_wait3A_174] : memref<64x104xi32, #tpu.memory_space<vmem>> -> memref<1x104xi32, #tpu.memory_space<vmem>>
      %dma_wait3A_176 = tpu.memref_squeeze %dma_wait3A_175 : memref<1x104xi32, #tpu.memory_space<vmem>> -> memref<104xi32, #tpu.memory_space<vmem>>
      %dma_wait3A_177 = arith.constant 0 : i32
      %dma_wait3A_178 = arith.constant 0 : i32
      %dma_wait3A_179 = tpu.memref_slice %arg3[%dma_wait3A_177, %dma_wait3A_178] : memref<1000000x128xf32, #tpu.memory_space<hbm>> -> memref<1000000x128xf32, #tpu.memory_space<hbm>>
      tpu.wait_indirect_dma semaphore(%arg11 : memref<!tpu.dma_semaphore, #tpu.memory_space<semaphore_mem>>) src(%dma_wait3A_179 : memref<1000000x128xf32, #tpu.memory_space<hbm>>) dst(%dma_wait3A_173 : memref<104x128xf32, #tpu.memory_space<vmem>>)
      %scan3A_180 = arith.constant 0 : i32
      %scan3A_181 = arith.constant 0 : i32
      %scan3A_182 = arith.constant 26 : i32
      %scan3A_183 = arith.addi %scan3A_181, %scan3A_182 : i32
      %scan3A_184 = arith.constant 1 : i32
      scf.for %scan3A_339 = %scan3A_181 to %scan3A_183 step %scan3A_184  : i32 {
        %mul3A_340 = arith.constant 4 : i32
        %mul3A_341 = arith.muli %scan3A_339, %mul3A_340 : i32
        %add3A_342 = arith.constant 0 : i32
        %add3A_343 = arith.addi %mul3A_341, %add3A_342 : i32
        %add3A_344 = arith.constant 96 : i32
        %add3A_345 = arith.addi %add3A_344, %add3A_343 : i32
        %get3A = arith.index_cast %add3A_345 : i32 to index
        %get3A_346 = arith.constant 0 : index
        %get3A_347 = tpu.vector_load %arg7[%get3A, %get3A_346] {strides = array<i32>} : memref<200x128xf32, #tpu.memory_space<vmem>>, vector<1x16xf32>,
        %get3A_348 = vector.shape_cast %get3A_347 : vector<1x16xf32> to vector<16xf32>
        %swap3A = arith.constant 1 : i32
        %swap3A_349 = arith.index_cast %swap3A : i32 to index
        %swap3A_350 = arith.index_cast %add3A_343 : i32 to index
        %swap3A_351 = arith.constant 0 : index
        %swap3A_352 = tpu.vector_load %arg8[%swap3A_349, %swap3A_350, %swap3A_351] {strides = array<i32>} : memref<4x104x128xf32, #tpu.memory_space<vmem>>, vector<1x1x16xf32>,
        %swap3A_353 = vector.shape_cast %swap3A_352 : vector<1x1x16xf32> to vector<16xf32>
        %swap3A_354 = vector.shape_cast %get3A_348 : vector<16xf32> to vector<1x1x16xf32>
        tpu.vector_store %arg8[%swap3A_349, %swap3A_350, %swap3A_351], %swap3A_354 {add = true, strides = array<i32>} : memref<4x104x128xf32, #tpu.memory_space<vmem>>, vector<1x1x16xf32>,
        %add3A_355 = arith.constant 96 : i32
        %add3A_356 = arith.addi %add3A_355, %add3A_343 : i32
        %get3A_357 = arith.index_cast %add3A_356 : i32 to index
        %get3A_358 = arith.constant 16 : index
        %get3A_359 = tpu.vector_load %arg7[%get3A_357, %get3A_358] {strides = array<i32>} : memref<200x128xf32, #tpu.memory_space<vmem>>, vector<1x16xf32>,
        %get3A_360 = vector.shape_cast %get3A_359 : vector<1x16xf32> to vector<16xf32>
        %swap3A_361 = arith.constant 1 : i32
        %swap3A_362 = arith.index_cast %swap3A_361 : i32 to index
        %swap3A_363 = arith.index_cast %add3A_343 : i32 to index
        %swap3A_364 = arith.constant 16 : index
        %swap3A_365 = tpu.vector_load %arg8[%swap3A_362, %swap3A_363, %swap3A_364] {strides = array<i32>} : memref<4x104x128xf32, #tpu.memory_space<vmem>>, vector<1x1x16xf32>,
        %swap3A_366 = vector.shape_cast %swap3A_365 : vector<1x1x16xf32> to vector<16xf32>
        %swap3A_367 = vector.shape_cast %get3A_360 : vector<16xf32> to vector<1x1x16xf32>
        tpu.vector_store %arg8[%swap3A_362, %swap3A_363, %swap3A_364], %swap3A_367 {add = true, strides = array<i32>} : memref<4x104x128xf32, #tpu.memory_space<vmem>>, vector<1x1x16xf32>,
        %add3A_368 = arith.constant 96 : i32
        %add3A_369 = arith.addi %add3A_368, %add3A_343 : i32
        %get3A_370 = arith.index_cast %add3A_369 : i32 to index
        %get3A_371 = arith.constant 32 : index
        %get3A_372 = tpu.vector_load %arg7[%get3A_370, %get3A_371] {strides = array<i32>} : memref<200x128xf32, #tpu.memory_space<vmem>>, vector<1x16xf32>,
        %get3A_373 = vector.shape_cast %get3A_372 : vector<1x16xf32> to vector<16xf32>
        %swap3A_374 = arith.constant 1 : i32
        %swap3A_375 = arith.index_cast %swap3A_374 : i32 to index
        %swap3A_376 = arith.index_cast %add3A_343 : i32 to index
        %swap3A_377 = arith.constant 32 : index
        %swap3A_378 = tpu.vector_load %arg8[%swap3A_375, %swap3A_376, %swap3A_377] {strides = array<i32>} : memref<4x104x128xf32, #tpu.memory_space<vmem>>, vector<1x1x16xf32>,
        %swap3A_379 = vector.shape_cast %swap3A_378 : vector<1x1x16xf32> to vector<16xf32>
        %swap3A_380 = vector.shape_cast %get3A_373 : vector<16xf32> to vector<1x1x16xf32>
        tpu.vector_store %arg8[%swap3A_375, %swap3A_376, %swap3A_377], %swap3A_380 {add = true, strides = array<i32>} : memref<4x104x128xf32, #tpu.memory_space<vmem>>, vector<1x1x16xf32>,
        %add3A_381 = arith.constant 96 : i32
        %add3A_382 = arith.addi %add3A_381, %add3A_343 : i32
        %get3A_383 = arith.index_cast %add3A_382 : i32 to index
        %get3A_384 = arith.constant 48 : index
        %get3A_385 = tpu.vector_load %arg7[%get3A_383, %get3A_384] {strides = array<i32>} : memref<200x128xf32, #tpu.memory_space<vmem>>, vector<1x16xf32>,
        %get3A_386 = vector.shape_cast %get3A_385 : vector<1x16xf32> to vector<16xf32>
        %swap3A_387 = arith.constant 1 : i32
        %swap3A_388 = arith.index_cast %swap3A_387 : i32 to index
        %swap3A_389 = arith.index_cast %add3A_343 : i32 to index
        %swap3A_390 = arith.constant 48 : index
        %swap3A_391 = tpu.vector_load %arg8[%swap3A_388, %swap3A_389, %swap3A_390] {strides = array<i32>} : memref<4x104x128xf32, #tpu.memory_space<vmem>>, vector<1x1x16xf32>,
        %swap3A_392 = vector.shape_cast %swap3A_391 : vector<1x1x16xf32> to vector<16xf32>
        %swap3A_393 = vector.shape_cast %get3A_386 : vector<16xf32> to vector<1x1x16xf32>
        tpu.vector_store %arg8[%swap3A_388, %swap3A_389, %swap3A_390], %swap3A_393 {add = true, strides = array<i32>} : memref<4x104x128xf32, #tpu.memory_space<vmem>>, vector<1x1x16xf32>,
        %add3A_394 = arith.constant 96 : i32
        %add3A_395 = arith.addi %add3A_394, %add3A_343 : i32
        %get3A_396 = arith.index_cast %add3A_395 : i32 to index
        %get3A_397 = arith.constant 64 : index
        %get3A_398 = tpu.vector_load %arg7[%get3A_396, %get3A_397] {strides = array<i32>} : memref<200x128xf32, #tpu.memory_space<vmem>>, vector<1x16xf32>,
        %get3A_399 = vector.shape_cast %get3A_398 : vector<1x16xf32> to vector<16xf32>
        %swap3A_400 = arith.constant 1 : i32
        %swap3A_401 = arith.index_cast %swap3A_400 : i32 to index
        %swap3A_402 = arith.index_cast %add3A_343 : i32 to index
        %swap3A_403 = arith.constant 64 : index
        %swap3A_404 = tpu.vector_load %arg8[%swap3A_401, %swap3A_402, %swap3A_403] {strides = array<i32>} : memref<4x104x128xf32, #tpu.memory_space<vmem>>, vector<1x1x16xf32>,
        %swap3A_405 = vector.shape_cast %swap3A_404 : vector<1x1x16xf32> to vector<16xf32>
        %swap3A_406 = vector.shape_cast %get3A_399 : vector<16xf32> to vector<1x1x16xf32>
        tpu.vector_store %arg8[%swap3A_401, %swap3A_402, %swap3A_403], %swap3A_406 {add = true, strides = array<i32>} : memref<4x104x128xf32, #tpu.memory_space<vmem>>, vector<1x1x16xf32>,
        %add3A_407 = arith.constant 96 : i32
        %add3A_408 = arith.addi %add3A_407, %add3A_343 : i32
        %get3A_409 = arith.index_cast %add3A_408 : i32 to index
        %get3A_410 = arith.constant 80 : index
        %get3A_411 = tpu.vector_load %arg7[%get3A_409, %get3A_410] {strides = array<i32>} : memref<200x128xf32, #tpu.memory_space<vmem>>, vector<1x16xf32>,
        %get3A_412 = vector.shape_cast %get3A_411 : vector<1x16xf32> to vector<16xf32>
        %swap3A_413 = arith.constant 1 : i32
        %swap3A_414 = arith.index_cast %swap3A_413 : i32 to index
        %swap3A_415 = arith.index_cast %add3A_343 : i32 to index
        %swap3A_416 = arith.constant 80 : index
        %swap3A_417 = tpu.vector_load %arg8[%swap3A_414, %swap3A_415, %swap3A_416] {strides = array<i32>} : memref<4x104x128xf32, #tpu.memory_space<vmem>>, vector<1x1x16xf32>,
        %swap3A_418 = vector.shape_cast %swap3A_417 : vector<1x1x16xf32> to vector<16xf32>
        %swap3A_419 = vector.shape_cast %get3A_412 : vector<16xf32> to vector<1x1x16xf32>
        tpu.vector_store %arg8[%swap3A_414, %swap3A_415, %swap3A_416], %swap3A_419 {add = true, strides = array<i32>} : memref<4x104x128xf32, #tpu.memory_space<vmem>>, vector<1x1x16xf32>,
        %add3A_420 = arith.constant 96 : i32
        %add3A_421 = arith.addi %add3A_420, %add3A_343 : i32
        %get3A_422 = arith.index_cast %add3A_421 : i32 to index
        %get3A_423 = arith.constant 96 : index
        %get3A_424 = tpu.vector_load %arg7[%get3A_422, %get3A_423] {strides = array<i32>} : memref<200x128xf32, #tpu.memory_space<vmem>>, vector<1x16xf32>,
        %get3A_425 = vector.shape_cast %get3A_424 : vector<1x16xf32> to vector<16xf32>
        %swap3A_426 = arith.constant 1 : i32
        %swap3A_427 = arith.index_cast %swap3A_426 : i32 to index
        %swap3A_428 = arith.index_cast %add3A_343 : i32 to index
        %swap3A_429 = arith.constant 96 : index
        %swap3A_430 = tpu.vector_load %arg8[%swap3A_427, %swap3A_428, %swap3A_429] {strides = array<i32>} : memref<4x104x128xf32, #tpu.memory_space<vmem>>, vector<1x1x16xf32>,
        %swap3A_431 = vector.shape_cast %swap3A_430 : vector<1x1x16xf32> to vector<16xf32>
        %swap3A_432 = vector.shape_cast %get3A_425 : vector<16xf32> to vector<1x1x16xf32>
        tpu.vector_store %arg8[%swap3A_427, %swap3A_428, %swap3A_429], %swap3A_432 {add = true, strides = array<i32>} : memref<4x104x128xf32, #tpu.memory_space<vmem>>, vector<1x1x16xf32>,
        %add3A_433 = arith.constant 96 : i32
        %add3A_434 = arith.addi %add3A_433, %add3A_343 : i32
        %get3A_435 = arith.index_cast %add3A_434 : i32 to index
        %get3A_436 = arith.constant 112 : index
        %get3A_437 = tpu.vector_load %arg7[%get3A_435, %get3A_436] {strides = array<i32>} : memref<200x128xf32, #tpu.memory_space<vmem>>, vector<1x16xf32>,
        %get3A_438 = vector.shape_cast %get3A_437 : vector<1x16xf32> to vector<16xf32>
        %swap3A_439 = arith.constant 1 : i32
        %swap3A_440 = arith.index_cast %swap3A_439 : i32 to index
        %swap3A_441 = arith.index_cast %add3A_343 : i32 to index
        %swap3A_442 = arith.constant 112 : index
        %swap3A_443 = tpu.vector_load %arg8[%swap3A_440, %swap3A_441, %swap3A_442] {strides = array<i32>} : memref<4x104x128xf32, #tpu.memory_space<vmem>>, vector<1x1x16xf32>,
        %swap3A_444 = vector.shape_cast %swap3A_443 : vector<1x1x16xf32> to vector<16xf32>
        %swap3A_445 = vector.shape_cast %get3A_438 : vector<16xf32> to vector<1x1x16xf32>
        tpu.vector_store %arg8[%swap3A_440, %swap3A_441, %swap3A_442], %swap3A_445 {add = true, strides = array<i32>} : memref<4x104x128xf32, #tpu.memory_space<vmem>>, vector<1x1x16xf32>,
        %mul3A_446 = arith.constant 4 : i32
        %mul3A_447 = arith.muli %scan3A_339, %mul3A_446 : i32
        %add3A_448 = arith.constant 1 : i32
        %add3A_449 = arith.addi %mul3A_447, %add3A_448 : i32
        %add3A_450 = arith.constant 96 : i32
        %add3A_451 = arith.addi %add3A_450, %add3A_449 : i32
        %get3A_452 = arith.index_cast %add3A_451 : i32 to index
        %get3A_453 = arith.constant 0 : index
        %get3A_454 = tpu.vector_load %arg7[%get3A_452, %get3A_453] {strides = array<i32>} : memref<200x128xf32, #tpu.memory_space<vmem>>, vector<1x16xf32>,
        %get3A_455 = vector.shape_cast %get3A_454 : vector<1x16xf32> to vector<16xf32>
        %swap3A_456 = arith.constant 1 : i32
        %swap3A_457 = arith.index_cast %swap3A_456 : i32 to index
        %swap3A_458 = arith.index_cast %add3A_449 : i32 to index
        %swap3A_459 = arith.constant 0 : index
        %swap3A_460 = tpu.vector_load %arg8[%swap3A_457, %swap3A_458, %swap3A_459] {strides = array<i32>} : memref<4x104x128xf32, #tpu.memory_space<vmem>>, vector<1x1x16xf32>,
        %swap3A_461 = vector.shape_cast %swap3A_460 : vector<1x1x16xf32> to vector<16xf32>
        %swap3A_462 = vector.shape_cast %get3A_455 : vector<16xf32> to vector<1x1x16xf32>
        tpu.vector_store %arg8[%swap3A_457, %swap3A_458, %swap3A_459], %swap3A_462 {add = true, strides = array<i32>} : memref<4x104x128xf32, #tpu.memory_space<vmem>>, vector<1x1x16xf32>,
        %add3A_463 = arith.constant 96 : i32
        %add3A_464 = arith.addi %add3A_463, %add3A_449 : i32
        %get3A_465 = arith.index_cast %add3A_464 : i32 to index
        %get3A_466 = arith.constant 16 : index
        %get3A_467 = tpu.vector_load %arg7[%get3A_465, %get3A_466] {strides = array<i32>} : memref<200x128xf32, #tpu.memory_space<vmem>>, vector<1x16xf32>,
        %get3A_468 = vector.shape_cast %get3A_467 : vector<1x16xf32> to vector<16xf32>
        %swap3A_469 = arith.constant 1 : i32
        %swap3A_470 = arith.index_cast %swap3A_469 : i32 to index
        %swap3A_471 = arith.index_cast %add3A_449 : i32 to index
        %swap3A_472 = arith.constant 16 : index
        %swap3A_473 = tpu.vector_load %arg8[%swap3A_470, %swap3A_471, %swap3A_472] {strides = array<i32>} : memref<4x104x128xf32, #tpu.memory_space<vmem>>, vector<1x1x16xf32>,
        %swap3A_474 = vector.shape_cast %swap3A_473 : vector<1x1x16xf32> to vector<16xf32>
        %swap3A_475 = vector.shape_cast %get3A_468 : vector<16xf32> to vector<1x1x16xf32>
        tpu.vector_store %arg8[%swap3A_470, %swap3A_471, %swap3A_472], %swap3A_475 {add = true, strides = array<i32>} : memref<4x104x128xf32, #tpu.memory_space<vmem>>, vector<1x1x16xf32>,
        %add3A_476 = arith.constant 96 : i32
        %add3A_477 = arith.addi %add3A_476, %add3A_449 : i32
        %get3A_478 = arith.index_cast %add3A_477 : i32 to index
        %get3A_479 = arith.constant 32 : index
        %get3A_480 = tpu.vector_load %arg7[%get3A_478, %get3A_479] {strides = array<i32>} : memref<200x128xf32, #tpu.memory_space<vmem>>, vector<1x16xf32>,
        %get3A_481 = vector.shape_cast %get3A_480 : vector<1x16xf32> to vector<16xf32>
        %swap3A_482 = arith.constant 1 : i32
        %swap3A_483 = arith.index_cast %swap3A_482 : i32 to index
        %swap3A_484 = arith.index_cast %add3A_449 : i32 to index
        %swap3A_485 = arith.constant 32 : index
        %swap3A_486 = tpu.vector_load %arg8[%swap3A_483, %swap3A_484, %swap3A_485] {strides = array<i32>} : memref<4x104x128xf32, #tpu.memory_space<vmem>>, vector<1x1x16xf32>,
        %swap3A_487 = vector.shape_cast %swap3A_486 : vector<1x1x16xf32> to vector<16xf32>
        %swap3A_488 = vector.shape_cast %get3A_481 : vector<16xf32> to vector<1x1x16xf32>
        tpu.vector_store %arg8[%swap3A_483, %swap3A_484, %swap3A_485], %swap3A_488 {add = true, strides = array<i32>} : memref<4x104x128xf32, #tpu.memory_space<vmem>>, vector<1x1x16xf32>,
        %add3A_489 = arith.constant 96 : i32
        %add3A_490 = arith.addi %add3A_489, %add3A_449 : i32
        %get3A_491 = arith.index_cast %add3A_490 : i32 to index
        %get3A_492 = arith.constant 48 : index
        %get3A_493 = tpu.vector_load %arg7[%get3A_491, %get3A_492] {strides = array<i32>} : memref<200x128xf32, #tpu.memory_space<vmem>>, vector<1x16xf32>,
        %get3A_494 = vector.shape_cast %get3A_493 : vector<1x16xf32> to vector<16xf32>
        %swap3A_495 = arith.constant 1 : i32
        %swap3A_496 = arith.index_cast %swap3A_495 : i32 to index
        %swap3A_497 = arith.index_cast %add3A_449 : i32 to index
        %swap3A_498 = arith.constant 48 : index
        %swap3A_499 = tpu.vector_load %arg8[%swap3A_496, %swap3A_497, %swap3A_498] {strides = array<i32>} : memref<4x104x128xf32, #tpu.memory_space<vmem>>, vector<1x1x16xf32>,
        %swap3A_500 = vector.shape_cast %swap3A_499 : vector<1x1x16xf32> to vector<16xf32>
        %swap3A_501 = vector.shape_cast %get3A_494 : vector<16xf32> to vector<1x1x16xf32>
        tpu.vector_store %arg8[%swap3A_496, %swap3A_497, %swap3A_498], %swap3A_501 {add = true, strides = array<i32>} : memref<4x104x128xf32, #tpu.memory_space<vmem>>, vector<1x1x16xf32>,
        %add3A_502 = arith.constant 96 : i32
        %add3A_503 = arith.addi %add3A_502, %add3A_449 : i32
        %get3A_504 = arith.index_cast %add3A_503 : i32 to index
        %get3A_505 = arith.constant 64 : index
        %get3A_506 = tpu.vector_load %arg7[%get3A_504, %get3A_505] {strides = array<i32>} : memref<200x128xf32, #tpu.memory_space<vmem>>, vector<1x16xf32>,
        %get3A_507 = vector.shape_cast %get3A_506 : vector<1x16xf32> to vector<16xf32>
        %swap3A_508 = arith.constant 1 : i32
        %swap3A_509 = arith.index_cast %swap3A_508 : i32 to index
        %swap3A_510 = arith.index_cast %add3A_449 : i32 to index
        %swap3A_511 = arith.constant 64 : index
        %swap3A_512 = tpu.vector_load %arg8[%swap3A_509, %swap3A_510, %swap3A_511] {strides = array<i32>} : memref<4x104x128xf32, #tpu.memory_space<vmem>>, vector<1x1x16xf32>,
        %swap3A_513 = vector.shape_cast %swap3A_512 : vector<1x1x16xf32> to vector<16xf32>
        %swap3A_514 = vector.shape_cast %get3A_507 : vector<16xf32> to vector<1x1x16xf32>
        tpu.vector_store %arg8[%swap3A_509, %swap3A_510, %swap3A_511], %swap3A_514 {add = true, strides = array<i32>} : memref<4x104x128xf32, #tpu.memory_space<vmem>>, vector<1x1x16xf32>,
        %add3A_515 = arith.constant 96 : i32
        %add3A_516 = arith.addi %add3A_515, %add3A_449 : i32
        %get3A_517 = arith.index_cast %add3A_516 : i32 to index
        %get3A_518 = arith.constant 80 : index
        %get3A_519 = tpu.vector_load %arg7[%get3A_517, %get3A_518] {strides = array<i32>} : memref<200x128xf32, #tpu.memory_space<vmem>>, vector<1x16xf32>,
        %get3A_520 = vector.shape_cast %get3A_519 : vector<1x16xf32> to vector<16xf32>
        %swap3A_521 = arith.constant 1 : i32
        %swap3A_522 = arith.index_cast %swap3A_521 : i32 to index
        %swap3A_523 = arith.index_cast %add3A_449 : i32 to index
        %swap3A_524 = arith.constant 80 : index
        %swap3A_525 = tpu.vector_load %arg8[%swap3A_522, %swap3A_523, %swap3A_524] {strides = array<i32>} : memref<4x104x128xf32, #tpu.memory_space<vmem>>, vector<1x1x16xf32>,
        %swap3A_526 = vector.shape_cast %swap3A_525 : vector<1x1x16xf32> to vector<16xf32>
        %swap3A_527 = vector.shape_cast %get3A_520 : vector<16xf32> to vector<1x1x16xf32>
        tpu.vector_store %arg8[%swap3A_522, %swap3A_523, %swap3A_524], %swap3A_527 {add = true, strides = array<i32>} : memref<4x104x128xf32, #tpu.memory_space<vmem>>, vector<1x1x16xf32>,
        %add3A_528 = arith.constant 96 : i32
        %add3A_529 = arith.addi %add3A_528, %add3A_449 : i32
        %get3A_530 = arith.index_cast %add3A_529 : i32 to index
        %get3A_531 = arith.constant 96 : index
        %get3A_532 = tpu.vector_load %arg7[%get3A_530, %get3A_531] {strides = array<i32>} : memref<200x128xf32, #tpu.memory_space<vmem>>, vector<1x16xf32>,
        %get3A_533 = vector.shape_cast %get3A_532 : vector<1x16xf32> to vector<16xf32>
        %swap3A_534 = arith.constant 1 : i32
        %swap3A_535 = arith.index_cast %swap3A_534 : i32 to index
        %swap3A_536 = arith.index_cast %add3A_449 : i32 to index
        %swap3A_537 = arith.constant 96 : index
        %swap3A_538 = tpu.vector_load %arg8[%swap3A_535, %swap3A_536, %swap3A_537] {strides = array<i32>} : memref<4x104x128xf32, #tpu.memory_space<vmem>>, vector<1x1x16xf32>,
        %swap3A_539 = vector.shape_cast %swap3A_538 : vector<1x1x16xf32> to vector<16xf32>
        %swap3A_540 = vector.shape_cast %get3A_533 : vector<16xf32> to vector<1x1x16xf32>
        tpu.vector_store %arg8[%swap3A_535, %swap3A_536, %swap3A_537], %swap3A_540 {add = true, strides = array<i32>} : memref<4x104x128xf32, #tpu.memory_space<vmem>>, vector<1x1x16xf32>,
        %add3A_541 = arith.constant 96 : i32
        %add3A_542 = arith.addi %add3A_541, %add3A_449 : i32
        %get3A_543 = arith.index_cast %add3A_542 : i32 to index
        %get3A_544 = arith.constant 112 : index
        %get3A_545 = tpu.vector_load %arg7[%get3A_543, %get3A_544] {strides = array<i32>} : memref<200x128xf32, #tpu.memory_space<vmem>>, vector<1x16xf32>,
        %get3A_546 = vector.shape_cast %get3A_545 : vector<1x16xf32> to vector<16xf32>
        %swap3A_547 = arith.constant 1 : i32
        %swap3A_548 = arith.index_cast %swap3A_547 : i32 to index
        %swap3A_549 = arith.index_cast %add3A_449 : i32 to index
        %swap3A_550 = arith.constant 112 : index
        %swap3A_551 = tpu.vector_load %arg8[%swap3A_548, %swap3A_549, %swap3A_550] {strides = array<i32>} : memref<4x104x128xf32, #tpu.memory_space<vmem>>, vector<1x1x16xf32>,
        %swap3A_552 = vector.shape_cast %swap3A_551 : vector<1x1x16xf32> to vector<16xf32>
        %swap3A_553 = vector.shape_cast %get3A_546 : vector<16xf32> to vector<1x1x16xf32>
        tpu.vector_store %arg8[%swap3A_548, %swap3A_549, %swap3A_550], %swap3A_553 {add = true, strides = array<i32>} : memref<4x104x128xf32, #tpu.memory_space<vmem>>, vector<1x1x16xf32>,
        %mul3A_554 = arith.constant 4 : i32
        %mul3A_555 = arith.muli %scan3A_339, %mul3A_554 : i32
        %add3A_556 = arith.constant 2 : i32
        %add3A_557 = arith.addi %mul3A_555, %add3A_556 : i32
        %add3A_558 = arith.constant 96 : i32
        %add3A_559 = arith.addi %add3A_558, %add3A_557 : i32
        %get3A_560 = arith.index_cast %add3A_559 : i32 to index
        %get3A_561 = arith.constant 0 : index
        %get3A_562 = tpu.vector_load %arg7[%get3A_560, %get3A_561] {strides = array<i32>} : memref<200x128xf32, #tpu.memory_space<vmem>>, vector<1x16xf32>,
        %get3A_563 = vector.shape_cast %get3A_562 : vector<1x16xf32> to vector<16xf32>
        %swap3A_564 = arith.constant 1 : i32
        %swap3A_565 = arith.index_cast %swap3A_564 : i32 to index
        %swap3A_566 = arith.index_cast %add3A_557 : i32 to index
        %swap3A_567 = arith.constant 0 : index
        %swap3A_568 = tpu.vector_load %arg8[%swap3A_565, %swap3A_566, %swap3A_567] {strides = array<i32>} : memref<4x104x128xf32, #tpu.memory_space<vmem>>, vector<1x1x16xf32>,
        %swap3A_569 = vector.shape_cast %swap3A_568 : vector<1x1x16xf32> to vector<16xf32>
        %swap3A_570 = vector.shape_cast %get3A_563 : vector<16xf32> to vector<1x1x16xf32>
        tpu.vector_store %arg8[%swap3A_565, %swap3A_566, %swap3A_567], %swap3A_570 {add = true, strides = array<i32>} : memref<4x104x128xf32, #tpu.memory_space<vmem>>, vector<1x1x16xf32>,
        %add3A_571 = arith.constant 96 : i32
        %add3A_572 = arith.addi %add3A_571, %add3A_557 : i32
        %get3A_573 = arith.index_cast %add3A_572 : i32 to index
        %get3A_574 = arith.constant 16 : index
        %get3A_575 = tpu.vector_load %arg7[%get3A_573, %get3A_574] {strides = array<i32>} : memref<200x128xf32, #tpu.memory_space<vmem>>, vector<1x16xf32>,
        %get3A_576 = vector.shape_cast %get3A_575 : vector<1x16xf32> to vector<16xf32>
        %swap3A_577 = arith.constant 1 : i32
        %swap3A_578 = arith.index_cast %swap3A_577 : i32 to index
        %swap3A_579 = arith.index_cast %add3A_557 : i32 to index
        %swap3A_580 = arith.constant 16 : index
        %swap3A_581 = tpu.vector_load %arg8[%swap3A_578, %swap3A_579, %swap3A_580] {strides = array<i32>} : memref<4x104x128xf32, #tpu.memory_space<vmem>>, vector<1x1x16xf32>,
        %swap3A_582 = vector.shape_cast %swap3A_581 : vector<1x1x16xf32> to vector<16xf32>
        %swap3A_583 = vector.shape_cast %get3A_576 : vector<16xf32> to vector<1x1x16xf32>
        tpu.vector_store %arg8[%swap3A_578, %swap3A_579, %swap3A_580], %swap3A_583 {add = true, strides = array<i32>} : memref<4x104x128xf32, #tpu.memory_space<vmem>>, vector<1x1x16xf32>,
        %add3A_584 = arith.constant 96 : i32
        %add3A_585 = arith.addi %add3A_584, %add3A_557 : i32
        %get3A_586 = arith.index_cast %add3A_585 : i32 to index
        %get3A_587 = arith.constant 32 : index
        %get3A_588 = tpu.vector_load %arg7[%get3A_586, %get3A_587] {strides = array<i32>} : memref<200x128xf32, #tpu.memory_space<vmem>>, vector<1x16xf32>,
        %get3A_589 = vector.shape_cast %get3A_588 : vector<1x16xf32> to vector<16xf32>
        %swap3A_590 = arith.constant 1 : i32
        %swap3A_591 = arith.index_cast %swap3A_590 : i32 to index
        %swap3A_592 = arith.index_cast %add3A_557 : i32 to index
        %swap3A_593 = arith.constant 32 : index
        %swap3A_594 = tpu.vector_load %arg8[%swap3A_591, %swap3A_592, %swap3A_593] {strides = array<i32>} : memref<4x104x128xf32, #tpu.memory_space<vmem>>, vector<1x1x16xf32>,
        %swap3A_595 = vector.shape_cast %swap3A_594 : vector<1x1x16xf32> to vector<16xf32>
        %swap3A_596 = vector.shape_cast %get3A_589 : vector<16xf32> to vector<1x1x16xf32>
        tpu.vector_store %arg8[%swap3A_591, %swap3A_592, %swap3A_593], %swap3A_596 {add = true, strides = array<i32>} : memref<4x104x128xf32, #tpu.memory_space<vmem>>, vector<1x1x16xf32>,
        %add3A_597 = arith.constant 96 : i32
        %add3A_598 = arith.addi %add3A_597, %add3A_557 : i32
        %get3A_599 = arith.index_cast %add3A_598 : i32 to index
        %get3A_600 = arith.constant 48 : index
        %get3A_601 = tpu.vector_load %arg7[%get3A_599, %get3A_600] {strides = array<i32>} : memref<200x128xf32, #tpu.memory_space<vmem>>, vector<1x16xf32>,
        %get3A_602 = vector.shape_cast %get3A_601 : vector<1x16xf32> to vector<16xf32>
        %swap3A_603 = arith.constant 1 : i32
        %swap3A_604 = arith.index_cast %swap3A_603 : i32 to index
        %swap3A_605 = arith.index_cast %add3A_557 : i32 to index
        %swap3A_606 = arith.constant 48 : index
        %swap3A_607 = tpu.vector_load %arg8[%swap3A_604, %swap3A_605, %swap3A_606] {strides = array<i32>} : memref<4x104x128xf32, #tpu.memory_space<vmem>>, vector<1x1x16xf32>,
        %swap3A_608 = vector.shape_cast %swap3A_607 : vector<1x1x16xf32> to vector<16xf32>
        %swap3A_609 = vector.shape_cast %get3A_602 : vector<16xf32> to vector<1x1x16xf32>
        tpu.vector_store %arg8[%swap3A_604, %swap3A_605, %swap3A_606], %swap3A_609 {add = true, strides = array<i32>} : memref<4x104x128xf32, #tpu.memory_space<vmem>>, vector<1x1x16xf32>,
        %add3A_610 = arith.constant 96 : i32
        %add3A_611 = arith.addi %add3A_610, %add3A_557 : i32
        %get3A_612 = arith.index_cast %add3A_611 : i32 to index
        %get3A_613 = arith.constant 64 : index
        %get3A_614 = tpu.vector_load %arg7[%get3A_612, %get3A_613] {strides = array<i32>} : memref<200x128xf32, #tpu.memory_space<vmem>>, vector<1x16xf32>,
        %get3A_615 = vector.shape_cast %get3A_614 : vector<1x16xf32> to vector<16xf32>
        %swap3A_616 = arith.constant 1 : i32
        %swap3A_617 = arith.index_cast %swap3A_616 : i32 to index
        %swap3A_618 = arith.index_cast %add3A_557 : i32 to index
        %swap3A_619 = arith.constant 64 : index
        %swap3A_620 = tpu.vector_load %arg8[%swap3A_617, %swap3A_618, %swap3A_619] {strides = array<i32>} : memref<4x104x128xf32, #tpu.memory_space<vmem>>, vector<1x1x16xf32>,
        %swap3A_621 = vector.shape_cast %swap3A_620 : vector<1x1x16xf32> to vector<16xf32>
        %swap3A_622 = vector.shape_cast %get3A_615 : vector<16xf32> to vector<1x1x16xf32>
        tpu.vector_store %arg8[%swap3A_617, %swap3A_618, %swap3A_619], %swap3A_622 {add = true, strides = array<i32>} : memref<4x104x128xf32, #tpu.memory_space<vmem>>, vector<1x1x16xf32>,
        %add3A_623 = arith.constant 96 : i32
        %add3A_624 = arith.addi %add3A_623, %add3A_557 : i32
        %get3A_625 = arith.index_cast %add3A_624 : i32 to index
        %get3A_626 = arith.constant 80 : index
        %get3A_627 = tpu.vector_load %arg7[%get3A_625, %get3A_626] {strides = array<i32>} : memref<200x128xf32, #tpu.memory_space<vmem>>, vector<1x16xf32>,
        %get3A_628 = vector.shape_cast %get3A_627 : vector<1x16xf32> to vector<16xf32>
        %swap3A_629 = arith.constant 1 : i32
        %swap3A_630 = arith.index_cast %swap3A_629 : i32 to index
        %swap3A_631 = arith.index_cast %add3A_557 : i32 to index
        %swap3A_632 = arith.constant 80 : index
        %swap3A_633 = tpu.vector_load %arg8[%swap3A_630, %swap3A_631, %swap3A_632] {strides = array<i32>} : memref<4x104x128xf32, #tpu.memory_space<vmem>>, vector<1x1x16xf32>,
        %swap3A_634 = vector.shape_cast %swap3A_633 : vector<1x1x16xf32> to vector<16xf32>
        %swap3A_635 = vector.shape_cast %get3A_628 : vector<16xf32> to vector<1x1x16xf32>
        tpu.vector_store %arg8[%swap3A_630, %swap3A_631, %swap3A_632], %swap3A_635 {add = true, strides = array<i32>} : memref<4x104x128xf32, #tpu.memory_space<vmem>>, vector<1x1x16xf32>,
        %add3A_636 = arith.constant 96 : i32
        %add3A_637 = arith.addi %add3A_636, %add3A_557 : i32
        %get3A_638 = arith.index_cast %add3A_637 : i32 to index
        %get3A_639 = arith.constant 96 : index
        %get3A_640 = tpu.vector_load %arg7[%get3A_638, %get3A_639] {strides = array<i32>} : memref<200x128xf32, #tpu.memory_space<vmem>>, vector<1x16xf32>,
        %get3A_641 = vector.shape_cast %get3A_640 : vector<1x16xf32> to vector<16xf32>
        %swap3A_642 = arith.constant 1 : i32
        %swap3A_643 = arith.index_cast %swap3A_642 : i32 to index
        %swap3A_644 = arith.index_cast %add3A_557 : i32 to index
        %swap3A_645 = arith.constant 96 : index
        %swap3A_646 = tpu.vector_load %arg8[%swap3A_643, %swap3A_644, %swap3A_645] {strides = array<i32>} : memref<4x104x128xf32, #tpu.memory_space<vmem>>, vector<1x1x16xf32>,
        %swap3A_647 = vector.shape_cast %swap3A_646 : vector<1x1x16xf32> to vector<16xf32>
        %swap3A_648 = vector.shape_cast %get3A_641 : vector<16xf32> to vector<1x1x16xf32>
        tpu.vector_store %arg8[%swap3A_643, %swap3A_644, %swap3A_645], %swap3A_648 {add = true, strides = array<i32>} : memref<4x104x128xf32, #tpu.memory_space<vmem>>, vector<1x1x16xf32>,
        %add3A_649 = arith.constant 96 : i32
        %add3A_650 = arith.addi %add3A_649, %add3A_557 : i32
        %get3A_651 = arith.index_cast %add3A_650 : i32 to index
        %get3A_652 = arith.constant 112 : index
        %get3A_653 = tpu.vector_load %arg7[%get3A_651, %get3A_652] {strides = array<i32>} : memref<200x128xf32, #tpu.memory_space<vmem>>, vector<1x16xf32>,
        %get3A_654 = vector.shape_cast %get3A_653 : vector<1x16xf32> to vector<16xf32>
        %swap3A_655 = arith.constant 1 : i32
        %swap3A_656 = arith.index_cast %swap3A_655 : i32 to index
        %swap3A_657 = arith.index_cast %add3A_557 : i32 to index
        %swap3A_658 = arith.constant 112 : index
        %swap3A_659 = tpu.vector_load %arg8[%swap3A_656, %swap3A_657, %swap3A_658] {strides = array<i32>} : memref<4x104x128xf32, #tpu.memory_space<vmem>>, vector<1x1x16xf32>,
        %swap3A_660 = vector.shape_cast %swap3A_659 : vector<1x1x16xf32> to vector<16xf32>
        %swap3A_661 = vector.shape_cast %get3A_654 : vector<16xf32> to vector<1x1x16xf32>
        tpu.vector_store %arg8[%swap3A_656, %swap3A_657, %swap3A_658], %swap3A_661 {add = true, strides = array<i32>} : memref<4x104x128xf32, #tpu.memory_space<vmem>>, vector<1x1x16xf32>,
        %mul3A_662 = arith.constant 4 : i32
        %mul3A_663 = arith.muli %scan3A_339, %mul3A_662 : i32
        %add3A_664 = arith.constant 3 : i32
        %add3A_665 = arith.addi %mul3A_663, %add3A_664 : i32
        %add3A_666 = arith.constant 96 : i32
        %add3A_667 = arith.addi %add3A_666, %add3A_665 : i32
        %get3A_668 = arith.index_cast %add3A_667 : i32 to index
        %get3A_669 = arith.constant 0 : index
        %get3A_670 = tpu.vector_load %arg7[%get3A_668, %get3A_669] {strides = array<i32>} : memref<200x128xf32, #tpu.memory_space<vmem>>, vector<1x16xf32>,
        %get3A_671 = vector.shape_cast %get3A_670 : vector<1x16xf32> to vector<16xf32>
        %swap3A_672 = arith.constant 1 : i32
        %swap3A_673 = arith.index_cast %swap3A_672 : i32 to index
        %swap3A_674 = arith.index_cast %add3A_665 : i32 to index
        %swap3A_675 = arith.constant 0 : index
        %swap3A_676 = tpu.vector_load %arg8[%swap3A_673, %swap3A_674, %swap3A_675] {strides = array<i32>} : memref<4x104x128xf32, #tpu.memory_space<vmem>>, vector<1x1x16xf32>,
        %swap3A_677 = vector.shape_cast %swap3A_676 : vector<1x1x16xf32> to vector<16xf32>
        %swap3A_678 = vector.shape_cast %get3A_671 : vector<16xf32> to vector<1x1x16xf32>
        tpu.vector_store %arg8[%swap3A_673, %swap3A_674, %swap3A_675], %swap3A_678 {add = true, strides = array<i32>} : memref<4x104x128xf32, #tpu.memory_space<vmem>>, vector<1x1x16xf32>,
        %add3A_679 = arith.constant 96 : i32
        %add3A_680 = arith.addi %add3A_679, %add3A_665 : i32
        %get3A_681 = arith.index_cast %add3A_680 : i32 to index
        %get3A_682 = arith.constant 16 : index
        %get3A_683 = tpu.vector_load %arg7[%get3A_681, %get3A_682] {strides = array<i32>} : memref<200x128xf32, #tpu.memory_space<vmem>>, vector<1x16xf32>,
        %get3A_684 = vector.shape_cast %get3A_683 : vector<1x16xf32> to vector<16xf32>
        %swap3A_685 = arith.constant 1 : i32
        %swap3A_686 = arith.index_cast %swap3A_685 : i32 to index
        %swap3A_687 = arith.index_cast %add3A_665 : i32 to index
        %swap3A_688 = arith.constant 16 : index
        %swap3A_689 = tpu.vector_load %arg8[%swap3A_686, %swap3A_687, %swap3A_688] {strides = array<i32>} : memref<4x104x128xf32, #tpu.memory_space<vmem>>, vector<1x1x16xf32>,
        %swap3A_690 = vector.shape_cast %swap3A_689 : vector<1x1x16xf32> to vector<16xf32>
        %swap3A_691 = vector.shape_cast %get3A_684 : vector<16xf32> to vector<1x1x16xf32>
        tpu.vector_store %arg8[%swap3A_686, %swap3A_687, %swap3A_688], %swap3A_691 {add = true, strides = array<i32>} : memref<4x104x128xf32, #tpu.memory_space<vmem>>, vector<1x1x16xf32>,
        %add3A_692 = arith.constant 96 : i32
        %add3A_693 = arith.addi %add3A_692, %add3A_665 : i32
        %get3A_694 = arith.index_cast %add3A_693 : i32 to index
        %get3A_695 = arith.constant 32 : index
        %get3A_696 = tpu.vector_load %arg7[%get3A_694, %get3A_695] {strides = array<i32>} : memref<200x128xf32, #tpu.memory_space<vmem>>, vector<1x16xf32>,
        %get3A_697 = vector.shape_cast %get3A_696 : vector<1x16xf32> to vector<16xf32>
        %swap3A_698 = arith.constant 1 : i32
        %swap3A_699 = arith.index_cast %swap3A_698 : i32 to index
        %swap3A_700 = arith.index_cast %add3A_665 : i32 to index
        %swap3A_701 = arith.constant 32 : index
        %swap3A_702 = tpu.vector_load %arg8[%swap3A_699, %swap3A_700, %swap3A_701] {strides = array<i32>} : memref<4x104x128xf32, #tpu.memory_space<vmem>>, vector<1x1x16xf32>,
        %swap3A_703 = vector.shape_cast %swap3A_702 : vector<1x1x16xf32> to vector<16xf32>
        %swap3A_704 = vector.shape_cast %get3A_697 : vector<16xf32> to vector<1x1x16xf32>
        tpu.vector_store %arg8[%swap3A_699, %swap3A_700, %swap3A_701], %swap3A_704 {add = true, strides = array<i32>} : memref<4x104x128xf32, #tpu.memory_space<vmem>>, vector<1x1x16xf32>,
        %add3A_705 = arith.constant 96 : i32
        %add3A_706 = arith.addi %add3A_705, %add3A_665 : i32
        %get3A_707 = arith.index_cast %add3A_706 : i32 to index
        %get3A_708 = arith.constant 48 : index
        %get3A_709 = tpu.vector_load %arg7[%get3A_707, %get3A_708] {strides = array<i32>} : memref<200x128xf32, #tpu.memory_space<vmem>>, vector<1x16xf32>,
        %get3A_710 = vector.shape_cast %get3A_709 : vector<1x16xf32> to vector<16xf32>
        %swap3A_711 = arith.constant 1 : i32
        %swap3A_712 = arith.index_cast %swap3A_711 : i32 to index
        %swap3A_713 = arith.index_cast %add3A_665 : i32 to index
        %swap3A_714 = arith.constant 48 : index
        %swap3A_715 = tpu.vector_load %arg8[%swap3A_712, %swap3A_713, %swap3A_714] {strides = array<i32>} : memref<4x104x128xf32, #tpu.memory_space<vmem>>, vector<1x1x16xf32>,
        %swap3A_716 = vector.shape_cast %swap3A_715 : vector<1x1x16xf32> to vector<16xf32>
        %swap3A_717 = vector.shape_cast %get3A_710 : vector<16xf32> to vector<1x1x16xf32>
        tpu.vector_store %arg8[%swap3A_712, %swap3A_713, %swap3A_714], %swap3A_717 {add = true, strides = array<i32>} : memref<4x104x128xf32, #tpu.memory_space<vmem>>, vector<1x1x16xf32>,
        %add3A_718 = arith.constant 96 : i32
        %add3A_719 = arith.addi %add3A_718, %add3A_665 : i32
        %get3A_720 = arith.index_cast %add3A_719 : i32 to index
        %get3A_721 = arith.constant 64 : index
        %get3A_722 = tpu.vector_load %arg7[%get3A_720, %get3A_721] {strides = array<i32>} : memref<200x128xf32, #tpu.memory_space<vmem>>, vector<1x16xf32>,
        %get3A_723 = vector.shape_cast %get3A_722 : vector<1x16xf32> to vector<16xf32>
        %swap3A_724 = arith.constant 1 : i32
        %swap3A_725 = arith.index_cast %swap3A_724 : i32 to index
        %swap3A_726 = arith.index_cast %add3A_665 : i32 to index
        %swap3A_727 = arith.constant 64 : index
        %swap3A_728 = tpu.vector_load %arg8[%swap3A_725, %swap3A_726, %swap3A_727] {strides = array<i32>} : memref<4x104x128xf32, #tpu.memory_space<vmem>>, vector<1x1x16xf32>,
        %swap3A_729 = vector.shape_cast %swap3A_728 : vector<1x1x16xf32> to vector<16xf32>
        %swap3A_730 = vector.shape_cast %get3A_723 : vector<16xf32> to vector<1x1x16xf32>
        tpu.vector_store %arg8[%swap3A_725, %swap3A_726, %swap3A_727], %swap3A_730 {add = true, strides = array<i32>} : memref<4x104x128xf32, #tpu.memory_space<vmem>>, vector<1x1x16xf32>,
        %add3A_731 = arith.constant 96 : i32
        %add3A_732 = arith.addi %add3A_731, %add3A_665 : i32
        %get3A_733 = arith.index_cast %add3A_732 : i32 to index
        %get3A_734 = arith.constant 80 : index
        %get3A_735 = tpu.vector_load %arg7[%get3A_733, %get3A_734] {strides = array<i32>} : memref<200x128xf32, #tpu.memory_space<vmem>>, vector<1x16xf32>,
        %get3A_736 = vector.shape_cast %get3A_735 : vector<1x16xf32> to vector<16xf32>
        %swap3A_737 = arith.constant 1 : i32
        %swap3A_738 = arith.index_cast %swap3A_737 : i32 to index
        %swap3A_739 = arith.index_cast %add3A_665 : i32 to index
        %swap3A_740 = arith.constant 80 : index
        %swap3A_741 = tpu.vector_load %arg8[%swap3A_738, %swap3A_739, %swap3A_740] {strides = array<i32>} : memref<4x104x128xf32, #tpu.memory_space<vmem>>, vector<1x1x16xf32>,
        %swap3A_742 = vector.shape_cast %swap3A_741 : vector<1x1x16xf32> to vector<16xf32>
        %swap3A_743 = vector.shape_cast %get3A_736 : vector<16xf32> to vector<1x1x16xf32>
        tpu.vector_store %arg8[%swap3A_738, %swap3A_739, %swap3A_740], %swap3A_743 {add = true, strides = array<i32>} : memref<4x104x128xf32, #tpu.memory_space<vmem>>, vector<1x1x16xf32>,
        %add3A_744 = arith.constant 96 : i32
        %add3A_745 = arith.addi %add3A_744, %add3A_665 : i32
        %get3A_746 = arith.index_cast %add3A_745 : i32 to index
        %get3A_747 = arith.constant 96 : index
        %get3A_748 = tpu.vector_load %arg7[%get3A_746, %get3A_747] {strides = array<i32>} : memref<200x128xf32, #tpu.memory_space<vmem>>, vector<1x16xf32>,
        %get3A_749 = vector.shape_cast %get3A_748 : vector<1x16xf32> to vector<16xf32>
        %swap3A_750 = arith.constant 1 : i32
        %swap3A_751 = arith.index_cast %swap3A_750 : i32 to index
        %swap3A_752 = arith.index_cast %add3A_665 : i32 to index
        %swap3A_753 = arith.constant 96 : index
        %swap3A_754 = tpu.vector_load %arg8[%swap3A_751, %swap3A_752, %swap3A_753] {strides = array<i32>} : memref<4x104x128xf32, #tpu.memory_space<vmem>>, vector<1x1x16xf32>,
        %swap3A_755 = vector.shape_cast %swap3A_754 : vector<1x1x16xf32> to vector<16xf32>
        %swap3A_756 = vector.shape_cast %get3A_749 : vector<16xf32> to vector<1x1x16xf32>
        tpu.vector_store %arg8[%swap3A_751, %swap3A_752, %swap3A_753], %swap3A_756 {add = true, strides = array<i32>} : memref<4x104x128xf32, #tpu.memory_space<vmem>>, vector<1x1x16xf32>,
        %add3A_757 = arith.constant 96 : i32
        %add3A_758 = arith.addi %add3A_757, %add3A_665 : i32
        %get3A_759 = arith.index_cast %add3A_758 : i32 to index
        %get3A_760 = arith.constant 112 : index
        %get3A_761 = tpu.vector_load %arg7[%get3A_759, %get3A_760] {strides = array<i32>} : memref<200x128xf32, #tpu.memory_space<vmem>>, vector<1x16xf32>,
        %get3A_762 = vector.shape_cast %get3A_761 : vector<1x16xf32> to vector<16xf32>
        %swap3A_763 = arith.constant 1 : i32
        %swap3A_764 = arith.index_cast %swap3A_763 : i32 to index
        %swap3A_765 = arith.index_cast %add3A_665 : i32 to index
        %swap3A_766 = arith.constant 112 : index
        %swap3A_767 = tpu.vector_load %arg8[%swap3A_764, %swap3A_765, %swap3A_766] {strides = array<i32>} : memref<4x104x128xf32, #tpu.memory_space<vmem>>, vector<1x1x16xf32>,
        %swap3A_768 = vector.shape_cast %swap3A_767 : vector<1x1x16xf32> to vector<16xf32>
        %swap3A_769 = vector.shape_cast %get3A_762 : vector<16xf32> to vector<1x1x16xf32>
        tpu.vector_store %arg8[%swap3A_764, %swap3A_765, %swap3A_766], %swap3A_769 {add = true, strides = array<i32>} : memref<4x104x128xf32, #tpu.memory_space<vmem>>, vector<1x1x16xf32>,
      }
      %scan3A_185 = arith.constant 26 : i32
      %ge3A_186 = arith.constant 1 : i32
      %ge3A_187 = arith.cmpi sge, %add3A_168, %ge3A_186 : i32
      %convert_element_type3A_188 = arith.extui %ge3A_187 : i1 to i32
      %cond3A_189 = arith.constant 0 : i32
      %cond3A_190 = arith.cmpi ne, %convert_element_type3A_188, %cond3A_189 : i32
      scf.if %cond3A_190 {
        %dma_wait3A_339 = arith.constant 0 : i32
        %dma_wait3A_340 = arith.constant 0 : i32
        %dma_wait3A_341 = arith.constant 0 : i32
        %dma_wait3A_342 = arith.constant 0 : i32
        %dma_wait3A_343 = tpu.memref_slice %arg8[%dma_wait3A_339, %dma_wait3A_341, %dma_wait3A_342] : memref<4x104x128xf32, #tpu.memory_space<vmem>> -> memref<1x96x128xf32, #tpu.memory_space<vmem>>
        %dma_wait3A_344 = tpu.memref_squeeze %dma_wait3A_343 : memref<1x96x128xf32, #tpu.memory_space<vmem>> -> memref<96x128xf32, #tpu.memory_space<vmem>>
        %dma_wait3A_345 = arith.constant 0 : i32
        %dma_wait3A_346 = arith.constant 0 : i32
        %dma_wait3A_347 = tpu.memref_slice %arg9[%arg1, %dma_wait3A_340, %dma_wait3A_345, %dma_wait3A_346] : memref<16x2x104x128xf32, #tpu.memory_space<vmem_shared>> -> memref<1x1x96x128xf32, #tpu.memory_space<vmem_shared>>
        %dma_wait3A_348 = tpu.memref_squeeze %dma_wait3A_347 : memref<1x1x96x128xf32, #tpu.memory_space<vmem_shared>> -> memref<96x128xf32, #tpu.memory_space<vmem_shared>>
        %dma_wait3A_349 = arith.constant 0 : i32
        %dma_wait3A_350 = arith.constant 0 : i32
        %dma_wait3A_351 = tpu.memref_slice %arg9[%arg1, %dma_wait3A_340, %dma_wait3A_349, %dma_wait3A_350] : memref<16x2x104x128xf32, #tpu.memory_space<vmem_shared>> -> memref<1x1x96x128xf32, #tpu.memory_space<vmem_shared>>
        %dma_wait3A_352 = tpu.memref_squeeze %dma_wait3A_351 : memref<1x1x96x128xf32, #tpu.memory_space<vmem_shared>> -> memref<96x128xf32, #tpu.memory_space<vmem_shared>>
        %dma_wait3A_353 = arith.constant 0 : i32
        %dma_wait3A_354 = arith.constant 0 : i32
        %dma_wait3A_355 = tpu.memref_slice %arg8[%dma_wait3A_339, %dma_wait3A_353, %dma_wait3A_354] : memref<4x104x128xf32, #tpu.memory_space<vmem>> -> memref<1x96x128xf32, #tpu.memory_space<vmem>>
        %dma_wait3A_356 = tpu.memref_squeeze %dma_wait3A_355 : memref<1x96x128xf32, #tpu.memory_space<vmem>> -> memref<96x128xf32, #tpu.memory_space<vmem>>
        tpu.wait_dma2 semaphore(%arg14 : memref<!tpu.dma_semaphore, #tpu.memory_space<semaphore_mem>>) src(%dma_wait3A_356 : memref<96x128xf32, #tpu.memory_space<vmem>>) dst(%dma_wait3A_352 : memref<96x128xf32, #tpu.memory_space<vmem_shared>>)
        %sub3A_357 = arith.constant 1 : i32
        %sub3A_358 = arith.subi %add3A_168, %sub3A_357 : i32
        %mul3A_359 = arith.constant 32 : i32
        %mul3A_360 = arith.muli %add3A, %mul3A_359 : i32
        %shift_right_arithmetic3A = arith.constant 1 : i32
        %shift_right_arithmetic3A_361 = arith.shrsi %sub3A_358, %shift_right_arithmetic3A : i32
        %add3A_362 = arith.addi %mul3A_360, %shift_right_arithmetic3A_361 : i32
        %dma_start3A_363 = arith.constant 0 : i32
        %dma_start3A_364 = arith.constant 0 : i32
        %dma_start3A_365 = arith.constant 0 : i32
        %dma_start3A_366 = tpu.memref_slice %arg5[%add3A_362, %dma_start3A_364, %dma_start3A_365] : memref<1024x200x128xf32, #tpu.memory_space<hbm>> -> memref<1x96x128xf32, #tpu.memory_space<hbm>>
        %dma_start3A_367 = tpu.memref_squeeze %dma_start3A_366 : memref<1x96x128xf32, #tpu.memory_space<hbm>> -> memref<96x128xf32, #tpu.memory_space<hbm>>
        %dma_start3A_368 = arith.constant 0 : i32
        %dma_start3A_369 = arith.constant 0 : i32
        %dma_start3A_370 = tpu.memref_slice %arg9[%arg1, %dma_start3A_363, %dma_start3A_368, %dma_start3A_369] : memref<16x2x104x128xf32, #tpu.memory_space<vmem_shared>> -> memref<1x1x96x128xf32, #tpu.memory_space<vmem_shared>>
        %dma_start3A_371 = tpu.memref_squeeze %dma_start3A_370 : memref<1x1x96x128xf32, #tpu.memory_space<vmem_shared>> -> memref<96x128xf32, #tpu.memory_space<vmem_shared>>
        tpu.enqueue_dma source(%dma_start3A_371 : memref<96x128xf32, #tpu.memory_space<vmem_shared>>) target(%dma_start3A_367 : memref<96x128xf32, #tpu.memory_space<hbm>>) target_semaphore(%arg18 : memref<!tpu.dma_semaphore, #tpu.memory_space<semaphore_mem>>)
      } else {
      }
      %ge3A_191 = arith.constant 2 : i32
      %ge3A_192 = arith.cmpi sge, %add3A_168, %ge3A_191 : i32
      %convert_element_type3A_193 = arith.extui %ge3A_192 : i1 to i32
      %cond3A_194 = arith.constant 0 : i32
      %cond3A_195 = arith.cmpi ne, %convert_element_type3A_193, %cond3A_194 : i32
      scf.if %cond3A_195 {
        %sub3A_339 = arith.constant 2 : i32
        %sub3A_340 = arith.subi %add3A_168, %sub3A_339 : i32
        %mul3A_341 = arith.constant 32 : i32
        %mul3A_342 = arith.muli %add3A, %mul3A_341 : i32
        %shift_right_arithmetic3A = arith.constant 1 : i32
        %shift_right_arithmetic3A_343 = arith.shrsi %sub3A_340, %shift_right_arithmetic3A : i32
        %add3A_344 = arith.addi %mul3A_342, %shift_right_arithmetic3A_343 : i32
        %dma_wait3A_345 = arith.constant 1 : i32
        %dma_wait3A_346 = arith.constant 96 : i32
        %dma_wait3A_347 = arith.constant 0 : i32
        %dma_wait3A_348 = tpu.memref_slice %arg5[%add3A_344, %dma_wait3A_346, %dma_wait3A_347] : memref<1024x200x128xf32, #tpu.memory_space<hbm>> -> memref<1x104x128xf32, #tpu.memory_space<hbm>>
        %dma_wait3A_349 = tpu.memref_squeeze %dma_wait3A_348 : memref<1x104x128xf32, #tpu.memory_space<hbm>> -> memref<104x128xf32, #tpu.memory_space<hbm>>
        %dma_wait3A_350 = arith.constant 0 : i32
        %dma_wait3A_351 = arith.constant 0 : i32
        %dma_wait3A_352 = tpu.memref_slice %arg9[%arg1, %dma_wait3A_345, %dma_wait3A_350, %dma_wait3A_351] : memref<16x2x104x128xf32, #tpu.memory_space<vmem_shared>> -> memref<1x1x104x128xf32, #tpu.memory_space<vmem_shared>>
        %dma_wait3A_353 = tpu.memref_squeeze %dma_wait3A_352 : memref<1x1x104x128xf32, #tpu.memory_space<vmem_shared>> -> memref<104x128xf32, #tpu.memory_space<vmem_shared>>
        tpu.wait_dma2 semaphore(%arg19 : memref<!tpu.dma_semaphore, #tpu.memory_space<semaphore_mem>>) src(%dma_wait3A_353 : memref<104x128xf32, #tpu.memory_space<vmem_shared>>) dst(%dma_wait3A_349 : memref<104x128xf32, #tpu.memory_space<hbm>>)
      } else {
      }
      %dma_start3A_196 = arith.constant 1 : i32
      %dma_start3A_197 = arith.constant 1 : i32
      %dma_start3A_198 = arith.constant 0 : i32
      %dma_start3A_199 = arith.constant 0 : i32
      %dma_start3A_200 = tpu.memref_slice %arg8[%dma_start3A_196, %dma_start3A_198, %dma_start3A_199] : memref<4x104x128xf32, #tpu.memory_space<vmem>> -> memref<1x104x128xf32, #tpu.memory_space<vmem>>
      %dma_start3A_201 = tpu.memref_squeeze %dma_start3A_200 : memref<1x104x128xf32, #tpu.memory_space<vmem>> -> memref<104x128xf32, #tpu.memory_space<vmem>>
      %dma_start3A_202 = arith.constant 0 : i32
      %dma_start3A_203 = arith.constant 0 : i32
      %dma_start3A_204 = tpu.memref_slice %arg9[%arg1, %dma_start3A_197, %dma_start3A_202, %dma_start3A_203] : memref<16x2x104x128xf32, #tpu.memory_space<vmem_shared>> -> memref<1x1x104x128xf32, #tpu.memory_space<vmem_shared>>
      %dma_start3A_205 = tpu.memref_squeeze %dma_start3A_204 : memref<1x1x104x128xf32, #tpu.memory_space<vmem_shared>> -> memref<104x128xf32, #tpu.memory_space<vmem_shared>>
      %dma_start3A_206 = arith.constant 0 : i32
      %dma_start3A_207 = arith.constant 0 : i32
      %dma_start3A_208 = tpu.memref_slice %arg9[%arg1, %dma_start3A_197, %dma_start3A_206, %dma_start3A_207] : memref<16x2x104x128xf32, #tpu.memory_space<vmem_shared>> -> memref<1x1x104x128xf32, #tpu.memory_space<vmem_shared>>
      %dma_start3A_209 = tpu.memref_squeeze %dma_start3A_208 : memref<1x1x104x128xf32, #tpu.memory_space<vmem_shared>> -> memref<104x128xf32, #tpu.memory_space<vmem_shared>>
      %dma_start3A_210 = arith.constant 0 : i32
      %dma_start3A_211 = arith.constant 0 : i32
      %dma_start3A_212 = tpu.memref_slice %arg8[%dma_start3A_196, %dma_start3A_210, %dma_start3A_211] : memref<4x104x128xf32, #tpu.memory_space<vmem>> -> memref<1x104x128xf32, #tpu.memory_space<vmem>>
      %dma_start3A_213 = tpu.memref_squeeze %dma_start3A_212 : memref<1x104x128xf32, #tpu.memory_space<vmem>> -> memref<104x128xf32, #tpu.memory_space<vmem>>
      tpu.enqueue_dma source(%dma_start3A_213 : memref<104x128xf32, #tpu.memory_space<vmem>>) target(%dma_start3A_209 : memref<104x128xf32, #tpu.memory_space<vmem_shared>>) target_semaphore(%arg15 : memref<!tpu.dma_semaphore, #tpu.memory_space<semaphore_mem>>)
      %add3A_214 = arith.constant 4 : i32
      %add3A_215 = arith.addi %add3A_168, %add3A_214 : i32
      %sub3A_216 = arith.constant 1 : i32
      %sub3A_217 = arith.subi %add3A_215, %sub3A_216 : i32
      %lt3A_218 = arith.constant 64 : i32
      %lt3A_219 = arith.cmpi slt, %sub3A_217, %lt3A_218 : i32
      %convert_element_type3A_220 = arith.extui %lt3A_219 : i1 to i32
      %cond3A_221 = arith.constant 0 : i32
      %cond3A_222 = arith.cmpi ne, %convert_element_type3A_220, %cond3A_221 : i32
      scf.if %cond3A_222 {
        %dma_start3A_339 = arith.constant 0 : i32
        %dma_start3A_340 = arith.constant 0 : i32
        %dma_start3A_341 = arith.constant 0 : i32
        %dma_start3A_342 = tpu.memref_slice %arg8[%dma_start3A_339, %dma_start3A_340, %dma_start3A_341] : memref<4x104x128xf32, #tpu.memory_space<vmem>> -> memref<1x104x128xf32, #tpu.memory_space<vmem>>
        %dma_start3A_343 = tpu.memref_squeeze %dma_start3A_342 : memref<1x104x128xf32, #tpu.memory_space<vmem>> -> memref<104x128xf32, #tpu.memory_space<vmem>>
        %dma_start3A_344 = arith.constant 0 : i32
        %dma_start3A_345 = tpu.memref_slice %arg6[%sub3A_217, %dma_start3A_344] : memref<64x104xi32, #tpu.memory_space<vmem>> -> memref<1x104xi32, #tpu.memory_space<vmem>>
        %dma_start3A_346 = tpu.memref_squeeze %dma_start3A_345 : memref<1x104xi32, #tpu.memory_space<vmem>> -> memref<104xi32, #tpu.memory_space<vmem>>
        %dma_start3A_347 = arith.constant 0 : i32
        %dma_start3A_348 = arith.constant 0 : i32
        %dma_start3A_349 = tpu.memref_slice %arg3[%dma_start3A_347, %dma_start3A_348] : memref<1000000x128xf32, #tpu.memory_space<hbm>> -> memref<1000000x128xf32, #tpu.memory_space<hbm>>
        tpu.enqueue_indirect_dma source(%dma_start3A_349 : memref<1000000x128xf32, #tpu.memory_space<hbm>>) target(%dma_start3A_343 : memref<104x128xf32, #tpu.memory_space<vmem>>) offsets(%dma_start3A_346 : memref<104xi32, #tpu.memory_space<vmem>>) semaphore(%arg10 : memref<!tpu.dma_semaphore, #tpu.memory_space<semaphore_mem>>)
      } else {
      }
      %mul3A_223 = arith.constant 4 : i32
      %mul3A_224 = arith.muli %scan3A_111, %mul3A_223 : i32
      %add3A_225 = arith.constant 2 : i32
      %add3A_226 = arith.addi %mul3A_224, %add3A_225 : i32
      %dma_wait3A_227 = arith.constant 2 : i32
      %dma_wait3A_228 = arith.constant 0 : i32
      %dma_wait3A_229 = arith.constant 0 : i32
      %dma_wait3A_230 = tpu.memref_slice %arg8[%dma_wait3A_227, %dma_wait3A_228, %dma_wait3A_229] : memref<4x104x128xf32, #tpu.memory_space<vmem>> -> memref<1x104x128xf32, #tpu.memory_space<vmem>>
      %dma_wait3A_231 = tpu.memref_squeeze %dma_wait3A_230 : memref<1x104x128xf32, #tpu.memory_space<vmem>> -> memref<104x128xf32, #tpu.memory_space<vmem>>
      %dma_wait3A_232 = arith.constant 0 : i32
      %dma_wait3A_233 = tpu.memref_slice %arg6[%add3A_226, %dma_wait3A_232] : memref<64x104xi32, #tpu.memory_space<vmem>> -> memref<1x104xi32, #tpu.memory_space<vmem>>
      %dma_wait3A_234 = tpu.memref_squeeze %dma_wait3A_233 : memref<1x104xi32, #tpu.memory_space<vmem>> -> memref<104xi32, #tpu.memory_space<vmem>>
      %dma_wait3A_235 = arith.constant 0 : i32
      %dma_wait3A_236 = arith.constant 0 : i32
      %dma_wait3A_237 = tpu.memref_slice %arg3[%dma_wait3A_235, %dma_wait3A_236] : memref<1000000x128xf32, #tpu.memory_space<hbm>> -> memref<1000000x128xf32, #tpu.memory_space<hbm>>
      tpu.wait_indirect_dma semaphore(%arg12 : memref<!tpu.dma_semaphore, #tpu.memory_space<semaphore_mem>>) src(%dma_wait3A_237 : memref<1000000x128xf32, #tpu.memory_space<hbm>>) dst(%dma_wait3A_231 : memref<104x128xf32, #tpu.memory_space<vmem>>)
      %scan3A_238 = arith.constant 0 : i32
      %scan3A_239 = arith.constant 0 : i32
      %scan3A_240 = arith.constant 24 : i32
      %scan3A_241 = arith.addi %scan3A_239, %scan3A_240 : i32
      %scan3A_242 = arith.constant 1 : i32
      scf.for %scan3A_339 = %scan3A_239 to %scan3A_241 step %scan3A_242  : i32 {
        %mul3A_340 = arith.constant 4 : i32
        %mul3A_341 = arith.muli %scan3A_339, %mul3A_340 : i32
        %add3A_342 = arith.constant 0 : i32
        %add3A_343 = arith.addi %mul3A_341, %add3A_342 : i32
        %add3A_344 = arith.constant 0 : i32
        %add3A_345 = arith.addi %add3A_344, %add3A_343 : i32
        %get3A = arith.index_cast %add3A_345 : i32 to index
        %get3A_346 = arith.constant 0 : index
        %get3A_347 = tpu.vector_load %arg7[%get3A, %get3A_346] {strides = array<i32>} : memref<200x128xf32, #tpu.memory_space<vmem>>, vector<1x16xf32>,
        %get3A_348 = vector.shape_cast %get3A_347 : vector<1x16xf32> to vector<16xf32>
        %swap3A = arith.constant 2 : i32
        %swap3A_349 = arith.index_cast %swap3A : i32 to index
        %swap3A_350 = arith.index_cast %add3A_343 : i32 to index
        %swap3A_351 = arith.constant 0 : index
        %swap3A_352 = tpu.vector_load %arg8[%swap3A_349, %swap3A_350, %swap3A_351] {strides = array<i32>} : memref<4x104x128xf32, #tpu.memory_space<vmem>>, vector<1x1x16xf32>,
        %swap3A_353 = vector.shape_cast %swap3A_352 : vector<1x1x16xf32> to vector<16xf32>
        %swap3A_354 = vector.shape_cast %get3A_348 : vector<16xf32> to vector<1x1x16xf32>
        tpu.vector_store %arg8[%swap3A_349, %swap3A_350, %swap3A_351], %swap3A_354 {add = true, strides = array<i32>} : memref<4x104x128xf32, #tpu.memory_space<vmem>>, vector<1x1x16xf32>,
        %add3A_355 = arith.constant 0 : i32
        %add3A_356 = arith.addi %add3A_355, %add3A_343 : i32
        %get3A_357 = arith.index_cast %add3A_356 : i32 to index
        %get3A_358 = arith.constant 16 : index
        %get3A_359 = tpu.vector_load %arg7[%get3A_357, %get3A_358] {strides = array<i32>} : memref<200x128xf32, #tpu.memory_space<vmem>>, vector<1x16xf32>,
        %get3A_360 = vector.shape_cast %get3A_359 : vector<1x16xf32> to vector<16xf32>
        %swap3A_361 = arith.constant 2 : i32
        %swap3A_362 = arith.index_cast %swap3A_361 : i32 to index
        %swap3A_363 = arith.index_cast %add3A_343 : i32 to index
        %swap3A_364 = arith.constant 16 : index
        %swap3A_365 = tpu.vector_load %arg8[%swap3A_362, %swap3A_363, %swap3A_364] {strides = array<i32>} : memref<4x104x128xf32, #tpu.memory_space<vmem>>, vector<1x1x16xf32>,
        %swap3A_366 = vector.shape_cast %swap3A_365 : vector<1x1x16xf32> to vector<16xf32>
        %swap3A_367 = vector.shape_cast %get3A_360 : vector<16xf32> to vector<1x1x16xf32>
        tpu.vector_store %arg8[%swap3A_362, %swap3A_363, %swap3A_364], %swap3A_367 {add = true, strides = array<i32>} : memref<4x104x128xf32, #tpu.memory_space<vmem>>, vector<1x1x16xf32>,
        %add3A_368 = arith.constant 0 : i32
        %add3A_369 = arith.addi %add3A_368, %add3A_343 : i32
        %get3A_370 = arith.index_cast %add3A_369 : i32 to index
        %get3A_371 = arith.constant 32 : index
        %get3A_372 = tpu.vector_load %arg7[%get3A_370, %get3A_371] {strides = array<i32>} : memref<200x128xf32, #tpu.memory_space<vmem>>, vector<1x16xf32>,
        %get3A_373 = vector.shape_cast %get3A_372 : vector<1x16xf32> to vector<16xf32>
        %swap3A_374 = arith.constant 2 : i32
        %swap3A_375 = arith.index_cast %swap3A_374 : i32 to index
        %swap3A_376 = arith.index_cast %add3A_343 : i32 to index
        %swap3A_377 = arith.constant 32 : index
        %swap3A_378 = tpu.vector_load %arg8[%swap3A_375, %swap3A_376, %swap3A_377] {strides = array<i32>} : memref<4x104x128xf32, #tpu.memory_space<vmem>>, vector<1x1x16xf32>,
        %swap3A_379 = vector.shape_cast %swap3A_378 : vector<1x1x16xf32> to vector<16xf32>
        %swap3A_380 = vector.shape_cast %get3A_373 : vector<16xf32> to vector<1x1x16xf32>
        tpu.vector_store %arg8[%swap3A_375, %swap3A_376, %swap3A_377], %swap3A_380 {add = true, strides = array<i32>} : memref<4x104x128xf32, #tpu.memory_space<vmem>>, vector<1x1x16xf32>,
        %add3A_381 = arith.constant 0 : i32
        %add3A_382 = arith.addi %add3A_381, %add3A_343 : i32
        %get3A_383 = arith.index_cast %add3A_382 : i32 to index
        %get3A_384 = arith.constant 48 : index
        %get3A_385 = tpu.vector_load %arg7[%get3A_383, %get3A_384] {strides = array<i32>} : memref<200x128xf32, #tpu.memory_space<vmem>>, vector<1x16xf32>,
        %get3A_386 = vector.shape_cast %get3A_385 : vector<1x16xf32> to vector<16xf32>
        %swap3A_387 = arith.constant 2 : i32
        %swap3A_388 = arith.index_cast %swap3A_387 : i32 to index
        %swap3A_389 = arith.index_cast %add3A_343 : i32 to index
        %swap3A_390 = arith.constant 48 : index
        %swap3A_391 = tpu.vector_load %arg8[%swap3A_388, %swap3A_389, %swap3A_390] {strides = array<i32>} : memref<4x104x128xf32, #tpu.memory_space<vmem>>, vector<1x1x16xf32>,
        %swap3A_392 = vector.shape_cast %swap3A_391 : vector<1x1x16xf32> to vector<16xf32>
        %swap3A_393 = vector.shape_cast %get3A_386 : vector<16xf32> to vector<1x1x16xf32>
        tpu.vector_store %arg8[%swap3A_388, %swap3A_389, %swap3A_390], %swap3A_393 {add = true, strides = array<i32>} : memref<4x104x128xf32, #tpu.memory_space<vmem>>, vector<1x1x16xf32>,
        %add3A_394 = arith.constant 0 : i32
        %add3A_395 = arith.addi %add3A_394, %add3A_343 : i32
        %get3A_396 = arith.index_cast %add3A_395 : i32 to index
        %get3A_397 = arith.constant 64 : index
        %get3A_398 = tpu.vector_load %arg7[%get3A_396, %get3A_397] {strides = array<i32>} : memref<200x128xf32, #tpu.memory_space<vmem>>, vector<1x16xf32>,
        %get3A_399 = vector.shape_cast %get3A_398 : vector<1x16xf32> to vector<16xf32>
        %swap3A_400 = arith.constant 2 : i32
        %swap3A_401 = arith.index_cast %swap3A_400 : i32 to index
        %swap3A_402 = arith.index_cast %add3A_343 : i32 to index
        %swap3A_403 = arith.constant 64 : index
        %swap3A_404 = tpu.vector_load %arg8[%swap3A_401, %swap3A_402, %swap3A_403] {strides = array<i32>} : memref<4x104x128xf32, #tpu.memory_space<vmem>>, vector<1x1x16xf32>,
        %swap3A_405 = vector.shape_cast %swap3A_404 : vector<1x1x16xf32> to vector<16xf32>
        %swap3A_406 = vector.shape_cast %get3A_399 : vector<16xf32> to vector<1x1x16xf32>
        tpu.vector_store %arg8[%swap3A_401, %swap3A_402, %swap3A_403], %swap3A_406 {add = true, strides = array<i32>} : memref<4x104x128xf32, #tpu.memory_space<vmem>>, vector<1x1x16xf32>,
        %add3A_407 = arith.constant 0 : i32
        %add3A_408 = arith.addi %add3A_407, %add3A_343 : i32
        %get3A_409 = arith.index_cast %add3A_408 : i32 to index
        %get3A_410 = arith.constant 80 : index
        %get3A_411 = tpu.vector_load %arg7[%get3A_409, %get3A_410] {strides = array<i32>} : memref<200x128xf32, #tpu.memory_space<vmem>>, vector<1x16xf32>,
        %get3A_412 = vector.shape_cast %get3A_411 : vector<1x16xf32> to vector<16xf32>
        %swap3A_413 = arith.constant 2 : i32
        %swap3A_414 = arith.index_cast %swap3A_413 : i32 to index
        %swap3A_415 = arith.index_cast %add3A_343 : i32 to index
        %swap3A_416 = arith.constant 80 : index
        %swap3A_417 = tpu.vector_load %arg8[%swap3A_414, %swap3A_415, %swap3A_416] {strides = array<i32>} : memref<4x104x128xf32, #tpu.memory_space<vmem>>, vector<1x1x16xf32>,
        %swap3A_418 = vector.shape_cast %swap3A_417 : vector<1x1x16xf32> to vector<16xf32>
        %swap3A_419 = vector.shape_cast %get3A_412 : vector<16xf32> to vector<1x1x16xf32>
        tpu.vector_store %arg8[%swap3A_414, %swap3A_415, %swap3A_416], %swap3A_419 {add = true, strides = array<i32>} : memref<4x104x128xf32, #tpu.memory_space<vmem>>, vector<1x1x16xf32>,
        %add3A_420 = arith.constant 0 : i32
        %add3A_421 = arith.addi %add3A_420, %add3A_343 : i32
        %get3A_422 = arith.index_cast %add3A_421 : i32 to index
        %get3A_423 = arith.constant 96 : index
        %get3A_424 = tpu.vector_load %arg7[%get3A_422, %get3A_423] {strides = array<i32>} : memref<200x128xf32, #tpu.memory_space<vmem>>, vector<1x16xf32>,
        %get3A_425 = vector.shape_cast %get3A_424 : vector<1x16xf32> to vector<16xf32>
        %swap3A_426 = arith.constant 2 : i32
        %swap3A_427 = arith.index_cast %swap3A_426 : i32 to index
        %swap3A_428 = arith.index_cast %add3A_343 : i32 to index
        %swap3A_429 = arith.constant 96 : index
        %swap3A_430 = tpu.vector_load %arg8[%swap3A_427, %swap3A_428, %swap3A_429] {strides = array<i32>} : memref<4x104x128xf32, #tpu.memory_space<vmem>>, vector<1x1x16xf32>,
        %swap3A_431 = vector.shape_cast %swap3A_430 : vector<1x1x16xf32> to vector<16xf32>
        %swap3A_432 = vector.shape_cast %get3A_425 : vector<16xf32> to vector<1x1x16xf32>
        tpu.vector_store %arg8[%swap3A_427, %swap3A_428, %swap3A_429], %swap3A_432 {add = true, strides = array<i32>} : memref<4x104x128xf32, #tpu.memory_space<vmem>>, vector<1x1x16xf32>,
        %add3A_433 = arith.constant 0 : i32
        %add3A_434 = arith.addi %add3A_433, %add3A_343 : i32
        %get3A_435 = arith.index_cast %add3A_434 : i32 to index
        %get3A_436 = arith.constant 112 : index
        %get3A_437 = tpu.vector_load %arg7[%get3A_435, %get3A_436] {strides = array<i32>} : memref<200x128xf32, #tpu.memory_space<vmem>>, vector<1x16xf32>,
        %get3A_438 = vector.shape_cast %get3A_437 : vector<1x16xf32> to vector<16xf32>
        %swap3A_439 = arith.constant 2 : i32
        %swap3A_440 = arith.index_cast %swap3A_439 : i32 to index
        %swap3A_441 = arith.index_cast %add3A_343 : i32 to index
        %swap3A_442 = arith.constant 112 : index
        %swap3A_443 = tpu.vector_load %arg8[%swap3A_440, %swap3A_441, %swap3A_442] {strides = array<i32>} : memref<4x104x128xf32, #tpu.memory_space<vmem>>, vector<1x1x16xf32>,
        %swap3A_444 = vector.shape_cast %swap3A_443 : vector<1x1x16xf32> to vector<16xf32>
        %swap3A_445 = vector.shape_cast %get3A_438 : vector<16xf32> to vector<1x1x16xf32>
        tpu.vector_store %arg8[%swap3A_440, %swap3A_441, %swap3A_442], %swap3A_445 {add = true, strides = array<i32>} : memref<4x104x128xf32, #tpu.memory_space<vmem>>, vector<1x1x16xf32>,
        %mul3A_446 = arith.constant 4 : i32
        %mul3A_447 = arith.muli %scan3A_339, %mul3A_446 : i32
        %add3A_448 = arith.constant 1 : i32
        %add3A_449 = arith.addi %mul3A_447, %add3A_448 : i32
        %add3A_450 = arith.constant 0 : i32
        %add3A_451 = arith.addi %add3A_450, %add3A_449 : i32
        %get3A_452 = arith.index_cast %add3A_451 : i32 to index
        %get3A_453 = arith.constant 0 : index
        %get3A_454 = tpu.vector_load %arg7[%get3A_452, %get3A_453] {strides = array<i32>} : memref<200x128xf32, #tpu.memory_space<vmem>>, vector<1x16xf32>,
        %get3A_455 = vector.shape_cast %get3A_454 : vector<1x16xf32> to vector<16xf32>
        %swap3A_456 = arith.constant 2 : i32
        %swap3A_457 = arith.index_cast %swap3A_456 : i32 to index
        %swap3A_458 = arith.index_cast %add3A_449 : i32 to index
        %swap3A_459 = arith.constant 0 : index
        %swap3A_460 = tpu.vector_load %arg8[%swap3A_457, %swap3A_458, %swap3A_459] {strides = array<i32>} : memref<4x104x128xf32, #tpu.memory_space<vmem>>, vector<1x1x16xf32>,
        %swap3A_461 = vector.shape_cast %swap3A_460 : vector<1x1x16xf32> to vector<16xf32>
        %swap3A_462 = vector.shape_cast %get3A_455 : vector<16xf32> to vector<1x1x16xf32>
        tpu.vector_store %arg8[%swap3A_457, %swap3A_458, %swap3A_459], %swap3A_462 {add = true, strides = array<i32>} : memref<4x104x128xf32, #tpu.memory_space<vmem>>, vector<1x1x16xf32>,
        %add3A_463 = arith.constant 0 : i32
        %add3A_464 = arith.addi %add3A_463, %add3A_449 : i32
        %get3A_465 = arith.index_cast %add3A_464 : i32 to index
        %get3A_466 = arith.constant 16 : index
        %get3A_467 = tpu.vector_load %arg7[%get3A_465, %get3A_466] {strides = array<i32>} : memref<200x128xf32, #tpu.memory_space<vmem>>, vector<1x16xf32>,
        %get3A_468 = vector.shape_cast %get3A_467 : vector<1x16xf32> to vector<16xf32>
        %swap3A_469 = arith.constant 2 : i32
        %swap3A_470 = arith.index_cast %swap3A_469 : i32 to index
        %swap3A_471 = arith.index_cast %add3A_449 : i32 to index
        %swap3A_472 = arith.constant 16 : index
        %swap3A_473 = tpu.vector_load %arg8[%swap3A_470, %swap3A_471, %swap3A_472] {strides = array<i32>} : memref<4x104x128xf32, #tpu.memory_space<vmem>>, vector<1x1x16xf32>,
        %swap3A_474 = vector.shape_cast %swap3A_473 : vector<1x1x16xf32> to vector<16xf32>
        %swap3A_475 = vector.shape_cast %get3A_468 : vector<16xf32> to vector<1x1x16xf32>
        tpu.vector_store %arg8[%swap3A_470, %swap3A_471, %swap3A_472], %swap3A_475 {add = true, strides = array<i32>} : memref<4x104x128xf32, #tpu.memory_space<vmem>>, vector<1x1x16xf32>,
        %add3A_476 = arith.constant 0 : i32
        %add3A_477 = arith.addi %add3A_476, %add3A_449 : i32
        %get3A_478 = arith.index_cast %add3A_477 : i32 to index
        %get3A_479 = arith.constant 32 : index
        %get3A_480 = tpu.vector_load %arg7[%get3A_478, %get3A_479] {strides = array<i32>} : memref<200x128xf32, #tpu.memory_space<vmem>>, vector<1x16xf32>,
        %get3A_481 = vector.shape_cast %get3A_480 : vector<1x16xf32> to vector<16xf32>
        %swap3A_482 = arith.constant 2 : i32
        %swap3A_483 = arith.index_cast %swap3A_482 : i32 to index
        %swap3A_484 = arith.index_cast %add3A_449 : i32 to index
        %swap3A_485 = arith.constant 32 : index
        %swap3A_486 = tpu.vector_load %arg8[%swap3A_483, %swap3A_484, %swap3A_485] {strides = array<i32>} : memref<4x104x128xf32, #tpu.memory_space<vmem>>, vector<1x1x16xf32>,
        %swap3A_487 = vector.shape_cast %swap3A_486 : vector<1x1x16xf32> to vector<16xf32>
        %swap3A_488 = vector.shape_cast %get3A_481 : vector<16xf32> to vector<1x1x16xf32>
        tpu.vector_store %arg8[%swap3A_483, %swap3A_484, %swap3A_485], %swap3A_488 {add = true, strides = array<i32>} : memref<4x104x128xf32, #tpu.memory_space<vmem>>, vector<1x1x16xf32>,
        %add3A_489 = arith.constant 0 : i32
        %add3A_490 = arith.addi %add3A_489, %add3A_449 : i32
        %get3A_491 = arith.index_cast %add3A_490 : i32 to index
        %get3A_492 = arith.constant 48 : index
        %get3A_493 = tpu.vector_load %arg7[%get3A_491, %get3A_492] {strides = array<i32>} : memref<200x128xf32, #tpu.memory_space<vmem>>, vector<1x16xf32>,
        %get3A_494 = vector.shape_cast %get3A_493 : vector<1x16xf32> to vector<16xf32>
        %swap3A_495 = arith.constant 2 : i32
        %swap3A_496 = arith.index_cast %swap3A_495 : i32 to index
        %swap3A_497 = arith.index_cast %add3A_449 : i32 to index
        %swap3A_498 = arith.constant 48 : index
        %swap3A_499 = tpu.vector_load %arg8[%swap3A_496, %swap3A_497, %swap3A_498] {strides = array<i32>} : memref<4x104x128xf32, #tpu.memory_space<vmem>>, vector<1x1x16xf32>,
        %swap3A_500 = vector.shape_cast %swap3A_499 : vector<1x1x16xf32> to vector<16xf32>
        %swap3A_501 = vector.shape_cast %get3A_494 : vector<16xf32> to vector<1x1x16xf32>
        tpu.vector_store %arg8[%swap3A_496, %swap3A_497, %swap3A_498], %swap3A_501 {add = true, strides = array<i32>} : memref<4x104x128xf32, #tpu.memory_space<vmem>>, vector<1x1x16xf32>,
        %add3A_502 = arith.constant 0 : i32
        %add3A_503 = arith.addi %add3A_502, %add3A_449 : i32
        %get3A_504 = arith.index_cast %add3A_503 : i32 to index
        %get3A_505 = arith.constant 64 : index
        %get3A_506 = tpu.vector_load %arg7[%get3A_504, %get3A_505] {strides = array<i32>} : memref<200x128xf32, #tpu.memory_space<vmem>>, vector<1x16xf32>,
        %get3A_507 = vector.shape_cast %get3A_506 : vector<1x16xf32> to vector<16xf32>
        %swap3A_508 = arith.constant 2 : i32
        %swap3A_509 = arith.index_cast %swap3A_508 : i32 to index
        %swap3A_510 = arith.index_cast %add3A_449 : i32 to index
        %swap3A_511 = arith.constant 64 : index
        %swap3A_512 = tpu.vector_load %arg8[%swap3A_509, %swap3A_510, %swap3A_511] {strides = array<i32>} : memref<4x104x128xf32, #tpu.memory_space<vmem>>, vector<1x1x16xf32>,
        %swap3A_513 = vector.shape_cast %swap3A_512 : vector<1x1x16xf32> to vector<16xf32>
        %swap3A_514 = vector.shape_cast %get3A_507 : vector<16xf32> to vector<1x1x16xf32>
        tpu.vector_store %arg8[%swap3A_509, %swap3A_510, %swap3A_511], %swap3A_514 {add = true, strides = array<i32>} : memref<4x104x128xf32, #tpu.memory_space<vmem>>, vector<1x1x16xf32>,
        %add3A_515 = arith.constant 0 : i32
        %add3A_516 = arith.addi %add3A_515, %add3A_449 : i32
        %get3A_517 = arith.index_cast %add3A_516 : i32 to index
        %get3A_518 = arith.constant 80 : index
        %get3A_519 = tpu.vector_load %arg7[%get3A_517, %get3A_518] {strides = array<i32>} : memref<200x128xf32, #tpu.memory_space<vmem>>, vector<1x16xf32>,
        %get3A_520 = vector.shape_cast %get3A_519 : vector<1x16xf32> to vector<16xf32>
        %swap3A_521 = arith.constant 2 : i32
        %swap3A_522 = arith.index_cast %swap3A_521 : i32 to index
        %swap3A_523 = arith.index_cast %add3A_449 : i32 to index
        %swap3A_524 = arith.constant 80 : index
        %swap3A_525 = tpu.vector_load %arg8[%swap3A_522, %swap3A_523, %swap3A_524] {strides = array<i32>} : memref<4x104x128xf32, #tpu.memory_space<vmem>>, vector<1x1x16xf32>,
        %swap3A_526 = vector.shape_cast %swap3A_525 : vector<1x1x16xf32> to vector<16xf32>
        %swap3A_527 = vector.shape_cast %get3A_520 : vector<16xf32> to vector<1x1x16xf32>
        tpu.vector_store %arg8[%swap3A_522, %swap3A_523, %swap3A_524], %swap3A_527 {add = true, strides = array<i32>} : memref<4x104x128xf32, #tpu.memory_space<vmem>>, vector<1x1x16xf32>,
        %add3A_528 = arith.constant 0 : i32
        %add3A_529 = arith.addi %add3A_528, %add3A_449 : i32
        %get3A_530 = arith.index_cast %add3A_529 : i32 to index
        %get3A_531 = arith.constant 96 : index
        %get3A_532 = tpu.vector_load %arg7[%get3A_530, %get3A_531] {strides = array<i32>} : memref<200x128xf32, #tpu.memory_space<vmem>>, vector<1x16xf32>,
        %get3A_533 = vector.shape_cast %get3A_532 : vector<1x16xf32> to vector<16xf32>
        %swap3A_534 = arith.constant 2 : i32
        %swap3A_535 = arith.index_cast %swap3A_534 : i32 to index
        %swap3A_536 = arith.index_cast %add3A_449 : i32 to index
        %swap3A_537 = arith.constant 96 : index
        %swap3A_538 = tpu.vector_load %arg8[%swap3A_535, %swap3A_536, %swap3A_537] {strides = array<i32>} : memref<4x104x128xf32, #tpu.memory_space<vmem>>, vector<1x1x16xf32>,
        %swap3A_539 = vector.shape_cast %swap3A_538 : vector<1x1x16xf32> to vector<16xf32>
        %swap3A_540 = vector.shape_cast %get3A_533 : vector<16xf32> to vector<1x1x16xf32>
        tpu.vector_store %arg8[%swap3A_535, %swap3A_536, %swap3A_537], %swap3A_540 {add = true, strides = array<i32>} : memref<4x104x128xf32, #tpu.memory_space<vmem>>, vector<1x1x16xf32>,
        %add3A_541 = arith.constant 0 : i32
        %add3A_542 = arith.addi %add3A_541, %add3A_449 : i32
        %get3A_543 = arith.index_cast %add3A_542 : i32 to index
        %get3A_544 = arith.constant 112 : index
        %get3A_545 = tpu.vector_load %arg7[%get3A_543, %get3A_544] {strides = array<i32>} : memref<200x128xf32, #tpu.memory_space<vmem>>, vector<1x16xf32>,
        %get3A_546 = vector.shape_cast %get3A_545 : vector<1x16xf32> to vector<16xf32>
        %swap3A_547 = arith.constant 2 : i32
        %swap3A_548 = arith.index_cast %swap3A_547 : i32 to index
        %swap3A_549 = arith.index_cast %add3A_449 : i32 to index
        %swap3A_550 = arith.constant 112 : index
        %swap3A_551 = tpu.vector_load %arg8[%swap3A_548, %swap3A_549, %swap3A_550] {strides = array<i32>} : memref<4x104x128xf32, #tpu.memory_space<vmem>>, vector<1x1x16xf32>,
        %swap3A_552 = vector.shape_cast %swap3A_551 : vector<1x1x16xf32> to vector<16xf32>
        %swap3A_553 = vector.shape_cast %get3A_546 : vector<16xf32> to vector<1x1x16xf32>
        tpu.vector_store %arg8[%swap3A_548, %swap3A_549, %swap3A_550], %swap3A_553 {add = true, strides = array<i32>} : memref<4x104x128xf32, #tpu.memory_space<vmem>>, vector<1x1x16xf32>,
        %mul3A_554 = arith.constant 4 : i32
        %mul3A_555 = arith.muli %scan3A_339, %mul3A_554 : i32
        %add3A_556 = arith.constant 2 : i32
        %add3A_557 = arith.addi %mul3A_555, %add3A_556 : i32
        %add3A_558 = arith.constant 0 : i32
        %add3A_559 = arith.addi %add3A_558, %add3A_557 : i32
        %get3A_560 = arith.index_cast %add3A_559 : i32 to index
        %get3A_561 = arith.constant 0 : index
        %get3A_562 = tpu.vector_load %arg7[%get3A_560, %get3A_561] {strides = array<i32>} : memref<200x128xf32, #tpu.memory_space<vmem>>, vector<1x16xf32>,
        %get3A_563 = vector.shape_cast %get3A_562 : vector<1x16xf32> to vector<16xf32>
        %swap3A_564 = arith.constant 2 : i32
        %swap3A_565 = arith.index_cast %swap3A_564 : i32 to index
        %swap3A_566 = arith.index_cast %add3A_557 : i32 to index
        %swap3A_567 = arith.constant 0 : index
        %swap3A_568 = tpu.vector_load %arg8[%swap3A_565, %swap3A_566, %swap3A_567] {strides = array<i32>} : memref<4x104x128xf32, #tpu.memory_space<vmem>>, vector<1x1x16xf32>,
        %swap3A_569 = vector.shape_cast %swap3A_568 : vector<1x1x16xf32> to vector<16xf32>
        %swap3A_570 = vector.shape_cast %get3A_563 : vector<16xf32> to vector<1x1x16xf32>
        tpu.vector_store %arg8[%swap3A_565, %swap3A_566, %swap3A_567], %swap3A_570 {add = true, strides = array<i32>} : memref<4x104x128xf32, #tpu.memory_space<vmem>>, vector<1x1x16xf32>,
        %add3A_571 = arith.constant 0 : i32
        %add3A_572 = arith.addi %add3A_571, %add3A_557 : i32
        %get3A_573 = arith.index_cast %add3A_572 : i32 to index
        %get3A_574 = arith.constant 16 : index
        %get3A_575 = tpu.vector_load %arg7[%get3A_573, %get3A_574] {strides = array<i32>} : memref<200x128xf32, #tpu.memory_space<vmem>>, vector<1x16xf32>,
        %get3A_576 = vector.shape_cast %get3A_575 : vector<1x16xf32> to vector<16xf32>
        %swap3A_577 = arith.constant 2 : i32
        %swap3A_578 = arith.index_cast %swap3A_577 : i32 to index
        %swap3A_579 = arith.index_cast %add3A_557 : i32 to index
        %swap3A_580 = arith.constant 16 : index
        %swap3A_581 = tpu.vector_load %arg8[%swap3A_578, %swap3A_579, %swap3A_580] {strides = array<i32>} : memref<4x104x128xf32, #tpu.memory_space<vmem>>, vector<1x1x16xf32>,
        %swap3A_582 = vector.shape_cast %swap3A_581 : vector<1x1x16xf32> to vector<16xf32>
        %swap3A_583 = vector.shape_cast %get3A_576 : vector<16xf32> to vector<1x1x16xf32>
        tpu.vector_store %arg8[%swap3A_578, %swap3A_579, %swap3A_580], %swap3A_583 {add = true, strides = array<i32>} : memref<4x104x128xf32, #tpu.memory_space<vmem>>, vector<1x1x16xf32>,
        %add3A_584 = arith.constant 0 : i32
        %add3A_585 = arith.addi %add3A_584, %add3A_557 : i32
        %get3A_586 = arith.index_cast %add3A_585 : i32 to index
        %get3A_587 = arith.constant 32 : index
        %get3A_588 = tpu.vector_load %arg7[%get3A_586, %get3A_587] {strides = array<i32>} : memref<200x128xf32, #tpu.memory_space<vmem>>, vector<1x16xf32>,
        %get3A_589 = vector.shape_cast %get3A_588 : vector<1x16xf32> to vector<16xf32>
        %swap3A_590 = arith.constant 2 : i32
        %swap3A_591 = arith.index_cast %swap3A_590 : i32 to index
        %swap3A_592 = arith.index_cast %add3A_557 : i32 to index
        %swap3A_593 = arith.constant 32 : index
        %swap3A_594 = tpu.vector_load %arg8[%swap3A_591, %swap3A_592, %swap3A_593] {strides = array<i32>} : memref<4x104x128xf32, #tpu.memory_space<vmem>>, vector<1x1x16xf32>,
        %swap3A_595 = vector.shape_cast %swap3A_594 : vector<1x1x16xf32> to vector<16xf32>
        %swap3A_596 = vector.shape_cast %get3A_589 : vector<16xf32> to vector<1x1x16xf32>
        tpu.vector_store %arg8[%swap3A_591, %swap3A_592, %swap3A_593], %swap3A_596 {add = true, strides = array<i32>} : memref<4x104x128xf32, #tpu.memory_space<vmem>>, vector<1x1x16xf32>,
        %add3A_597 = arith.constant 0 : i32
        %add3A_598 = arith.addi %add3A_597, %add3A_557 : i32
        %get3A_599 = arith.index_cast %add3A_598 : i32 to index
        %get3A_600 = arith.constant 48 : index
        %get3A_601 = tpu.vector_load %arg7[%get3A_599, %get3A_600] {strides = array<i32>} : memref<200x128xf32, #tpu.memory_space<vmem>>, vector<1x16xf32>,
        %get3A_602 = vector.shape_cast %get3A_601 : vector<1x16xf32> to vector<16xf32>
        %swap3A_603 = arith.constant 2 : i32
        %swap3A_604 = arith.index_cast %swap3A_603 : i32 to index
        %swap3A_605 = arith.index_cast %add3A_557 : i32 to index
        %swap3A_606 = arith.constant 48 : index
        %swap3A_607 = tpu.vector_load %arg8[%swap3A_604, %swap3A_605, %swap3A_606] {strides = array<i32>} : memref<4x104x128xf32, #tpu.memory_space<vmem>>, vector<1x1x16xf32>,
        %swap3A_608 = vector.shape_cast %swap3A_607 : vector<1x1x16xf32> to vector<16xf32>
        %swap3A_609 = vector.shape_cast %get3A_602 : vector<16xf32> to vector<1x1x16xf32>
        tpu.vector_store %arg8[%swap3A_604, %swap3A_605, %swap3A_606], %swap3A_609 {add = true, strides = array<i32>} : memref<4x104x128xf32, #tpu.memory_space<vmem>>, vector<1x1x16xf32>,
        %add3A_610 = arith.constant 0 : i32
        %add3A_611 = arith.addi %add3A_610, %add3A_557 : i32
        %get3A_612 = arith.index_cast %add3A_611 : i32 to index
        %get3A_613 = arith.constant 64 : index
        %get3A_614 = tpu.vector_load %arg7[%get3A_612, %get3A_613] {strides = array<i32>} : memref<200x128xf32, #tpu.memory_space<vmem>>, vector<1x16xf32>,
        %get3A_615 = vector.shape_cast %get3A_614 : vector<1x16xf32> to vector<16xf32>
        %swap3A_616 = arith.constant 2 : i32
        %swap3A_617 = arith.index_cast %swap3A_616 : i32 to index
        %swap3A_618 = arith.index_cast %add3A_557 : i32 to index
        %swap3A_619 = arith.constant 64 : index
        %swap3A_620 = tpu.vector_load %arg8[%swap3A_617, %swap3A_618, %swap3A_619] {strides = array<i32>} : memref<4x104x128xf32, #tpu.memory_space<vmem>>, vector<1x1x16xf32>,
        %swap3A_621 = vector.shape_cast %swap3A_620 : vector<1x1x16xf32> to vector<16xf32>
        %swap3A_622 = vector.shape_cast %get3A_615 : vector<16xf32> to vector<1x1x16xf32>
        tpu.vector_store %arg8[%swap3A_617, %swap3A_618, %swap3A_619], %swap3A_622 {add = true, strides = array<i32>} : memref<4x104x128xf32, #tpu.memory_space<vmem>>, vector<1x1x16xf32>,
        %add3A_623 = arith.constant 0 : i32
        %add3A_624 = arith.addi %add3A_623, %add3A_557 : i32
        %get3A_625 = arith.index_cast %add3A_624 : i32 to index
        %get3A_626 = arith.constant 80 : index
        %get3A_627 = tpu.vector_load %arg7[%get3A_625, %get3A_626] {strides = array<i32>} : memref<200x128xf32, #tpu.memory_space<vmem>>, vector<1x16xf32>,
        %get3A_628 = vector.shape_cast %get3A_627 : vector<1x16xf32> to vector<16xf32>
        %swap3A_629 = arith.constant 2 : i32
        %swap3A_630 = arith.index_cast %swap3A_629 : i32 to index
        %swap3A_631 = arith.index_cast %add3A_557 : i32 to index
        %swap3A_632 = arith.constant 80 : index
        %swap3A_633 = tpu.vector_load %arg8[%swap3A_630, %swap3A_631, %swap3A_632] {strides = array<i32>} : memref<4x104x128xf32, #tpu.memory_space<vmem>>, vector<1x1x16xf32>,
        %swap3A_634 = vector.shape_cast %swap3A_633 : vector<1x1x16xf32> to vector<16xf32>
        %swap3A_635 = vector.shape_cast %get3A_628 : vector<16xf32> to vector<1x1x16xf32>
        tpu.vector_store %arg8[%swap3A_630, %swap3A_631, %swap3A_632], %swap3A_635 {add = true, strides = array<i32>} : memref<4x104x128xf32, #tpu.memory_space<vmem>>, vector<1x1x16xf32>,
        %add3A_636 = arith.constant 0 : i32
        %add3A_637 = arith.addi %add3A_636, %add3A_557 : i32
        %get3A_638 = arith.index_cast %add3A_637 : i32 to index
        %get3A_639 = arith.constant 96 : index
        %get3A_640 = tpu.vector_load %arg7[%get3A_638, %get3A_639] {strides = array<i32>} : memref<200x128xf32, #tpu.memory_space<vmem>>, vector<1x16xf32>,
        %get3A_641 = vector.shape_cast %get3A_640 : vector<1x16xf32> to vector<16xf32>
        %swap3A_642 = arith.constant 2 : i32
        %swap3A_643 = arith.index_cast %swap3A_642 : i32 to index
        %swap3A_644 = arith.index_cast %add3A_557 : i32 to index
        %swap3A_645 = arith.constant 96 : index
        %swap3A_646 = tpu.vector_load %arg8[%swap3A_643, %swap3A_644, %swap3A_645] {strides = array<i32>} : memref<4x104x128xf32, #tpu.memory_space<vmem>>, vector<1x1x16xf32>,
        %swap3A_647 = vector.shape_cast %swap3A_646 : vector<1x1x16xf32> to vector<16xf32>
        %swap3A_648 = vector.shape_cast %get3A_641 : vector<16xf32> to vector<1x1x16xf32>
        tpu.vector_store %arg8[%swap3A_643, %swap3A_644, %swap3A_645], %swap3A_648 {add = true, strides = array<i32>} : memref<4x104x128xf32, #tpu.memory_space<vmem>>, vector<1x1x16xf32>,
        %add3A_649 = arith.constant 0 : i32
        %add3A_650 = arith.addi %add3A_649, %add3A_557 : i32
        %get3A_651 = arith.index_cast %add3A_650 : i32 to index
        %get3A_652 = arith.constant 112 : index
        %get3A_653 = tpu.vector_load %arg7[%get3A_651, %get3A_652] {strides = array<i32>} : memref<200x128xf32, #tpu.memory_space<vmem>>, vector<1x16xf32>,
        %get3A_654 = vector.shape_cast %get3A_653 : vector<1x16xf32> to vector<16xf32>
        %swap3A_655 = arith.constant 2 : i32
        %swap3A_656 = arith.index_cast %swap3A_655 : i32 to index
        %swap3A_657 = arith.index_cast %add3A_557 : i32 to index
        %swap3A_658 = arith.constant 112 : index
        %swap3A_659 = tpu.vector_load %arg8[%swap3A_656, %swap3A_657, %swap3A_658] {strides = array<i32>} : memref<4x104x128xf32, #tpu.memory_space<vmem>>, vector<1x1x16xf32>,
        %swap3A_660 = vector.shape_cast %swap3A_659 : vector<1x1x16xf32> to vector<16xf32>
        %swap3A_661 = vector.shape_cast %get3A_654 : vector<16xf32> to vector<1x1x16xf32>
        tpu.vector_store %arg8[%swap3A_656, %swap3A_657, %swap3A_658], %swap3A_661 {add = true, strides = array<i32>} : memref<4x104x128xf32, #tpu.memory_space<vmem>>, vector<1x1x16xf32>,
        %mul3A_662 = arith.constant 4 : i32
        %mul3A_663 = arith.muli %scan3A_339, %mul3A_662 : i32
        %add3A_664 = arith.constant 3 : i32
        %add3A_665 = arith.addi %mul3A_663, %add3A_664 : i32
        %add3A_666 = arith.constant 0 : i32
        %add3A_667 = arith.addi %add3A_666, %add3A_665 : i32
        %get3A_668 = arith.index_cast %add3A_667 : i32 to index
        %get3A_669 = arith.constant 0 : index
        %get3A_670 = tpu.vector_load %arg7[%get3A_668, %get3A_669] {strides = array<i32>} : memref<200x128xf32, #tpu.memory_space<vmem>>, vector<1x16xf32>,
        %get3A_671 = vector.shape_cast %get3A_670 : vector<1x16xf32> to vector<16xf32>
        %swap3A_672 = arith.constant 2 : i32
        %swap3A_673 = arith.index_cast %swap3A_672 : i32 to index
        %swap3A_674 = arith.index_cast %add3A_665 : i32 to index
        %swap3A_675 = arith.constant 0 : index
        %swap3A_676 = tpu.vector_load %arg8[%swap3A_673, %swap3A_674, %swap3A_675] {strides = array<i32>} : memref<4x104x128xf32, #tpu.memory_space<vmem>>, vector<1x1x16xf32>,
        %swap3A_677 = vector.shape_cast %swap3A_676 : vector<1x1x16xf32> to vector<16xf32>
        %swap3A_678 = vector.shape_cast %get3A_671 : vector<16xf32> to vector<1x1x16xf32>
        tpu.vector_store %arg8[%swap3A_673, %swap3A_674, %swap3A_675], %swap3A_678 {add = true, strides = array<i32>} : memref<4x104x128xf32, #tpu.memory_space<vmem>>, vector<1x1x16xf32>,
        %add3A_679 = arith.constant 0 : i32
        %add3A_680 = arith.addi %add3A_679, %add3A_665 : i32
        %get3A_681 = arith.index_cast %add3A_680 : i32 to index
        %get3A_682 = arith.constant 16 : index
        %get3A_683 = tpu.vector_load %arg7[%get3A_681, %get3A_682] {strides = array<i32>} : memref<200x128xf32, #tpu.memory_space<vmem>>, vector<1x16xf32>,
        %get3A_684 = vector.shape_cast %get3A_683 : vector<1x16xf32> to vector<16xf32>
        %swap3A_685 = arith.constant 2 : i32
        %swap3A_686 = arith.index_cast %swap3A_685 : i32 to index
        %swap3A_687 = arith.index_cast %add3A_665 : i32 to index
        %swap3A_688 = arith.constant 16 : index
        %swap3A_689 = tpu.vector_load %arg8[%swap3A_686, %swap3A_687, %swap3A_688] {strides = array<i32>} : memref<4x104x128xf32, #tpu.memory_space<vmem>>, vector<1x1x16xf32>,
        %swap3A_690 = vector.shape_cast %swap3A_689 : vector<1x1x16xf32> to vector<16xf32>
        %swap3A_691 = vector.shape_cast %get3A_684 : vector<16xf32> to vector<1x1x16xf32>
        tpu.vector_store %arg8[%swap3A_686, %swap3A_687, %swap3A_688], %swap3A_691 {add = true, strides = array<i32>} : memref<4x104x128xf32, #tpu.memory_space<vmem>>, vector<1x1x16xf32>,
        %add3A_692 = arith.constant 0 : i32
        %add3A_693 = arith.addi %add3A_692, %add3A_665 : i32
        %get3A_694 = arith.index_cast %add3A_693 : i32 to index
        %get3A_695 = arith.constant 32 : index
        %get3A_696 = tpu.vector_load %arg7[%get3A_694, %get3A_695] {strides = array<i32>} : memref<200x128xf32, #tpu.memory_space<vmem>>, vector<1x16xf32>,
        %get3A_697 = vector.shape_cast %get3A_696 : vector<1x16xf32> to vector<16xf32>
        %swap3A_698 = arith.constant 2 : i32
        %swap3A_699 = arith.index_cast %swap3A_698 : i32 to index
        %swap3A_700 = arith.index_cast %add3A_665 : i32 to index
        %swap3A_701 = arith.constant 32 : index
        %swap3A_702 = tpu.vector_load %arg8[%swap3A_699, %swap3A_700, %swap3A_701] {strides = array<i32>} : memref<4x104x128xf32, #tpu.memory_space<vmem>>, vector<1x1x16xf32>,
        %swap3A_703 = vector.shape_cast %swap3A_702 : vector<1x1x16xf32> to vector<16xf32>
        %swap3A_704 = vector.shape_cast %get3A_697 : vector<16xf32> to vector<1x1x16xf32>
        tpu.vector_store %arg8[%swap3A_699, %swap3A_700, %swap3A_701], %swap3A_704 {add = true, strides = array<i32>} : memref<4x104x128xf32, #tpu.memory_space<vmem>>, vector<1x1x16xf32>,
        %add3A_705 = arith.constant 0 : i32
        %add3A_706 = arith.addi %add3A_705, %add3A_665 : i32
        %get3A_707 = arith.index_cast %add3A_706 : i32 to index
        %get3A_708 = arith.constant 48 : index
        %get3A_709 = tpu.vector_load %arg7[%get3A_707, %get3A_708] {strides = array<i32>} : memref<200x128xf32, #tpu.memory_space<vmem>>, vector<1x16xf32>,
        %get3A_710 = vector.shape_cast %get3A_709 : vector<1x16xf32> to vector<16xf32>
        %swap3A_711 = arith.constant 2 : i32
        %swap3A_712 = arith.index_cast %swap3A_711 : i32 to index
        %swap3A_713 = arith.index_cast %add3A_665 : i32 to index
        %swap3A_714 = arith.constant 48 : index
        %swap3A_715 = tpu.vector_load %arg8[%swap3A_712, %swap3A_713, %swap3A_714] {strides = array<i32>} : memref<4x104x128xf32, #tpu.memory_space<vmem>>, vector<1x1x16xf32>,
        %swap3A_716 = vector.shape_cast %swap3A_715 : vector<1x1x16xf32> to vector<16xf32>
        %swap3A_717 = vector.shape_cast %get3A_710 : vector<16xf32> to vector<1x1x16xf32>
        tpu.vector_store %arg8[%swap3A_712, %swap3A_713, %swap3A_714], %swap3A_717 {add = true, strides = array<i32>} : memref<4x104x128xf32, #tpu.memory_space<vmem>>, vector<1x1x16xf32>,
        %add3A_718 = arith.constant 0 : i32
        %add3A_719 = arith.addi %add3A_718, %add3A_665 : i32
        %get3A_720 = arith.index_cast %add3A_719 : i32 to index
        %get3A_721 = arith.constant 64 : index
        %get3A_722 = tpu.vector_load %arg7[%get3A_720, %get3A_721] {strides = array<i32>} : memref<200x128xf32, #tpu.memory_space<vmem>>, vector<1x16xf32>,
        %get3A_723 = vector.shape_cast %get3A_722 : vector<1x16xf32> to vector<16xf32>
        %swap3A_724 = arith.constant 2 : i32
        %swap3A_725 = arith.index_cast %swap3A_724 : i32 to index
        %swap3A_726 = arith.index_cast %add3A_665 : i32 to index
        %swap3A_727 = arith.constant 64 : index
        %swap3A_728 = tpu.vector_load %arg8[%swap3A_725, %swap3A_726, %swap3A_727] {strides = array<i32>} : memref<4x104x128xf32, #tpu.memory_space<vmem>>, vector<1x1x16xf32>,
        %swap3A_729 = vector.shape_cast %swap3A_728 : vector<1x1x16xf32> to vector<16xf32>
        %swap3A_730 = vector.shape_cast %get3A_723 : vector<16xf32> to vector<1x1x16xf32>
        tpu.vector_store %arg8[%swap3A_725, %swap3A_726, %swap3A_727], %swap3A_730 {add = true, strides = array<i32>} : memref<4x104x128xf32, #tpu.memory_space<vmem>>, vector<1x1x16xf32>,
        %add3A_731 = arith.constant 0 : i32
        %add3A_732 = arith.addi %add3A_731, %add3A_665 : i32
        %get3A_733 = arith.index_cast %add3A_732 : i32 to index
        %get3A_734 = arith.constant 80 : index
        %get3A_735 = tpu.vector_load %arg7[%get3A_733, %get3A_734] {strides = array<i32>} : memref<200x128xf32, #tpu.memory_space<vmem>>, vector<1x16xf32>,
        %get3A_736 = vector.shape_cast %get3A_735 : vector<1x16xf32> to vector<16xf32>
        %swap3A_737 = arith.constant 2 : i32
        %swap3A_738 = arith.index_cast %swap3A_737 : i32 to index
        %swap3A_739 = arith.index_cast %add3A_665 : i32 to index
        %swap3A_740 = arith.constant 80 : index
        %swap3A_741 = tpu.vector_load %arg8[%swap3A_738, %swap3A_739, %swap3A_740] {strides = array<i32>} : memref<4x104x128xf32, #tpu.memory_space<vmem>>, vector<1x1x16xf32>,
        %swap3A_742 = vector.shape_cast %swap3A_741 : vector<1x1x16xf32> to vector<16xf32>
        %swap3A_743 = vector.shape_cast %get3A_736 : vector<16xf32> to vector<1x1x16xf32>
        tpu.vector_store %arg8[%swap3A_738, %swap3A_739, %swap3A_740], %swap3A_743 {add = true, strides = array<i32>} : memref<4x104x128xf32, #tpu.memory_space<vmem>>, vector<1x1x16xf32>,
        %add3A_744 = arith.constant 0 : i32
        %add3A_745 = arith.addi %add3A_744, %add3A_665 : i32
        %get3A_746 = arith.index_cast %add3A_745 : i32 to index
        %get3A_747 = arith.constant 96 : index
        %get3A_748 = tpu.vector_load %arg7[%get3A_746, %get3A_747] {strides = array<i32>} : memref<200x128xf32, #tpu.memory_space<vmem>>, vector<1x16xf32>,
        %get3A_749 = vector.shape_cast %get3A_748 : vector<1x16xf32> to vector<16xf32>
        %swap3A_750 = arith.constant 2 : i32
        %swap3A_751 = arith.index_cast %swap3A_750 : i32 to index
        %swap3A_752 = arith.index_cast %add3A_665 : i32 to index
        %swap3A_753 = arith.constant 96 : index
        %swap3A_754 = tpu.vector_load %arg8[%swap3A_751, %swap3A_752, %swap3A_753] {strides = array<i32>} : memref<4x104x128xf32, #tpu.memory_space<vmem>>, vector<1x1x16xf32>,
        %swap3A_755 = vector.shape_cast %swap3A_754 : vector<1x1x16xf32> to vector<16xf32>
        %swap3A_756 = vector.shape_cast %get3A_749 : vector<16xf32> to vector<1x1x16xf32>
        tpu.vector_store %arg8[%swap3A_751, %swap3A_752, %swap3A_753], %swap3A_756 {add = true, strides = array<i32>} : memref<4x104x128xf32, #tpu.memory_space<vmem>>, vector<1x1x16xf32>,
        %add3A_757 = arith.constant 0 : i32
        %add3A_758 = arith.addi %add3A_757, %add3A_665 : i32
        %get3A_759 = arith.index_cast %add3A_758 : i32 to index
        %get3A_760 = arith.constant 112 : index
        %get3A_761 = tpu.vector_load %arg7[%get3A_759, %get3A_760] {strides = array<i32>} : memref<200x128xf32, #tpu.memory_space<vmem>>, vector<1x16xf32>,
        %get3A_762 = vector.shape_cast %get3A_761 : vector<1x16xf32> to vector<16xf32>
        %swap3A_763 = arith.constant 2 : i32
        %swap3A_764 = arith.index_cast %swap3A_763 : i32 to index
        %swap3A_765 = arith.index_cast %add3A_665 : i32 to index
        %swap3A_766 = arith.constant 112 : index
        %swap3A_767 = tpu.vector_load %arg8[%swap3A_764, %swap3A_765, %swap3A_766] {strides = array<i32>} : memref<4x104x128xf32, #tpu.memory_space<vmem>>, vector<1x1x16xf32>,
        %swap3A_768 = vector.shape_cast %swap3A_767 : vector<1x1x16xf32> to vector<16xf32>
        %swap3A_769 = vector.shape_cast %get3A_762 : vector<16xf32> to vector<1x1x16xf32>
        tpu.vector_store %arg8[%swap3A_764, %swap3A_765, %swap3A_766], %swap3A_769 {add = true, strides = array<i32>} : memref<4x104x128xf32, #tpu.memory_space<vmem>>, vector<1x1x16xf32>,
      }
      %scan3A_243 = arith.constant 24 : i32
      %ge3A_244 = arith.constant 1 : i32
      %ge3A_245 = arith.cmpi sge, %add3A_226, %ge3A_244 : i32
      %convert_element_type3A_246 = arith.extui %ge3A_245 : i1 to i32
      %cond3A_247 = arith.constant 0 : i32
      %cond3A_248 = arith.cmpi ne, %convert_element_type3A_246, %cond3A_247 : i32
      scf.if %cond3A_248 {
        %dma_wait3A_339 = arith.constant 1 : i32
        %dma_wait3A_340 = arith.constant 1 : i32
        %dma_wait3A_341 = arith.constant 0 : i32
        %dma_wait3A_342 = arith.constant 0 : i32
        %dma_wait3A_343 = tpu.memref_slice %arg8[%dma_wait3A_339, %dma_wait3A_341, %dma_wait3A_342] : memref<4x104x128xf32, #tpu.memory_space<vmem>> -> memref<1x104x128xf32, #tpu.memory_space<vmem>>
        %dma_wait3A_344 = tpu.memref_squeeze %dma_wait3A_343 : memref<1x104x128xf32, #tpu.memory_space<vmem>> -> memref<104x128xf32, #tpu.memory_space<vmem>>
        %dma_wait3A_345 = arith.constant 0 : i32
        %dma_wait3A_346 = arith.constant 0 : i32
        %dma_wait3A_347 = tpu.memref_slice %arg9[%arg1, %dma_wait3A_340, %dma_wait3A_345, %dma_wait3A_346] : memref<16x2x104x128xf32, #tpu.memory_space<vmem_shared>> -> memref<1x1x104x128xf32, #tpu.memory_space<vmem_shared>>
        %dma_wait3A_348 = tpu.memref_squeeze %dma_wait3A_347 : memref<1x1x104x128xf32, #tpu.memory_space<vmem_shared>> -> memref<104x128xf32, #tpu.memory_space<vmem_shared>>
        %dma_wait3A_349 = arith.constant 0 : i32
        %dma_wait3A_350 = arith.constant 0 : i32
        %dma_wait3A_351 = tpu.memref_slice %arg9[%arg1, %dma_wait3A_340, %dma_wait3A_349, %dma_wait3A_350] : memref<16x2x104x128xf32, #tpu.memory_space<vmem_shared>> -> memref<1x1x104x128xf32, #tpu.memory_space<vmem_shared>>
        %dma_wait3A_352 = tpu.memref_squeeze %dma_wait3A_351 : memref<1x1x104x128xf32, #tpu.memory_space<vmem_shared>> -> memref<104x128xf32, #tpu.memory_space<vmem_shared>>
        %dma_wait3A_353 = arith.constant 0 : i32
        %dma_wait3A_354 = arith.constant 0 : i32
        %dma_wait3A_355 = tpu.memref_slice %arg8[%dma_wait3A_339, %dma_wait3A_353, %dma_wait3A_354] : memref<4x104x128xf32, #tpu.memory_space<vmem>> -> memref<1x104x128xf32, #tpu.memory_space<vmem>>
        %dma_wait3A_356 = tpu.memref_squeeze %dma_wait3A_355 : memref<1x104x128xf32, #tpu.memory_space<vmem>> -> memref<104x128xf32, #tpu.memory_space<vmem>>
        tpu.wait_dma2 semaphore(%arg15 : memref<!tpu.dma_semaphore, #tpu.memory_space<semaphore_mem>>) src(%dma_wait3A_356 : memref<104x128xf32, #tpu.memory_space<vmem>>) dst(%dma_wait3A_352 : memref<104x128xf32, #tpu.memory_space<vmem_shared>>)
        %sub3A_357 = arith.constant 1 : i32
        %sub3A_358 = arith.subi %add3A_226, %sub3A_357 : i32
        %mul3A_359 = arith.constant 32 : i32
        %mul3A_360 = arith.muli %add3A, %mul3A_359 : i32
        %shift_right_arithmetic3A = arith.constant 1 : i32
        %shift_right_arithmetic3A_361 = arith.shrsi %sub3A_358, %shift_right_arithmetic3A : i32
        %add3A_362 = arith.addi %mul3A_360, %shift_right_arithmetic3A_361 : i32
        %dma_start3A_363 = arith.constant 1 : i32
        %dma_start3A_364 = arith.constant 96 : i32
        %dma_start3A_365 = arith.constant 0 : i32
        %dma_start3A_366 = tpu.memref_slice %arg5[%add3A_362, %dma_start3A_364, %dma_start3A_365] : memref<1024x200x128xf32, #tpu.memory_space<hbm>> -> memref<1x104x128xf32, #tpu.memory_space<hbm>>
        %dma_start3A_367 = tpu.memref_squeeze %dma_start3A_366 : memref<1x104x128xf32, #tpu.memory_space<hbm>> -> memref<104x128xf32, #tpu.memory_space<hbm>>
        %dma_start3A_368 = arith.constant 0 : i32
        %dma_start3A_369 = arith.constant 0 : i32
        %dma_start3A_370 = tpu.memref_slice %arg9[%arg1, %dma_start3A_363, %dma_start3A_368, %dma_start3A_369] : memref<16x2x104x128xf32, #tpu.memory_space<vmem_shared>> -> memref<1x1x104x128xf32, #tpu.memory_space<vmem_shared>>
        %dma_start3A_371 = tpu.memref_squeeze %dma_start3A_370 : memref<1x1x104x128xf32, #tpu.memory_space<vmem_shared>> -> memref<104x128xf32, #tpu.memory_space<vmem_shared>>
        tpu.enqueue_dma source(%dma_start3A_371 : memref<104x128xf32, #tpu.memory_space<vmem_shared>>) target(%dma_start3A_367 : memref<104x128xf32, #tpu.memory_space<hbm>>) target_semaphore(%arg19 : memref<!tpu.dma_semaphore, #tpu.memory_space<semaphore_mem>>)
      } else {
      }
      %ge3A_249 = arith.constant 2 : i32
      %ge3A_250 = arith.cmpi sge, %add3A_226, %ge3A_249 : i32
      %convert_element_type3A_251 = arith.extui %ge3A_250 : i1 to i32
      %cond3A_252 = arith.constant 0 : i32
      %cond3A_253 = arith.cmpi ne, %convert_element_type3A_251, %cond3A_252 : i32
      scf.if %cond3A_253 {
        %sub3A_339 = arith.constant 2 : i32
        %sub3A_340 = arith.subi %add3A_226, %sub3A_339 : i32
        %mul3A_341 = arith.constant 32 : i32
        %mul3A_342 = arith.muli %add3A, %mul3A_341 : i32
        %shift_right_arithmetic3A = arith.constant 1 : i32
        %shift_right_arithmetic3A_343 = arith.shrsi %sub3A_340, %shift_right_arithmetic3A : i32
        %add3A_344 = arith.addi %mul3A_342, %shift_right_arithmetic3A_343 : i32
        %dma_wait3A_345 = arith.constant 0 : i32
        %dma_wait3A_346 = arith.constant 0 : i32
        %dma_wait3A_347 = arith.constant 0 : i32
        %dma_wait3A_348 = tpu.memref_slice %arg5[%add3A_344, %dma_wait3A_346, %dma_wait3A_347] : memref<1024x200x128xf32, #tpu.memory_space<hbm>> -> memref<1x96x128xf32, #tpu.memory_space<hbm>>
        %dma_wait3A_349 = tpu.memref_squeeze %dma_wait3A_348 : memref<1x96x128xf32, #tpu.memory_space<hbm>> -> memref<96x128xf32, #tpu.memory_space<hbm>>
        %dma_wait3A_350 = arith.constant 0 : i32
        %dma_wait3A_351 = arith.constant 0 : i32
        %dma_wait3A_352 = tpu.memref_slice %arg9[%arg1, %dma_wait3A_345, %dma_wait3A_350, %dma_wait3A_351] : memref<16x2x104x128xf32, #tpu.memory_space<vmem_shared>> -> memref<1x1x96x128xf32, #tpu.memory_space<vmem_shared>>
        %dma_wait3A_353 = tpu.memref_squeeze %dma_wait3A_352 : memref<1x1x96x128xf32, #tpu.memory_space<vmem_shared>> -> memref<96x128xf32, #tpu.memory_space<vmem_shared>>
        tpu.wait_dma2 semaphore(%arg18 : memref<!tpu.dma_semaphore, #tpu.memory_space<semaphore_mem>>) src(%dma_wait3A_353 : memref<96x128xf32, #tpu.memory_space<vmem_shared>>) dst(%dma_wait3A_349 : memref<96x128xf32, #tpu.memory_space<hbm>>)
      } else {
      }
      %dma_start3A_254 = arith.constant 2 : i32
      %dma_start3A_255 = arith.constant 0 : i32
      %dma_start3A_256 = arith.constant 0 : i32
      %dma_start3A_257 = arith.constant 0 : i32
      %dma_start3A_258 = tpu.memref_slice %arg8[%dma_start3A_254, %dma_start3A_256, %dma_start3A_257] : memref<4x104x128xf32, #tpu.memory_space<vmem>> -> memref<1x96x128xf32, #tpu.memory_space<vmem>>
      %dma_start3A_259 = tpu.memref_squeeze %dma_start3A_258 : memref<1x96x128xf32, #tpu.memory_space<vmem>> -> memref<96x128xf32, #tpu.memory_space<vmem>>
      %dma_start3A_260 = arith.constant 0 : i32
      %dma_start3A_261 = arith.constant 0 : i32
      %dma_start3A_262 = tpu.memref_slice %arg9[%arg1, %dma_start3A_255, %dma_start3A_260, %dma_start3A_261] : memref<16x2x104x128xf32, #tpu.memory_space<vmem_shared>> -> memref<1x1x96x128xf32, #tpu.memory_space<vmem_shared>>
      %dma_start3A_263 = tpu.memref_squeeze %dma_start3A_262 : memref<1x1x96x128xf32, #tpu.memory_space<vmem_shared>> -> memref<96x128xf32, #tpu.memory_space<vmem_shared>>
      %dma_start3A_264 = arith.constant 0 : i32
      %dma_start3A_265 = arith.constant 0 : i32
      %dma_start3A_266 = tpu.memref_slice %arg9[%arg1, %dma_start3A_255, %dma_start3A_264, %dma_start3A_265] : memref<16x2x104x128xf32, #tpu.memory_space<vmem_shared>> -> memref<1x1x96x128xf32, #tpu.memory_space<vmem_shared>>
      %dma_start3A_267 = tpu.memref_squeeze %dma_start3A_266 : memref<1x1x96x128xf32, #tpu.memory_space<vmem_shared>> -> memref<96x128xf32, #tpu.memory_space<vmem_shared>>
      %dma_start3A_268 = arith.constant 0 : i32
      %dma_start3A_269 = arith.constant 0 : i32
      %dma_start3A_270 = tpu.memref_slice %arg8[%dma_start3A_254, %dma_start3A_268, %dma_start3A_269] : memref<4x104x128xf32, #tpu.memory_space<vmem>> -> memref<1x96x128xf32, #tpu.memory_space<vmem>>
      %dma_start3A_271 = tpu.memref_squeeze %dma_start3A_270 : memref<1x96x128xf32, #tpu.memory_space<vmem>> -> memref<96x128xf32, #tpu.memory_space<vmem>>
      tpu.enqueue_dma source(%dma_start3A_271 : memref<96x128xf32, #tpu.memory_space<vmem>>) target(%dma_start3A_267 : memref<96x128xf32, #tpu.memory_space<vmem_shared>>) target_semaphore(%arg16 : memref<!tpu.dma_semaphore, #tpu.memory_space<semaphore_mem>>)
      %add3A_272 = arith.constant 4 : i32
      %add3A_273 = arith.addi %add3A_226, %add3A_272 : i32
      %sub3A_274 = arith.constant 1 : i32
      %sub3A_275 = arith.subi %add3A_273, %sub3A_274 : i32
      %lt3A_276 = arith.constant 64 : i32
      %lt3A_277 = arith.cmpi slt, %sub3A_275, %lt3A_276 : i32
      %convert_element_type3A_278 = arith.extui %lt3A_277 : i1 to i32
      %cond3A_279 = arith.constant 0 : i32
      %cond3A_280 = arith.cmpi ne, %convert_element_type3A_278, %cond3A_279 : i32
      scf.if %cond3A_280 {
        %dma_start3A_339 = arith.constant 1 : i32
        %dma_start3A_340 = arith.constant 0 : i32
        %dma_start3A_341 = arith.constant 0 : i32
        %dma_start3A_342 = tpu.memref_slice %arg8[%dma_start3A_339, %dma_start3A_340, %dma_start3A_341] : memref<4x104x128xf32, #tpu.memory_space<vmem>> -> memref<1x104x128xf32, #tpu.memory_space<vmem>>
        %dma_start3A_343 = tpu.memref_squeeze %dma_start3A_342 : memref<1x104x128xf32, #tpu.memory_space<vmem>> -> memref<104x128xf32, #tpu.memory_space<vmem>>
        %dma_start3A_344 = arith.constant 0 : i32
        %dma_start3A_345 = tpu.memref_slice %arg6[%sub3A_275, %dma_start3A_344] : memref<64x104xi32, #tpu.memory_space<vmem>> -> memref<1x104xi32, #tpu.memory_space<vmem>>
        %dma_start3A_346 = tpu.memref_squeeze %dma_start3A_345 : memref<1x104xi32, #tpu.memory_space<vmem>> -> memref<104xi32, #tpu.memory_space<vmem>>
        %dma_start3A_347 = arith.constant 0 : i32
        %dma_start3A_348 = arith.constant 0 : i32
        %dma_start3A_349 = tpu.memref_slice %arg3[%dma_start3A_347, %dma_start3A_348] : memref<1000000x128xf32, #tpu.memory_space<hbm>> -> memref<1000000x128xf32, #tpu.memory_space<hbm>>
        tpu.enqueue_indirect_dma source(%dma_start3A_349 : memref<1000000x128xf32, #tpu.memory_space<hbm>>) target(%dma_start3A_343 : memref<104x128xf32, #tpu.memory_space<vmem>>) offsets(%dma_start3A_346 : memref<104xi32, #tpu.memory_space<vmem>>) semaphore(%arg11 : memref<!tpu.dma_semaphore, #tpu.memory_space<semaphore_mem>>)
      } else {
      }
      %mul3A_281 = arith.constant 4 : i32
      %mul3A_282 = arith.muli %scan3A_111, %mul3A_281 : i32
      %add3A_283 = arith.constant 3 : i32
      %add3A_284 = arith.addi %mul3A_282, %add3A_283 : i32
      %dma_wait3A_285 = arith.constant 3 : i32
      %dma_wait3A_286 = arith.constant 0 : i32
      %dma_wait3A_287 = arith.constant 0 : i32
      %dma_wait3A_288 = tpu.memref_slice %arg8[%dma_wait3A_285, %dma_wait3A_286, %dma_wait3A_287] : memref<4x104x128xf32, #tpu.memory_space<vmem>> -> memref<1x104x128xf32, #tpu.memory_space<vmem>>
      %dma_wait3A_289 = tpu.memref_squeeze %dma_wait3A_288 : memref<1x104x128xf32, #tpu.memory_space<vmem>> -> memref<104x128xf32, #tpu.memory_space<vmem>>
      %dma_wait3A_290 = arith.constant 0 : i32
      %dma_wait3A_291 = tpu.memref_slice %arg6[%add3A_284, %dma_wait3A_290] : memref<64x104xi32, #tpu.memory_space<vmem>> -> memref<1x104xi32, #tpu.memory_space<vmem>>
      %dma_wait3A_292 = tpu.memref_squeeze %dma_wait3A_291 : memref<1x104xi32, #tpu.memory_space<vmem>> -> memref<104xi32, #tpu.memory_space<vmem>>
      %dma_wait3A_293 = arith.constant 0 : i32
      %dma_wait3A_294 = arith.constant 0 : i32
      %dma_wait3A_295 = tpu.memref_slice %arg3[%dma_wait3A_293, %dma_wait3A_294] : memref<1000000x128xf32, #tpu.memory_space<hbm>> -> memref<1000000x128xf32, #tpu.memory_space<hbm>>
      tpu.wait_indirect_dma semaphore(%arg13 : memref<!tpu.dma_semaphore, #tpu.memory_space<semaphore_mem>>) src(%dma_wait3A_295 : memref<1000000x128xf32, #tpu.memory_space<hbm>>) dst(%dma_wait3A_289 : memref<104x128xf32, #tpu.memory_space<vmem>>)
      %scan3A_296 = arith.constant 0 : i32
      %scan3A_297 = arith.constant 0 : i32
      %scan3A_298 = arith.constant 26 : i32
      %scan3A_299 = arith.addi %scan3A_297, %scan3A_298 : i32
      %scan3A_300 = arith.constant 1 : i32
      scf.for %scan3A_339 = %scan3A_297 to %scan3A_299 step %scan3A_300  : i32 {
        %mul3A_340 = arith.constant 4 : i32
        %mul3A_341 = arith.muli %scan3A_339, %mul3A_340 : i32
        %add3A_342 = arith.constant 0 : i32
        %add3A_343 = arith.addi %mul3A_341, %add3A_342 : i32
        %add3A_344 = arith.constant 96 : i32
        %add3A_345 = arith.addi %add3A_344, %add3A_343 : i32
        %get3A = arith.index_cast %add3A_345 : i32 to index
        %get3A_346 = arith.constant 0 : index
        %get3A_347 = tpu.vector_load %arg7[%get3A, %get3A_346] {strides = array<i32>} : memref<200x128xf32, #tpu.memory_space<vmem>>, vector<1x16xf32>,
        %get3A_348 = vector.shape_cast %get3A_347 : vector<1x16xf32> to vector<16xf32>
        %swap3A = arith.constant 3 : i32
        %swap3A_349 = arith.index_cast %swap3A : i32 to index
        %swap3A_350 = arith.index_cast %add3A_343 : i32 to index
        %swap3A_351 = arith.constant 0 : index
        %swap3A_352 = tpu.vector_load %arg8[%swap3A_349, %swap3A_350, %swap3A_351] {strides = array<i32>} : memref<4x104x128xf32, #tpu.memory_space<vmem>>, vector<1x1x16xf32>,
        %swap3A_353 = vector.shape_cast %swap3A_352 : vector<1x1x16xf32> to vector<16xf32>
        %swap3A_354 = vector.shape_cast %get3A_348 : vector<16xf32> to vector<1x1x16xf32>
        tpu.vector_store %arg8[%swap3A_349, %swap3A_350, %swap3A_351], %swap3A_354 {add = true, strides = array<i32>} : memref<4x104x128xf32, #tpu.memory_space<vmem>>, vector<1x1x16xf32>,
        %add3A_355 = arith.constant 96 : i32
        %add3A_356 = arith.addi %add3A_355, %add3A_343 : i32
        %get3A_357 = arith.index_cast %add3A_356 : i32 to index
        %get3A_358 = arith.constant 16 : index
        %get3A_359 = tpu.vector_load %arg7[%get3A_357, %get3A_358] {strides = array<i32>} : memref<200x128xf32, #tpu.memory_space<vmem>>, vector<1x16xf32>,
        %get3A_360 = vector.shape_cast %get3A_359 : vector<1x16xf32> to vector<16xf32>
        %swap3A_361 = arith.constant 3 : i32
        %swap3A_362 = arith.index_cast %swap3A_361 : i32 to index
        %swap3A_363 = arith.index_cast %add3A_343 : i32 to index
        %swap3A_364 = arith.constant 16 : index
        %swap3A_365 = tpu.vector_load %arg8[%swap3A_362, %swap3A_363, %swap3A_364] {strides = array<i32>} : memref<4x104x128xf32, #tpu.memory_space<vmem>>, vector<1x1x16xf32>,
        %swap3A_366 = vector.shape_cast %swap3A_365 : vector<1x1x16xf32> to vector<16xf32>
        %swap3A_367 = vector.shape_cast %get3A_360 : vector<16xf32> to vector<1x1x16xf32>
        tpu.vector_store %arg8[%swap3A_362, %swap3A_363, %swap3A_364], %swap3A_367 {add = true, strides = array<i32>} : memref<4x104x128xf32, #tpu.memory_space<vmem>>, vector<1x1x16xf32>,
        %add3A_368 = arith.constant 96 : i32
        %add3A_369 = arith.addi %add3A_368, %add3A_343 : i32
        %get3A_370 = arith.index_cast %add3A_369 : i32 to index
        %get3A_371 = arith.constant 32 : index
        %get3A_372 = tpu.vector_load %arg7[%get3A_370, %get3A_371] {strides = array<i32>} : memref<200x128xf32, #tpu.memory_space<vmem>>, vector<1x16xf32>,
        %get3A_373 = vector.shape_cast %get3A_372 : vector<1x16xf32> to vector<16xf32>
        %swap3A_374 = arith.constant 3 : i32
        %swap3A_375 = arith.index_cast %swap3A_374 : i32 to index
        %swap3A_376 = arith.index_cast %add3A_343 : i32 to index
        %swap3A_377 = arith.constant 32 : index
        %swap3A_378 = tpu.vector_load %arg8[%swap3A_375, %swap3A_376, %swap3A_377] {strides = array<i32>} : memref<4x104x128xf32, #tpu.memory_space<vmem>>, vector<1x1x16xf32>,
        %swap3A_379 = vector.shape_cast %swap3A_378 : vector<1x1x16xf32> to vector<16xf32>
        %swap3A_380 = vector.shape_cast %get3A_373 : vector<16xf32> to vector<1x1x16xf32>
        tpu.vector_store %arg8[%swap3A_375, %swap3A_376, %swap3A_377], %swap3A_380 {add = true, strides = array<i32>} : memref<4x104x128xf32, #tpu.memory_space<vmem>>, vector<1x1x16xf32>,
        %add3A_381 = arith.constant 96 : i32
        %add3A_382 = arith.addi %add3A_381, %add3A_343 : i32
        %get3A_383 = arith.index_cast %add3A_382 : i32 to index
        %get3A_384 = arith.constant 48 : index
        %get3A_385 = tpu.vector_load %arg7[%get3A_383, %get3A_384] {strides = array<i32>} : memref<200x128xf32, #tpu.memory_space<vmem>>, vector<1x16xf32>,
        %get3A_386 = vector.shape_cast %get3A_385 : vector<1x16xf32> to vector<16xf32>
        %swap3A_387 = arith.constant 3 : i32
        %swap3A_388 = arith.index_cast %swap3A_387 : i32 to index
        %swap3A_389 = arith.index_cast %add3A_343 : i32 to index
        %swap3A_390 = arith.constant 48 : index
        %swap3A_391 = tpu.vector_load %arg8[%swap3A_388, %swap3A_389, %swap3A_390] {strides = array<i32>} : memref<4x104x128xf32, #tpu.memory_space<vmem>>, vector<1x1x16xf32>,
        %swap3A_392 = vector.shape_cast %swap3A_391 : vector<1x1x16xf32> to vector<16xf32>
        %swap3A_393 = vector.shape_cast %get3A_386 : vector<16xf32> to vector<1x1x16xf32>
        tpu.vector_store %arg8[%swap3A_388, %swap3A_389, %swap3A_390], %swap3A_393 {add = true, strides = array<i32>} : memref<4x104x128xf32, #tpu.memory_space<vmem>>, vector<1x1x16xf32>,
        %add3A_394 = arith.constant 96 : i32
        %add3A_395 = arith.addi %add3A_394, %add3A_343 : i32
        %get3A_396 = arith.index_cast %add3A_395 : i32 to index
        %get3A_397 = arith.constant 64 : index
        %get3A_398 = tpu.vector_load %arg7[%get3A_396, %get3A_397] {strides = array<i32>} : memref<200x128xf32, #tpu.memory_space<vmem>>, vector<1x16xf32>,
        %get3A_399 = vector.shape_cast %get3A_398 : vector<1x16xf32> to vector<16xf32>
        %swap3A_400 = arith.constant 3 : i32
        %swap3A_401 = arith.index_cast %swap3A_400 : i32 to index
        %swap3A_402 = arith.index_cast %add3A_343 : i32 to index
        %swap3A_403 = arith.constant 64 : index
        %swap3A_404 = tpu.vector_load %arg8[%swap3A_401, %swap3A_402, %swap3A_403] {strides = array<i32>} : memref<4x104x128xf32, #tpu.memory_space<vmem>>, vector<1x1x16xf32>,
        %swap3A_405 = vector.shape_cast %swap3A_404 : vector<1x1x16xf32> to vector<16xf32>
        %swap3A_406 = vector.shape_cast %get3A_399 : vector<16xf32> to vector<1x1x16xf32>
        tpu.vector_store %arg8[%swap3A_401, %swap3A_402, %swap3A_403], %swap3A_406 {add = true, strides = array<i32>} : memref<4x104x128xf32, #tpu.memory_space<vmem>>, vector<1x1x16xf32>,
        %add3A_407 = arith.constant 96 : i32
        %add3A_408 = arith.addi %add3A_407, %add3A_343 : i32
        %get3A_409 = arith.index_cast %add3A_408 : i32 to index
        %get3A_410 = arith.constant 80 : index
        %get3A_411 = tpu.vector_load %arg7[%get3A_409, %get3A_410] {strides = array<i32>} : memref<200x128xf32, #tpu.memory_space<vmem>>, vector<1x16xf32>,
        %get3A_412 = vector.shape_cast %get3A_411 : vector<1x16xf32> to vector<16xf32>
        %swap3A_413 = arith.constant 3 : i32
        %swap3A_414 = arith.index_cast %swap3A_413 : i32 to index
        %swap3A_415 = arith.index_cast %add3A_343 : i32 to index
        %swap3A_416 = arith.constant 80 : index
        %swap3A_417 = tpu.vector_load %arg8[%swap3A_414, %swap3A_415, %swap3A_416] {strides = array<i32>} : memref<4x104x128xf32, #tpu.memory_space<vmem>>, vector<1x1x16xf32>,
        %swap3A_418 = vector.shape_cast %swap3A_417 : vector<1x1x16xf32> to vector<16xf32>
        %swap3A_419 = vector.shape_cast %get3A_412 : vector<16xf32> to vector<1x1x16xf32>
        tpu.vector_store %arg8[%swap3A_414, %swap3A_415, %swap3A_416], %swap3A_419 {add = true, strides = array<i32>} : memref<4x104x128xf32, #tpu.memory_space<vmem>>, vector<1x1x16xf32>,
        %add3A_420 = arith.constant 96 : i32
        %add3A_421 = arith.addi %add3A_420, %add3A_343 : i32
        %get3A_422 = arith.index_cast %add3A_421 : i32 to index
        %get3A_423 = arith.constant 96 : index
        %get3A_424 = tpu.vector_load %arg7[%get3A_422, %get3A_423] {strides = array<i32>} : memref<200x128xf32, #tpu.memory_space<vmem>>, vector<1x16xf32>,
        %get3A_425 = vector.shape_cast %get3A_424 : vector<1x16xf32> to vector<16xf32>
        %swap3A_426 = arith.constant 3 : i32
        %swap3A_427 = arith.index_cast %swap3A_426 : i32 to index
        %swap3A_428 = arith.index_cast %add3A_343 : i32 to index
        %swap3A_429 = arith.constant 96 : index
        %swap3A_430 = tpu.vector_load %arg8[%swap3A_427, %swap3A_428, %swap3A_429] {strides = array<i32>} : memref<4x104x128xf32, #tpu.memory_space<vmem>>, vector<1x1x16xf32>,
        %swap3A_431 = vector.shape_cast %swap3A_430 : vector<1x1x16xf32> to vector<16xf32>
        %swap3A_432 = vector.shape_cast %get3A_425 : vector<16xf32> to vector<1x1x16xf32>
        tpu.vector_store %arg8[%swap3A_427, %swap3A_428, %swap3A_429], %swap3A_432 {add = true, strides = array<i32>} : memref<4x104x128xf32, #tpu.memory_space<vmem>>, vector<1x1x16xf32>,
        %add3A_433 = arith.constant 96 : i32
        %add3A_434 = arith.addi %add3A_433, %add3A_343 : i32
        %get3A_435 = arith.index_cast %add3A_434 : i32 to index
        %get3A_436 = arith.constant 112 : index
        %get3A_437 = tpu.vector_load %arg7[%get3A_435, %get3A_436] {strides = array<i32>} : memref<200x128xf32, #tpu.memory_space<vmem>>, vector<1x16xf32>,
        %get3A_438 = vector.shape_cast %get3A_437 : vector<1x16xf32> to vector<16xf32>
        %swap3A_439 = arith.constant 3 : i32
        %swap3A_440 = arith.index_cast %swap3A_439 : i32 to index
        %swap3A_441 = arith.index_cast %add3A_343 : i32 to index
        %swap3A_442 = arith.constant 112 : index
        %swap3A_443 = tpu.vector_load %arg8[%swap3A_440, %swap3A_441, %swap3A_442] {strides = array<i32>} : memref<4x104x128xf32, #tpu.memory_space<vmem>>, vector<1x1x16xf32>,
        %swap3A_444 = vector.shape_cast %swap3A_443 : vector<1x1x16xf32> to vector<16xf32>
        %swap3A_445 = vector.shape_cast %get3A_438 : vector<16xf32> to vector<1x1x16xf32>
        tpu.vector_store %arg8[%swap3A_440, %swap3A_441, %swap3A_442], %swap3A_445 {add = true, strides = array<i32>} : memref<4x104x128xf32, #tpu.memory_space<vmem>>, vector<1x1x16xf32>,
        %mul3A_446 = arith.constant 4 : i32
        %mul3A_447 = arith.muli %scan3A_339, %mul3A_446 : i32
        %add3A_448 = arith.constant 1 : i32
        %add3A_449 = arith.addi %mul3A_447, %add3A_448 : i32
        %add3A_450 = arith.constant 96 : i32
        %add3A_451 = arith.addi %add3A_450, %add3A_449 : i32
        %get3A_452 = arith.index_cast %add3A_451 : i32 to index
        %get3A_453 = arith.constant 0 : index
        %get3A_454 = tpu.vector_load %arg7[%get3A_452, %get3A_453] {strides = array<i32>} : memref<200x128xf32, #tpu.memory_space<vmem>>, vector<1x16xf32>,
        %get3A_455 = vector.shape_cast %get3A_454 : vector<1x16xf32> to vector<16xf32>
        %swap3A_456 = arith.constant 3 : i32
        %swap3A_457 = arith.index_cast %swap3A_456 : i32 to index
        %swap3A_458 = arith.index_cast %add3A_449 : i32 to index
        %swap3A_459 = arith.constant 0 : index
        %swap3A_460 = tpu.vector_load %arg8[%swap3A_457, %swap3A_458, %swap3A_459] {strides = array<i32>} : memref<4x104x128xf32, #tpu.memory_space<vmem>>, vector<1x1x16xf32>,
        %swap3A_461 = vector.shape_cast %swap3A_460 : vector<1x1x16xf32> to vector<16xf32>
        %swap3A_462 = vector.shape_cast %get3A_455 : vector<16xf32> to vector<1x1x16xf32>
        tpu.vector_store %arg8[%swap3A_457, %swap3A_458, %swap3A_459], %swap3A_462 {add = true, strides = array<i32>} : memref<4x104x128xf32, #tpu.memory_space<vmem>>, vector<1x1x16xf32>,
        %add3A_463 = arith.constant 96 : i32
        %add3A_464 = arith.addi %add3A_463, %add3A_449 : i32
        %get3A_465 = arith.index_cast %add3A_464 : i32 to index
        %get3A_466 = arith.constant 16 : index
        %get3A_467 = tpu.vector_load %arg7[%get3A_465, %get3A_466] {strides = array<i32>} : memref<200x128xf32, #tpu.memory_space<vmem>>, vector<1x16xf32>,
        %get3A_468 = vector.shape_cast %get3A_467 : vector<1x16xf32> to vector<16xf32>
        %swap3A_469 = arith.constant 3 : i32
        %swap3A_470 = arith.index_cast %swap3A_469 : i32 to index
        %swap3A_471 = arith.index_cast %add3A_449 : i32 to index
        %swap3A_472 = arith.constant 16 : index
        %swap3A_473 = tpu.vector_load %arg8[%swap3A_470, %swap3A_471, %swap3A_472] {strides = array<i32>} : memref<4x104x128xf32, #tpu.memory_space<vmem>>, vector<1x1x16xf32>,
        %swap3A_474 = vector.shape_cast %swap3A_473 : vector<1x1x16xf32> to vector<16xf32>
        %swap3A_475 = vector.shape_cast %get3A_468 : vector<16xf32> to vector<1x1x16xf32>
        tpu.vector_store %arg8[%swap3A_470, %swap3A_471, %swap3A_472], %swap3A_475 {add = true, strides = array<i32>} : memref<4x104x128xf32, #tpu.memory_space<vmem>>, vector<1x1x16xf32>,
        %add3A_476 = arith.constant 96 : i32
        %add3A_477 = arith.addi %add3A_476, %add3A_449 : i32
        %get3A_478 = arith.index_cast %add3A_477 : i32 to index
        %get3A_479 = arith.constant 32 : index
        %get3A_480 = tpu.vector_load %arg7[%get3A_478, %get3A_479] {strides = array<i32>} : memref<200x128xf32, #tpu.memory_space<vmem>>, vector<1x16xf32>,
        %get3A_481 = vector.shape_cast %get3A_480 : vector<1x16xf32> to vector<16xf32>
        %swap3A_482 = arith.constant 3 : i32
        %swap3A_483 = arith.index_cast %swap3A_482 : i32 to index
        %swap3A_484 = arith.index_cast %add3A_449 : i32 to index
        %swap3A_485 = arith.constant 32 : index
        %swap3A_486 = tpu.vector_load %arg8[%swap3A_483, %swap3A_484, %swap3A_485] {strides = array<i32>} : memref<4x104x128xf32, #tpu.memory_space<vmem>>, vector<1x1x16xf32>,
        %swap3A_487 = vector.shape_cast %swap3A_486 : vector<1x1x16xf32> to vector<16xf32>
        %swap3A_488 = vector.shape_cast %get3A_481 : vector<16xf32> to vector<1x1x16xf32>
        tpu.vector_store %arg8[%swap3A_483, %swap3A_484, %swap3A_485], %swap3A_488 {add = true, strides = array<i32>} : memref<4x104x128xf32, #tpu.memory_space<vmem>>, vector<1x1x16xf32>,
        %add3A_489 = arith.constant 96 : i32
        %add3A_490 = arith.addi %add3A_489, %add3A_449 : i32
        %get3A_491 = arith.index_cast %add3A_490 : i32 to index
        %get3A_492 = arith.constant 48 : index
        %get3A_493 = tpu.vector_load %arg7[%get3A_491, %get3A_492] {strides = array<i32>} : memref<200x128xf32, #tpu.memory_space<vmem>>, vector<1x16xf32>,
        %get3A_494 = vector.shape_cast %get3A_493 : vector<1x16xf32> to vector<16xf32>
        %swap3A_495 = arith.constant 3 : i32
        %swap3A_496 = arith.index_cast %swap3A_495 : i32 to index
        %swap3A_497 = arith.index_cast %add3A_449 : i32 to index
        %swap3A_498 = arith.constant 48 : index
        %swap3A_499 = tpu.vector_load %arg8[%swap3A_496, %swap3A_497, %swap3A_498] {strides = array<i32>} : memref<4x104x128xf32, #tpu.memory_space<vmem>>, vector<1x1x16xf32>,
        %swap3A_500 = vector.shape_cast %swap3A_499 : vector<1x1x16xf32> to vector<16xf32>
        %swap3A_501 = vector.shape_cast %get3A_494 : vector<16xf32> to vector<1x1x16xf32>
        tpu.vector_store %arg8[%swap3A_496, %swap3A_497, %swap3A_498], %swap3A_501 {add = true, strides = array<i32>} : memref<4x104x128xf32, #tpu.memory_space<vmem>>, vector<1x1x16xf32>,
        %add3A_502 = arith.constant 96 : i32
        %add3A_503 = arith.addi %add3A_502, %add3A_449 : i32
        %get3A_504 = arith.index_cast %add3A_503 : i32 to index
        %get3A_505 = arith.constant 64 : index
        %get3A_506 = tpu.vector_load %arg7[%get3A_504, %get3A_505] {strides = array<i32>} : memref<200x128xf32, #tpu.memory_space<vmem>>, vector<1x16xf32>,
        %get3A_507 = vector.shape_cast %get3A_506 : vector<1x16xf32> to vector<16xf32>
        %swap3A_508 = arith.constant 3 : i32
        %swap3A_509 = arith.index_cast %swap3A_508 : i32 to index
        %swap3A_510 = arith.index_cast %add3A_449 : i32 to index
        %swap3A_511 = arith.constant 64 : index
        %swap3A_512 = tpu.vector_load %arg8[%swap3A_509, %swap3A_510, %swap3A_511] {strides = array<i32>} : memref<4x104x128xf32, #tpu.memory_space<vmem>>, vector<1x1x16xf32>,
        %swap3A_513 = vector.shape_cast %swap3A_512 : vector<1x1x16xf32> to vector<16xf32>
        %swap3A_514 = vector.shape_cast %get3A_507 : vector<16xf32> to vector<1x1x16xf32>
        tpu.vector_store %arg8[%swap3A_509, %swap3A_510, %swap3A_511], %swap3A_514 {add = true, strides = array<i32>} : memref<4x104x128xf32, #tpu.memory_space<vmem>>, vector<1x1x16xf32>,
        %add3A_515 = arith.constant 96 : i32
        %add3A_516 = arith.addi %add3A_515, %add3A_449 : i32
        %get3A_517 = arith.index_cast %add3A_516 : i32 to index
        %get3A_518 = arith.constant 80 : index
        %get3A_519 = tpu.vector_load %arg7[%get3A_517, %get3A_518] {strides = array<i32>} : memref<200x128xf32, #tpu.memory_space<vmem>>, vector<1x16xf32>,
        %get3A_520 = vector.shape_cast %get3A_519 : vector<1x16xf32> to vector<16xf32>
        %swap3A_521 = arith.constant 3 : i32
        %swap3A_522 = arith.index_cast %swap3A_521 : i32 to index
        %swap3A_523 = arith.index_cast %add3A_449 : i32 to index
        %swap3A_524 = arith.constant 80 : index
        %swap3A_525 = tpu.vector_load %arg8[%swap3A_522, %swap3A_523, %swap3A_524] {strides = array<i32>} : memref<4x104x128xf32, #tpu.memory_space<vmem>>, vector<1x1x16xf32>,
        %swap3A_526 = vector.shape_cast %swap3A_525 : vector<1x1x16xf32> to vector<16xf32>
        %swap3A_527 = vector.shape_cast %get3A_520 : vector<16xf32> to vector<1x1x16xf32>
        tpu.vector_store %arg8[%swap3A_522, %swap3A_523, %swap3A_524], %swap3A_527 {add = true, strides = array<i32>} : memref<4x104x128xf32, #tpu.memory_space<vmem>>, vector<1x1x16xf32>,
        %add3A_528 = arith.constant 96 : i32
        %add3A_529 = arith.addi %add3A_528, %add3A_449 : i32
        %get3A_530 = arith.index_cast %add3A_529 : i32 to index
        %get3A_531 = arith.constant 96 : index
        %get3A_532 = tpu.vector_load %arg7[%get3A_530, %get3A_531] {strides = array<i32>} : memref<200x128xf32, #tpu.memory_space<vmem>>, vector<1x16xf32>,
        %get3A_533 = vector.shape_cast %get3A_532 : vector<1x16xf32> to vector<16xf32>
        %swap3A_534 = arith.constant 3 : i32
        %swap3A_535 = arith.index_cast %swap3A_534 : i32 to index
        %swap3A_536 = arith.index_cast %add3A_449 : i32 to index
        %swap3A_537 = arith.constant 96 : index
        %swap3A_538 = tpu.vector_load %arg8[%swap3A_535, %swap3A_536, %swap3A_537] {strides = array<i32>} : memref<4x104x128xf32, #tpu.memory_space<vmem>>, vector<1x1x16xf32>,
        %swap3A_539 = vector.shape_cast %swap3A_538 : vector<1x1x16xf32> to vector<16xf32>
        %swap3A_540 = vector.shape_cast %get3A_533 : vector<16xf32> to vector<1x1x16xf32>
        tpu.vector_store %arg8[%swap3A_535, %swap3A_536, %swap3A_537], %swap3A_540 {add = true, strides = array<i32>} : memref<4x104x128xf32, #tpu.memory_space<vmem>>, vector<1x1x16xf32>,
        %add3A_541 = arith.constant 96 : i32
        %add3A_542 = arith.addi %add3A_541, %add3A_449 : i32
        %get3A_543 = arith.index_cast %add3A_542 : i32 to index
        %get3A_544 = arith.constant 112 : index
        %get3A_545 = tpu.vector_load %arg7[%get3A_543, %get3A_544] {strides = array<i32>} : memref<200x128xf32, #tpu.memory_space<vmem>>, vector<1x16xf32>,
        %get3A_546 = vector.shape_cast %get3A_545 : vector<1x16xf32> to vector<16xf32>
        %swap3A_547 = arith.constant 3 : i32
        %swap3A_548 = arith.index_cast %swap3A_547 : i32 to index
        %swap3A_549 = arith.index_cast %add3A_449 : i32 to index
        %swap3A_550 = arith.constant 112 : index
        %swap3A_551 = tpu.vector_load %arg8[%swap3A_548, %swap3A_549, %swap3A_550] {strides = array<i32>} : memref<4x104x128xf32, #tpu.memory_space<vmem>>, vector<1x1x16xf32>,
        %swap3A_552 = vector.shape_cast %swap3A_551 : vector<1x1x16xf32> to vector<16xf32>
        %swap3A_553 = vector.shape_cast %get3A_546 : vector<16xf32> to vector<1x1x16xf32>
        tpu.vector_store %arg8[%swap3A_548, %swap3A_549, %swap3A_550], %swap3A_553 {add = true, strides = array<i32>} : memref<4x104x128xf32, #tpu.memory_space<vmem>>, vector<1x1x16xf32>,
        %mul3A_554 = arith.constant 4 : i32
        %mul3A_555 = arith.muli %scan3A_339, %mul3A_554 : i32
        %add3A_556 = arith.constant 2 : i32
        %add3A_557 = arith.addi %mul3A_555, %add3A_556 : i32
        %add3A_558 = arith.constant 96 : i32
        %add3A_559 = arith.addi %add3A_558, %add3A_557 : i32
        %get3A_560 = arith.index_cast %add3A_559 : i32 to index
        %get3A_561 = arith.constant 0 : index
        %get3A_562 = tpu.vector_load %arg7[%get3A_560, %get3A_561] {strides = array<i32>} : memref<200x128xf32, #tpu.memory_space<vmem>>, vector<1x16xf32>,
        %get3A_563 = vector.shape_cast %get3A_562 : vector<1x16xf32> to vector<16xf32>
        %swap3A_564 = arith.constant 3 : i32
        %swap3A_565 = arith.index_cast %swap3A_564 : i32 to index
        %swap3A_566 = arith.index_cast %add3A_557 : i32 to index
        %swap3A_567 = arith.constant 0 : index
        %swap3A_568 = tpu.vector_load %arg8[%swap3A_565, %swap3A_566, %swap3A_567] {strides = array<i32>} : memref<4x104x128xf32, #tpu.memory_space<vmem>>, vector<1x1x16xf32>,
        %swap3A_569 = vector.shape_cast %swap3A_568 : vector<1x1x16xf32> to vector<16xf32>
        %swap3A_570 = vector.shape_cast %get3A_563 : vector<16xf32> to vector<1x1x16xf32>
        tpu.vector_store %arg8[%swap3A_565, %swap3A_566, %swap3A_567], %swap3A_570 {add = true, strides = array<i32>} : memref<4x104x128xf32, #tpu.memory_space<vmem>>, vector<1x1x16xf32>,
        %add3A_571 = arith.constant 96 : i32
        %add3A_572 = arith.addi %add3A_571, %add3A_557 : i32
        %get3A_573 = arith.index_cast %add3A_572 : i32 to index
        %get3A_574 = arith.constant 16 : index
        %get3A_575 = tpu.vector_load %arg7[%get3A_573, %get3A_574] {strides = array<i32>} : memref<200x128xf32, #tpu.memory_space<vmem>>, vector<1x16xf32>,
        %get3A_576 = vector.shape_cast %get3A_575 : vector<1x16xf32> to vector<16xf32>
        %swap3A_577 = arith.constant 3 : i32
        %swap3A_578 = arith.index_cast %swap3A_577 : i32 to index
        %swap3A_579 = arith.index_cast %add3A_557 : i32 to index
        %swap3A_580 = arith.constant 16 : index
        %swap3A_581 = tpu.vector_load %arg8[%swap3A_578, %swap3A_579, %swap3A_580] {strides = array<i32>} : memref<4x104x128xf32, #tpu.memory_space<vmem>>, vector<1x1x16xf32>,
        %swap3A_582 = vector.shape_cast %swap3A_581 : vector<1x1x16xf32> to vector<16xf32>
        %swap3A_583 = vector.shape_cast %get3A_576 : vector<16xf32> to vector<1x1x16xf32>
        tpu.vector_store %arg8[%swap3A_578, %swap3A_579, %swap3A_580], %swap3A_583 {add = true, strides = array<i32>} : memref<4x104x128xf32, #tpu.memory_space<vmem>>, vector<1x1x16xf32>,
        %add3A_584 = arith.constant 96 : i32
        %add3A_585 = arith.addi %add3A_584, %add3A_557 : i32
        %get3A_586 = arith.index_cast %add3A_585 : i32 to index
        %get3A_587 = arith.constant 32 : index
        %get3A_588 = tpu.vector_load %arg7[%get3A_586, %get3A_587] {strides = array<i32>} : memref<200x128xf32, #tpu.memory_space<vmem>>, vector<1x16xf32>,
        %get3A_589 = vector.shape_cast %get3A_588 : vector<1x16xf32> to vector<16xf32>
        %swap3A_590 = arith.constant 3 : i32
        %swap3A_591 = arith.index_cast %swap3A_590 : i32 to index
        %swap3A_592 = arith.index_cast %add3A_557 : i32 to index
        %swap3A_593 = arith.constant 32 : index
        %swap3A_594 = tpu.vector_load %arg8[%swap3A_591, %swap3A_592, %swap3A_593] {strides = array<i32>} : memref<4x104x128xf32, #tpu.memory_space<vmem>>, vector<1x1x16xf32>,
        %swap3A_595 = vector.shape_cast %swap3A_594 : vector<1x1x16xf32> to vector<16xf32>
        %swap3A_596 = vector.shape_cast %get3A_589 : vector<16xf32> to vector<1x1x16xf32>
        tpu.vector_store %arg8[%swap3A_591, %swap3A_592, %swap3A_593], %swap3A_596 {add = true, strides = array<i32>} : memref<4x104x128xf32, #tpu.memory_space<vmem>>, vector<1x1x16xf32>,
        %add3A_597 = arith.constant 96 : i32
        %add3A_598 = arith.addi %add3A_597, %add3A_557 : i32
        %get3A_599 = arith.index_cast %add3A_598 : i32 to index
        %get3A_600 = arith.constant 48 : index
        %get3A_601 = tpu.vector_load %arg7[%get3A_599, %get3A_600] {strides = array<i32>} : memref<200x128xf32, #tpu.memory_space<vmem>>, vector<1x16xf32>,
        %get3A_602 = vector.shape_cast %get3A_601 : vector<1x16xf32> to vector<16xf32>
        %swap3A_603 = arith.constant 3 : i32
        %swap3A_604 = arith.index_cast %swap3A_603 : i32 to index
        %swap3A_605 = arith.index_cast %add3A_557 : i32 to index
        %swap3A_606 = arith.constant 48 : index
        %swap3A_607 = tpu.vector_load %arg8[%swap3A_604, %swap3A_605, %swap3A_606] {strides = array<i32>} : memref<4x104x128xf32, #tpu.memory_space<vmem>>, vector<1x1x16xf32>,
        %swap3A_608 = vector.shape_cast %swap3A_607 : vector<1x1x16xf32> to vector<16xf32>
        %swap3A_609 = vector.shape_cast %get3A_602 : vector<16xf32> to vector<1x1x16xf32>
        tpu.vector_store %arg8[%swap3A_604, %swap3A_605, %swap3A_606], %swap3A_609 {add = true, strides = array<i32>} : memref<4x104x128xf32, #tpu.memory_space<vmem>>, vector<1x1x16xf32>,
        %add3A_610 = arith.constant 96 : i32
        %add3A_611 = arith.addi %add3A_610, %add3A_557 : i32
        %get3A_612 = arith.index_cast %add3A_611 : i32 to index
        %get3A_613 = arith.constant 64 : index
        %get3A_614 = tpu.vector_load %arg7[%get3A_612, %get3A_613] {strides = array<i32>} : memref<200x128xf32, #tpu.memory_space<vmem>>, vector<1x16xf32>,
        %get3A_615 = vector.shape_cast %get3A_614 : vector<1x16xf32> to vector<16xf32>
        %swap3A_616 = arith.constant 3 : i32
        %swap3A_617 = arith.index_cast %swap3A_616 : i32 to index
        %swap3A_618 = arith.index_cast %add3A_557 : i32 to index
        %swap3A_619 = arith.constant 64 : index
        %swap3A_620 = tpu.vector_load %arg8[%swap3A_617, %swap3A_618, %swap3A_619] {strides = array<i32>} : memref<4x104x128xf32, #tpu.memory_space<vmem>>, vector<1x1x16xf32>,
        %swap3A_621 = vector.shape_cast %swap3A_620 : vector<1x1x16xf32> to vector<16xf32>
        %swap3A_622 = vector.shape_cast %get3A_615 : vector<16xf32> to vector<1x1x16xf32>
        tpu.vector_store %arg8[%swap3A_617, %swap3A_618, %swap3A_619], %swap3A_622 {add = true, strides = array<i32>} : memref<4x104x128xf32, #tpu.memory_space<vmem>>, vector<1x1x16xf32>,
        %add3A_623 = arith.constant 96 : i32
        %add3A_624 = arith.addi %add3A_623, %add3A_557 : i32
        %get3A_625 = arith.index_cast %add3A_624 : i32 to index
        %get3A_626 = arith.constant 80 : index
        %get3A_627 = tpu.vector_load %arg7[%get3A_625, %get3A_626] {strides = array<i32>} : memref<200x128xf32, #tpu.memory_space<vmem>>, vector<1x16xf32>,
        %get3A_628 = vector.shape_cast %get3A_627 : vector<1x16xf32> to vector<16xf32>
        %swap3A_629 = arith.constant 3 : i32
        %swap3A_630 = arith.index_cast %swap3A_629 : i32 to index
        %swap3A_631 = arith.index_cast %add3A_557 : i32 to index
        %swap3A_632 = arith.constant 80 : index
        %swap3A_633 = tpu.vector_load %arg8[%swap3A_630, %swap3A_631, %swap3A_632] {strides = array<i32>} : memref<4x104x128xf32, #tpu.memory_space<vmem>>, vector<1x1x16xf32>,
        %swap3A_634 = vector.shape_cast %swap3A_633 : vector<1x1x16xf32> to vector<16xf32>
        %swap3A_635 = vector.shape_cast %get3A_628 : vector<16xf32> to vector<1x1x16xf32>
        tpu.vector_store %arg8[%swap3A_630, %swap3A_631, %swap3A_632], %swap3A_635 {add = true, strides = array<i32>} : memref<4x104x128xf32, #tpu.memory_space<vmem>>, vector<1x1x16xf32>,
        %add3A_636 = arith.constant 96 : i32
        %add3A_637 = arith.addi %add3A_636, %add3A_557 : i32
        %get3A_638 = arith.index_cast %add3A_637 : i32 to index
        %get3A_639 = arith.constant 96 : index
        %get3A_640 = tpu.vector_load %arg7[%get3A_638, %get3A_639] {strides = array<i32>} : memref<200x128xf32, #tpu.memory_space<vmem>>, vector<1x16xf32>,
        %get3A_641 = vector.shape_cast %get3A_640 : vector<1x16xf32> to vector<16xf32>
        %swap3A_642 = arith.constant 3 : i32
        %swap3A_643 = arith.index_cast %swap3A_642 : i32 to index
        %swap3A_644 = arith.index_cast %add3A_557 : i32 to index
        %swap3A_645 = arith.constant 96 : index
        %swap3A_646 = tpu.vector_load %arg8[%swap3A_643, %swap3A_644, %swap3A_645] {strides = array<i32>} : memref<4x104x128xf32, #tpu.memory_space<vmem>>, vector<1x1x16xf32>,
        %swap3A_647 = vector.shape_cast %swap3A_646 : vector<1x1x16xf32> to vector<16xf32>
        %swap3A_648 = vector.shape_cast %get3A_641 : vector<16xf32> to vector<1x1x16xf32>
        tpu.vector_store %arg8[%swap3A_643, %swap3A_644, %swap3A_645], %swap3A_648 {add = true, strides = array<i32>} : memref<4x104x128xf32, #tpu.memory_space<vmem>>, vector<1x1x16xf32>,
        %add3A_649 = arith.constant 96 : i32
        %add3A_650 = arith.addi %add3A_649, %add3A_557 : i32
        %get3A_651 = arith.index_cast %add3A_650 : i32 to index
        %get3A_652 = arith.constant 112 : index
        %get3A_653 = tpu.vector_load %arg7[%get3A_651, %get3A_652] {strides = array<i32>} : memref<200x128xf32, #tpu.memory_space<vmem>>, vector<1x16xf32>,
        %get3A_654 = vector.shape_cast %get3A_653 : vector<1x16xf32> to vector<16xf32>
        %swap3A_655 = arith.constant 3 : i32
        %swap3A_656 = arith.index_cast %swap3A_655 : i32 to index
        %swap3A_657 = arith.index_cast %add3A_557 : i32 to index
        %swap3A_658 = arith.constant 112 : index
        %swap3A_659 = tpu.vector_load %arg8[%swap3A_656, %swap3A_657, %swap3A_658] {strides = array<i32>} : memref<4x104x128xf32, #tpu.memory_space<vmem>>, vector<1x1x16xf32>,
        %swap3A_660 = vector.shape_cast %swap3A_659 : vector<1x1x16xf32> to vector<16xf32>
        %swap3A_661 = vector.shape_cast %get3A_654 : vector<16xf32> to vector<1x1x16xf32>
        tpu.vector_store %arg8[%swap3A_656, %swap3A_657, %swap3A_658], %swap3A_661 {add = true, strides = array<i32>} : memref<4x104x128xf32, #tpu.memory_space<vmem>>, vector<1x1x16xf32>,
        %mul3A_662 = arith.constant 4 : i32
        %mul3A_663 = arith.muli %scan3A_339, %mul3A_662 : i32
        %add3A_664 = arith.constant 3 : i32
        %add3A_665 = arith.addi %mul3A_663, %add3A_664 : i32
        %add3A_666 = arith.constant 96 : i32
        %add3A_667 = arith.addi %add3A_666, %add3A_665 : i32
        %get3A_668 = arith.index_cast %add3A_667 : i32 to index
        %get3A_669 = arith.constant 0 : index
        %get3A_670 = tpu.vector_load %arg7[%get3A_668, %get3A_669] {strides = array<i32>} : memref<200x128xf32, #tpu.memory_space<vmem>>, vector<1x16xf32>,
        %get3A_671 = vector.shape_cast %get3A_670 : vector<1x16xf32> to vector<16xf32>
        %swap3A_672 = arith.constant 3 : i32
        %swap3A_673 = arith.index_cast %swap3A_672 : i32 to index
        %swap3A_674 = arith.index_cast %add3A_665 : i32 to index
        %swap3A_675 = arith.constant 0 : index
        %swap3A_676 = tpu.vector_load %arg8[%swap3A_673, %swap3A_674, %swap3A_675] {strides = array<i32>} : memref<4x104x128xf32, #tpu.memory_space<vmem>>, vector<1x1x16xf32>,
        %swap3A_677 = vector.shape_cast %swap3A_676 : vector<1x1x16xf32> to vector<16xf32>
        %swap3A_678 = vector.shape_cast %get3A_671 : vector<16xf32> to vector<1x1x16xf32>
        tpu.vector_store %arg8[%swap3A_673, %swap3A_674, %swap3A_675], %swap3A_678 {add = true, strides = array<i32>} : memref<4x104x128xf32, #tpu.memory_space<vmem>>, vector<1x1x16xf32>,
        %add3A_679 = arith.constant 96 : i32
        %add3A_680 = arith.addi %add3A_679, %add3A_665 : i32
        %get3A_681 = arith.index_cast %add3A_680 : i32 to index
        %get3A_682 = arith.constant 16 : index
        %get3A_683 = tpu.vector_load %arg7[%get3A_681, %get3A_682] {strides = array<i32>} : memref<200x128xf32, #tpu.memory_space<vmem>>, vector<1x16xf32>,
        %get3A_684 = vector.shape_cast %get3A_683 : vector<1x16xf32> to vector<16xf32>
        %swap3A_685 = arith.constant 3 : i32
        %swap3A_686 = arith.index_cast %swap3A_685 : i32 to index
        %swap3A_687 = arith.index_cast %add3A_665 : i32 to index
        %swap3A_688 = arith.constant 16 : index
        %swap3A_689 = tpu.vector_load %arg8[%swap3A_686, %swap3A_687, %swap3A_688] {strides = array<i32>} : memref<4x104x128xf32, #tpu.memory_space<vmem>>, vector<1x1x16xf32>,
        %swap3A_690 = vector.shape_cast %swap3A_689 : vector<1x1x16xf32> to vector<16xf32>
        %swap3A_691 = vector.shape_cast %get3A_684 : vector<16xf32> to vector<1x1x16xf32>
        tpu.vector_store %arg8[%swap3A_686, %swap3A_687, %swap3A_688], %swap3A_691 {add = true, strides = array<i32>} : memref<4x104x128xf32, #tpu.memory_space<vmem>>, vector<1x1x16xf32>,
        %add3A_692 = arith.constant 96 : i32
        %add3A_693 = arith.addi %add3A_692, %add3A_665 : i32
        %get3A_694 = arith.index_cast %add3A_693 : i32 to index
        %get3A_695 = arith.constant 32 : index
        %get3A_696 = tpu.vector_load %arg7[%get3A_694, %get3A_695] {strides = array<i32>} : memref<200x128xf32, #tpu.memory_space<vmem>>, vector<1x16xf32>,
        %get3A_697 = vector.shape_cast %get3A_696 : vector<1x16xf32> to vector<16xf32>
        %swap3A_698 = arith.constant 3 : i32
        %swap3A_699 = arith.index_cast %swap3A_698 : i32 to index
        %swap3A_700 = arith.index_cast %add3A_665 : i32 to index
        %swap3A_701 = arith.constant 32 : index
        %swap3A_702 = tpu.vector_load %arg8[%swap3A_699, %swap3A_700, %swap3A_701] {strides = array<i32>} : memref<4x104x128xf32, #tpu.memory_space<vmem>>, vector<1x1x16xf32>,
        %swap3A_703 = vector.shape_cast %swap3A_702 : vector<1x1x16xf32> to vector<16xf32>
        %swap3A_704 = vector.shape_cast %get3A_697 : vector<16xf32> to vector<1x1x16xf32>
        tpu.vector_store %arg8[%swap3A_699, %swap3A_700, %swap3A_701], %swap3A_704 {add = true, strides = array<i32>} : memref<4x104x128xf32, #tpu.memory_space<vmem>>, vector<1x1x16xf32>,
        %add3A_705 = arith.constant 96 : i32
        %add3A_706 = arith.addi %add3A_705, %add3A_665 : i32
        %get3A_707 = arith.index_cast %add3A_706 : i32 to index
        %get3A_708 = arith.constant 48 : index
        %get3A_709 = tpu.vector_load %arg7[%get3A_707, %get3A_708] {strides = array<i32>} : memref<200x128xf32, #tpu.memory_space<vmem>>, vector<1x16xf32>,
        %get3A_710 = vector.shape_cast %get3A_709 : vector<1x16xf32> to vector<16xf32>
        %swap3A_711 = arith.constant 3 : i32
        %swap3A_712 = arith.index_cast %swap3A_711 : i32 to index
        %swap3A_713 = arith.index_cast %add3A_665 : i32 to index
        %swap3A_714 = arith.constant 48 : index
        %swap3A_715 = tpu.vector_load %arg8[%swap3A_712, %swap3A_713, %swap3A_714] {strides = array<i32>} : memref<4x104x128xf32, #tpu.memory_space<vmem>>, vector<1x1x16xf32>,
        %swap3A_716 = vector.shape_cast %swap3A_715 : vector<1x1x16xf32> to vector<16xf32>
        %swap3A_717 = vector.shape_cast %get3A_710 : vector<16xf32> to vector<1x1x16xf32>
        tpu.vector_store %arg8[%swap3A_712, %swap3A_713, %swap3A_714], %swap3A_717 {add = true, strides = array<i32>} : memref<4x104x128xf32, #tpu.memory_space<vmem>>, vector<1x1x16xf32>,
        %add3A_718 = arith.constant 96 : i32
        %add3A_719 = arith.addi %add3A_718, %add3A_665 : i32
        %get3A_720 = arith.index_cast %add3A_719 : i32 to index
        %get3A_721 = arith.constant 64 : index
        %get3A_722 = tpu.vector_load %arg7[%get3A_720, %get3A_721] {strides = array<i32>} : memref<200x128xf32, #tpu.memory_space<vmem>>, vector<1x16xf32>,
        %get3A_723 = vector.shape_cast %get3A_722 : vector<1x16xf32> to vector<16xf32>
        %swap3A_724 = arith.constant 3 : i32
        %swap3A_725 = arith.index_cast %swap3A_724 : i32 to index
        %swap3A_726 = arith.index_cast %add3A_665 : i32 to index
        %swap3A_727 = arith.constant 64 : index
        %swap3A_728 = tpu.vector_load %arg8[%swap3A_725, %swap3A_726, %swap3A_727] {strides = array<i32>} : memref<4x104x128xf32, #tpu.memory_space<vmem>>, vector<1x1x16xf32>,
        %swap3A_729 = vector.shape_cast %swap3A_728 : vector<1x1x16xf32> to vector<16xf32>
        %swap3A_730 = vector.shape_cast %get3A_723 : vector<16xf32> to vector<1x1x16xf32>
        tpu.vector_store %arg8[%swap3A_725, %swap3A_726, %swap3A_727], %swap3A_730 {add = true, strides = array<i32>} : memref<4x104x128xf32, #tpu.memory_space<vmem>>, vector<1x1x16xf32>,
        %add3A_731 = arith.constant 96 : i32
        %add3A_732 = arith.addi %add3A_731, %add3A_665 : i32
        %get3A_733 = arith.index_cast %add3A_732 : i32 to index
        %get3A_734 = arith.constant 80 : index
        %get3A_735 = tpu.vector_load %arg7[%get3A_733, %get3A_734] {strides = array<i32>} : memref<200x128xf32, #tpu.memory_space<vmem>>, vector<1x16xf32>,
        %get3A_736 = vector.shape_cast %get3A_735 : vector<1x16xf32> to vector<16xf32>
        %swap3A_737 = arith.constant 3 : i32
        %swap3A_738 = arith.index_cast %swap3A_737 : i32 to index
        %swap3A_739 = arith.index_cast %add3A_665 : i32 to index
        %swap3A_740 = arith.constant 80 : index
        %swap3A_741 = tpu.vector_load %arg8[%swap3A_738, %swap3A_739, %swap3A_740] {strides = array<i32>} : memref<4x104x128xf32, #tpu.memory_space<vmem>>, vector<1x1x16xf32>,
        %swap3A_742 = vector.shape_cast %swap3A_741 : vector<1x1x16xf32> to vector<16xf32>
        %swap3A_743 = vector.shape_cast %get3A_736 : vector<16xf32> to vector<1x1x16xf32>
        tpu.vector_store %arg8[%swap3A_738, %swap3A_739, %swap3A_740], %swap3A_743 {add = true, strides = array<i32>} : memref<4x104x128xf32, #tpu.memory_space<vmem>>, vector<1x1x16xf32>,
        %add3A_744 = arith.constant 96 : i32
        %add3A_745 = arith.addi %add3A_744, %add3A_665 : i32
        %get3A_746 = arith.index_cast %add3A_745 : i32 to index
        %get3A_747 = arith.constant 96 : index
        %get3A_748 = tpu.vector_load %arg7[%get3A_746, %get3A_747] {strides = array<i32>} : memref<200x128xf32, #tpu.memory_space<vmem>>, vector<1x16xf32>,
        %get3A_749 = vector.shape_cast %get3A_748 : vector<1x16xf32> to vector<16xf32>
        %swap3A_750 = arith.constant 3 : i32
        %swap3A_751 = arith.index_cast %swap3A_750 : i32 to index
        %swap3A_752 = arith.index_cast %add3A_665 : i32 to index
        %swap3A_753 = arith.constant 96 : index
        %swap3A_754 = tpu.vector_load %arg8[%swap3A_751, %swap3A_752, %swap3A_753] {strides = array<i32>} : memref<4x104x128xf32, #tpu.memory_space<vmem>>, vector<1x1x16xf32>,
        %swap3A_755 = vector.shape_cast %swap3A_754 : vector<1x1x16xf32> to vector<16xf32>
        %swap3A_756 = vector.shape_cast %get3A_749 : vector<16xf32> to vector<1x1x16xf32>
        tpu.vector_store %arg8[%swap3A_751, %swap3A_752, %swap3A_753], %swap3A_756 {add = true, strides = array<i32>} : memref<4x104x128xf32, #tpu.memory_space<vmem>>, vector<1x1x16xf32>,
        %add3A_757 = arith.constant 96 : i32
        %add3A_758 = arith.addi %add3A_757, %add3A_665 : i32
        %get3A_759 = arith.index_cast %add3A_758 : i32 to index
        %get3A_760 = arith.constant 112 : index
        %get3A_761 = tpu.vector_load %arg7[%get3A_759, %get3A_760] {strides = array<i32>} : memref<200x128xf32, #tpu.memory_space<vmem>>, vector<1x16xf32>,
        %get3A_762 = vector.shape_cast %get3A_761 : vector<1x16xf32> to vector<16xf32>
        %swap3A_763 = arith.constant 3 : i32
        %swap3A_764 = arith.index_cast %swap3A_763 : i32 to index
        %swap3A_765 = arith.index_cast %add3A_665 : i32 to index
        %swap3A_766 = arith.constant 112 : index
        %swap3A_767 = tpu.vector_load %arg8[%swap3A_764, %swap3A_765, %swap3A_766] {strides = array<i32>} : memref<4x104x128xf32, #tpu.memory_space<vmem>>, vector<1x1x16xf32>,
        %swap3A_768 = vector.shape_cast %swap3A_767 : vector<1x1x16xf32> to vector<16xf32>
        %swap3A_769 = vector.shape_cast %get3A_762 : vector<16xf32> to vector<1x1x16xf32>
        tpu.vector_store %arg8[%swap3A_764, %swap3A_765, %swap3A_766], %swap3A_769 {add = true, strides = array<i32>} : memref<4x104x128xf32, #tpu.memory_space<vmem>>, vector<1x1x16xf32>,
      }
      %scan3A_301 = arith.constant 26 : i32
      %ge3A_302 = arith.constant 1 : i32
      %ge3A_303 = arith.cmpi sge, %add3A_284, %ge3A_302 : i32
      %convert_element_type3A_304 = arith.extui %ge3A_303 : i1 to i32
      %cond3A_305 = arith.constant 0 : i32
      %cond3A_306 = arith.cmpi ne, %convert_element_type3A_304, %cond3A_305 : i32
      scf.if %cond3A_306 {
        %dma_wait3A_339 = arith.constant 2 : i32
        %dma_wait3A_340 = arith.constant 0 : i32
        %dma_wait3A_341 = arith.constant 0 : i32
        %dma_wait3A_342 = arith.constant 0 : i32
        %dma_wait3A_343 = tpu.memref_slice %arg8[%dma_wait3A_339, %dma_wait3A_341, %dma_wait3A_342] : memref<4x104x128xf32, #tpu.memory_space<vmem>> -> memref<1x96x128xf32, #tpu.memory_space<vmem>>
        %dma_wait3A_344 = tpu.memref_squeeze %dma_wait3A_343 : memref<1x96x128xf32, #tpu.memory_space<vmem>> -> memref<96x128xf32, #tpu.memory_space<vmem>>
        %dma_wait3A_345 = arith.constant 0 : i32
        %dma_wait3A_346 = arith.constant 0 : i32
        %dma_wait3A_347 = tpu.memref_slice %arg9[%arg1, %dma_wait3A_340, %dma_wait3A_345, %dma_wait3A_346] : memref<16x2x104x128xf32, #tpu.memory_space<vmem_shared>> -> memref<1x1x96x128xf32, #tpu.memory_space<vmem_shared>>
        %dma_wait3A_348 = tpu.memref_squeeze %dma_wait3A_347 : memref<1x1x96x128xf32, #tpu.memory_space<vmem_shared>> -> memref<96x128xf32, #tpu.memory_space<vmem_shared>>
        %dma_wait3A_349 = arith.constant 0 : i32
        %dma_wait3A_350 = arith.constant 0 : i32
        %dma_wait3A_351 = tpu.memref_slice %arg9[%arg1, %dma_wait3A_340, %dma_wait3A_349, %dma_wait3A_350] : memref<16x2x104x128xf32, #tpu.memory_space<vmem_shared>> -> memref<1x1x96x128xf32, #tpu.memory_space<vmem_shared>>
        %dma_wait3A_352 = tpu.memref_squeeze %dma_wait3A_351 : memref<1x1x96x128xf32, #tpu.memory_space<vmem_shared>> -> memref<96x128xf32, #tpu.memory_space<vmem_shared>>
        %dma_wait3A_353 = arith.constant 0 : i32
        %dma_wait3A_354 = arith.constant 0 : i32
        %dma_wait3A_355 = tpu.memref_slice %arg8[%dma_wait3A_339, %dma_wait3A_353, %dma_wait3A_354] : memref<4x104x128xf32, #tpu.memory_space<vmem>> -> memref<1x96x128xf32, #tpu.memory_space<vmem>>
        %dma_wait3A_356 = tpu.memref_squeeze %dma_wait3A_355 : memref<1x96x128xf32, #tpu.memory_space<vmem>> -> memref<96x128xf32, #tpu.memory_space<vmem>>
        tpu.wait_dma2 semaphore(%arg16 : memref<!tpu.dma_semaphore, #tpu.memory_space<semaphore_mem>>) src(%dma_wait3A_356 : memref<96x128xf32, #tpu.memory_space<vmem>>) dst(%dma_wait3A_352 : memref<96x128xf32, #tpu.memory_space<vmem_shared>>)
        %sub3A_357 = arith.constant 1 : i32
        %sub3A_358 = arith.subi %add3A_284, %sub3A_357 : i32
        %mul3A_359 = arith.constant 32 : i32
        %mul3A_360 = arith.muli %add3A, %mul3A_359 : i32
        %shift_right_arithmetic3A = arith.constant 1 : i32
        %shift_right_arithmetic3A_361 = arith.shrsi %sub3A_358, %shift_right_arithmetic3A : i32
        %add3A_362 = arith.addi %mul3A_360, %shift_right_arithmetic3A_361 : i32
        %dma_start3A_363 = arith.constant 0 : i32
        %dma_start3A_364 = arith.constant 0 : i32
        %dma_start3A_365 = arith.constant 0 : i32
        %dma_start3A_366 = tpu.memref_slice %arg5[%add3A_362, %dma_start3A_364, %dma_start3A_365] : memref<1024x200x128xf32, #tpu.memory_space<hbm>> -> memref<1x96x128xf32, #tpu.memory_space<hbm>>
        %dma_start3A_367 = tpu.memref_squeeze %dma_start3A_366 : memref<1x96x128xf32, #tpu.memory_space<hbm>> -> memref<96x128xf32, #tpu.memory_space<hbm>>
        %dma_start3A_368 = arith.constant 0 : i32
        %dma_start3A_369 = arith.constant 0 : i32
        %dma_start3A_370 = tpu.memref_slice %arg9[%arg1, %dma_start3A_363, %dma_start3A_368, %dma_start3A_369] : memref<16x2x104x128xf32, #tpu.memory_space<vmem_shared>> -> memref<1x1x96x128xf32, #tpu.memory_space<vmem_shared>>
        %dma_start3A_371 = tpu.memref_squeeze %dma_start3A_370 : memref<1x1x96x128xf32, #tpu.memory_space<vmem_shared>> -> memref<96x128xf32, #tpu.memory_space<vmem_shared>>
        tpu.enqueue_dma source(%dma_start3A_371 : memref<96x128xf32, #tpu.memory_space<vmem_shared>>) target(%dma_start3A_367 : memref<96x128xf32, #tpu.memory_space<hbm>>) target_semaphore(%arg18 : memref<!tpu.dma_semaphore, #tpu.memory_space<semaphore_mem>>)
      } else {
      }
      %ge3A_307 = arith.constant 2 : i32
      %ge3A_308 = arith.cmpi sge, %add3A_284, %ge3A_307 : i32
      %convert_element_type3A_309 = arith.extui %ge3A_308 : i1 to i32
      %cond3A_310 = arith.constant 0 : i32
      %cond3A_311 = arith.cmpi ne, %convert_element_type3A_309, %cond3A_310 : i32
      scf.if %cond3A_311 {
        %sub3A_339 = arith.constant 2 : i32
        %sub3A_340 = arith.subi %add3A_284, %sub3A_339 : i32
        %mul3A_341 = arith.constant 32 : i32
        %mul3A_342 = arith.muli %add3A, %mul3A_341 : i32
        %shift_right_arithmetic3A = arith.constant 1 : i32
        %shift_right_arithmetic3A_343 = arith.shrsi %sub3A_340, %shift_right_arithmetic3A : i32
        %add3A_344 = arith.addi %mul3A_342, %shift_right_arithmetic3A_343 : i32
        %dma_wait3A_345 = arith.constant 1 : i32
        %dma_wait3A_346 = arith.constant 96 : i32
        %dma_wait3A_347 = arith.constant 0 : i32
        %dma_wait3A_348 = tpu.memref_slice %arg5[%add3A_344, %dma_wait3A_346, %dma_wait3A_347] : memref<1024x200x128xf32, #tpu.memory_space<hbm>> -> memref<1x104x128xf32, #tpu.memory_space<hbm>>
        %dma_wait3A_349 = tpu.memref_squeeze %dma_wait3A_348 : memref<1x104x128xf32, #tpu.memory_space<hbm>> -> memref<104x128xf32, #tpu.memory_space<hbm>>
        %dma_wait3A_350 = arith.constant 0 : i32
        %dma_wait3A_351 = arith.constant 0 : i32
        %dma_wait3A_352 = tpu.memref_slice %arg9[%arg1, %dma_wait3A_345, %dma_wait3A_350, %dma_wait3A_351] : memref<16x2x104x128xf32, #tpu.memory_space<vmem_shared>> -> memref<1x1x104x128xf32, #tpu.memory_space<vmem_shared>>
        %dma_wait3A_353 = tpu.memref_squeeze %dma_wait3A_352 : memref<1x1x104x128xf32, #tpu.memory_space<vmem_shared>> -> memref<104x128xf32, #tpu.memory_space<vmem_shared>>
        tpu.wait_dma2 semaphore(%arg19 : memref<!tpu.dma_semaphore, #tpu.memory_space<semaphore_mem>>) src(%dma_wait3A_353 : memref<104x128xf32, #tpu.memory_space<vmem_shared>>) dst(%dma_wait3A_349 : memref<104x128xf32, #tpu.memory_space<hbm>>)
      } else {
      }
      %dma_start3A_312 = arith.constant 3 : i32
      %dma_start3A_313 = arith.constant 1 : i32
      %dma_start3A_314 = arith.constant 0 : i32
      %dma_start3A_315 = arith.constant 0 : i32
      %dma_start3A_316 = tpu.memref_slice %arg8[%dma_start3A_312, %dma_start3A_314, %dma_start3A_315] : memref<4x104x128xf32, #tpu.memory_space<vmem>> -> memref<1x104x128xf32, #tpu.memory_space<vmem>>
      %dma_start3A_317 = tpu.memref_squeeze %dma_start3A_316 : memref<1x104x128xf32, #tpu.memory_space<vmem>> -> memref<104x128xf32, #tpu.memory_space<vmem>>
      %dma_start3A_318 = arith.constant 0 : i32
      %dma_start3A_319 = arith.constant 0 : i32
      %dma_start3A_320 = tpu.memref_slice %arg9[%arg1, %dma_start3A_313, %dma_start3A_318, %dma_start3A_319] : memref<16x2x104x128xf32, #tpu.memory_space<vmem_shared>> -> memref<1x1x104x128xf32, #tpu.memory_space<vmem_shared>>
      %dma_start3A_321 = tpu.memref_squeeze %dma_start3A_320 : memref<1x1x104x128xf32, #tpu.memory_space<vmem_shared>> -> memref<104x128xf32, #tpu.memory_space<vmem_shared>>
      %dma_start3A_322 = arith.constant 0 : i32
      %dma_start3A_323 = arith.constant 0 : i32
      %dma_start3A_324 = tpu.memref_slice %arg9[%arg1, %dma_start3A_313, %dma_start3A_322, %dma_start3A_323] : memref<16x2x104x128xf32, #tpu.memory_space<vmem_shared>> -> memref<1x1x104x128xf32, #tpu.memory_space<vmem_shared>>
      %dma_start3A_325 = tpu.memref_squeeze %dma_start3A_324 : memref<1x1x104x128xf32, #tpu.memory_space<vmem_shared>> -> memref<104x128xf32, #tpu.memory_space<vmem_shared>>
      %dma_start3A_326 = arith.constant 0 : i32
      %dma_start3A_327 = arith.constant 0 : i32
      %dma_start3A_328 = tpu.memref_slice %arg8[%dma_start3A_312, %dma_start3A_326, %dma_start3A_327] : memref<4x104x128xf32, #tpu.memory_space<vmem>> -> memref<1x104x128xf32, #tpu.memory_space<vmem>>
      %dma_start3A_329 = tpu.memref_squeeze %dma_start3A_328 : memref<1x104x128xf32, #tpu.memory_space<vmem>> -> memref<104x128xf32, #tpu.memory_space<vmem>>
      tpu.enqueue_dma source(%dma_start3A_329 : memref<104x128xf32, #tpu.memory_space<vmem>>) target(%dma_start3A_325 : memref<104x128xf32, #tpu.memory_space<vmem_shared>>) target_semaphore(%arg17 : memref<!tpu.dma_semaphore, #tpu.memory_space<semaphore_mem>>)
      %add3A_330 = arith.constant 4 : i32
      %add3A_331 = arith.addi %add3A_284, %add3A_330 : i32
      %sub3A_332 = arith.constant 1 : i32
      %sub3A_333 = arith.subi %add3A_331, %sub3A_332 : i32
      %lt3A_334 = arith.constant 64 : i32
      %lt3A_335 = arith.cmpi slt, %sub3A_333, %lt3A_334 : i32
      %convert_element_type3A_336 = arith.extui %lt3A_335 : i1 to i32
      %cond3A_337 = arith.constant 0 : i32
      %cond3A_338 = arith.cmpi ne, %convert_element_type3A_336, %cond3A_337 : i32
      scf.if %cond3A_338 {
        %dma_start3A_339 = arith.constant 2 : i32
        %dma_start3A_340 = arith.constant 0 : i32
        %dma_start3A_341 = arith.constant 0 : i32
        %dma_start3A_342 = tpu.memref_slice %arg8[%dma_start3A_339, %dma_start3A_340, %dma_start3A_341] : memref<4x104x128xf32, #tpu.memory_space<vmem>> -> memref<1x104x128xf32, #tpu.memory_space<vmem>>
        %dma_start3A_343 = tpu.memref_squeeze %dma_start3A_342 : memref<1x104x128xf32, #tpu.memory_space<vmem>> -> memref<104x128xf32, #tpu.memory_space<vmem>>
        %dma_start3A_344 = arith.constant 0 : i32
        %dma_start3A_345 = tpu.memref_slice %arg6[%sub3A_333, %dma_start3A_344] : memref<64x104xi32, #tpu.memory_space<vmem>> -> memref<1x104xi32, #tpu.memory_space<vmem>>
        %dma_start3A_346 = tpu.memref_squeeze %dma_start3A_345 : memref<1x104xi32, #tpu.memory_space<vmem>> -> memref<104xi32, #tpu.memory_space<vmem>>
        %dma_start3A_347 = arith.constant 0 : i32
        %dma_start3A_348 = arith.constant 0 : i32
        %dma_start3A_349 = tpu.memref_slice %arg3[%dma_start3A_347, %dma_start3A_348] : memref<1000000x128xf32, #tpu.memory_space<hbm>> -> memref<1000000x128xf32, #tpu.memory_space<hbm>>
        tpu.enqueue_indirect_dma source(%dma_start3A_349 : memref<1000000x128xf32, #tpu.memory_space<hbm>>) target(%dma_start3A_343 : memref<104x128xf32, #tpu.memory_space<vmem>>) offsets(%dma_start3A_346 : memref<104xi32, #tpu.memory_space<vmem>>) semaphore(%arg12 : memref<!tpu.dma_semaphore, #tpu.memory_space<semaphore_mem>>)
      } else {
      }
    }
    %scan3A_53 = arith.constant 16 : i32
    %dma_wait3A_54 = arith.constant 3 : i32
    %dma_wait3A_55 = arith.constant 1 : i32
    %dma_wait3A_56 = arith.constant 0 : i32
    %dma_wait3A_57 = arith.constant 0 : i32
    %dma_wait3A_58 = tpu.memref_slice %arg8[%dma_wait3A_54, %dma_wait3A_56, %dma_wait3A_57] : memref<4x104x128xf32, #tpu.memory_space<vmem>> -> memref<1x104x128xf32, #tpu.memory_space<vmem>>
    %dma_wait3A_59 = tpu.memref_squeeze %dma_wait3A_58 : memref<1x104x128xf32, #tpu.memory_space<vmem>> -> memref<104x128xf32, #tpu.memory_space<vmem>>
    %dma_wait3A_60 = arith.constant 0 : i32
    %dma_wait3A_61 = arith.constant 0 : i32
    %dma_wait3A_62 = tpu.memref_slice %arg9[%arg1, %dma_wait3A_55, %dma_wait3A_60, %dma_wait3A_61] : memref<16x2x104x128xf32, #tpu.memory_space<vmem_shared>> -> memref<1x1x104x128xf32, #tpu.memory_space<vmem_shared>>
    %dma_wait3A_63 = tpu.memref_squeeze %dma_wait3A_62 : memref<1x1x104x128xf32, #tpu.memory_space<vmem_shared>> -> memref<104x128xf32, #tpu.memory_space<vmem_shared>>
    %dma_wait3A_64 = arith.constant 0 : i32
    %dma_wait3A_65 = arith.constant 0 : i32
    %dma_wait3A_66 = tpu.memref_slice %arg9[%arg1, %dma_wait3A_55, %dma_wait3A_64, %dma_wait3A_65] : memref<16x2x104x128xf32, #tpu.memory_space<vmem_shared>> -> memref<1x1x104x128xf32, #tpu.memory_space<vmem_shared>>
    %dma_wait3A_67 = tpu.memref_squeeze %dma_wait3A_66 : memref<1x1x104x128xf32, #tpu.memory_space<vmem_shared>> -> memref<104x128xf32, #tpu.memory_space<vmem_shared>>
    %dma_wait3A_68 = arith.constant 0 : i32
    %dma_wait3A_69 = arith.constant 0 : i32
    %dma_wait3A_70 = tpu.memref_slice %arg8[%dma_wait3A_54, %dma_wait3A_68, %dma_wait3A_69] : memref<4x104x128xf32, #tpu.memory_space<vmem>> -> memref<1x104x128xf32, #tpu.memory_space<vmem>>
    %dma_wait3A_71 = tpu.memref_squeeze %dma_wait3A_70 : memref<1x104x128xf32, #tpu.memory_space<vmem>> -> memref<104x128xf32, #tpu.memory_space<vmem>>
    tpu.wait_dma2 semaphore(%arg17 : memref<!tpu.dma_semaphore, #tpu.memory_space<semaphore_mem>>) src(%dma_wait3A_71 : memref<104x128xf32, #tpu.memory_space<vmem>>) dst(%dma_wait3A_67 : memref<104x128xf32, #tpu.memory_space<vmem_shared>>)
    %mul3A_72 = arith.constant 32 : i32
    %mul3A_73 = arith.muli %add3A, %mul3A_72 : i32
    %add3A_74 = arith.constant 31 : i32
    %add3A_75 = arith.addi %mul3A_73, %add3A_74 : i32
    %dma_start3A_76 = arith.constant 1 : i32
    %dma_start3A_77 = arith.constant 96 : i32
    %dma_start3A_78 = arith.constant 0 : i32
    %dma_start3A_79 = tpu.memref_slice %arg5[%add3A_75, %dma_start3A_77, %dma_start3A_78] : memref<1024x200x128xf32, #tpu.memory_space<hbm>> -> memref<1x104x128xf32, #tpu.memory_space<hbm>>
    %dma_start3A_80 = tpu.memref_squeeze %dma_start3A_79 : memref<1x104x128xf32, #tpu.memory_space<hbm>> -> memref<104x128xf32, #tpu.memory_space<hbm>>
    %dma_start3A_81 = arith.constant 0 : i32
    %dma_start3A_82 = arith.constant 0 : i32
    %dma_start3A_83 = tpu.memref_slice %arg9[%arg1, %dma_start3A_76, %dma_start3A_81, %dma_start3A_82] : memref<16x2x104x128xf32, #tpu.memory_space<vmem_shared>> -> memref<1x1x104x128xf32, #tpu.memory_space<vmem_shared>>
    %dma_start3A_84 = tpu.memref_squeeze %dma_start3A_83 : memref<1x1x104x128xf32, #tpu.memory_space<vmem_shared>> -> memref<104x128xf32, #tpu.memory_space<vmem_shared>>
    tpu.enqueue_dma source(%dma_start3A_84 : memref<104x128xf32, #tpu.memory_space<vmem_shared>>) target(%dma_start3A_80 : memref<104x128xf32, #tpu.memory_space<hbm>>) target_semaphore(%arg19 : memref<!tpu.dma_semaphore, #tpu.memory_space<semaphore_mem>>)
    %mul3A_85 = arith.constant 32 : i32
    %mul3A_86 = arith.muli %add3A, %mul3A_85 : i32
    %add3A_87 = arith.constant 31 : i32
    %add3A_88 = arith.addi %mul3A_86, %add3A_87 : i32
    %dma_wait3A_89 = arith.constant 0 : i32
    %dma_wait3A_90 = arith.constant 0 : i32
    %dma_wait3A_91 = arith.constant 0 : i32
    %dma_wait3A_92 = tpu.memref_slice %arg5[%add3A_88, %dma_wait3A_90, %dma_wait3A_91] : memref<1024x200x128xf32, #tpu.memory_space<hbm>> -> memref<1x96x128xf32, #tpu.memory_space<hbm>>
    %dma_wait3A_93 = tpu.memref_squeeze %dma_wait3A_92 : memref<1x96x128xf32, #tpu.memory_space<hbm>> -> memref<96x128xf32, #tpu.memory_space<hbm>>
    %dma_wait3A_94 = arith.constant 0 : i32
    %dma_wait3A_95 = arith.constant 0 : i32
    %dma_wait3A_96 = tpu.memref_slice %arg9[%arg1, %dma_wait3A_89, %dma_wait3A_94, %dma_wait3A_95] : memref<16x2x104x128xf32, #tpu.memory_space<vmem_shared>> -> memref<1x1x96x128xf32, #tpu.memory_space<vmem_shared>>
    %dma_wait3A_97 = tpu.memref_squeeze %dma_wait3A_96 : memref<1x1x96x128xf32, #tpu.memory_space<vmem_shared>> -> memref<96x128xf32, #tpu.memory_space<vmem_shared>>
    tpu.wait_dma2 semaphore(%arg18 : memref<!tpu.dma_semaphore, #tpu.memory_space<semaphore_mem>>) src(%dma_wait3A_97 : memref<96x128xf32, #tpu.memory_space<vmem_shared>>) dst(%dma_wait3A_93 : memref<96x128xf32, #tpu.memory_space<hbm>>)
    %mul3A_98 = arith.constant 32 : i32
    %mul3A_99 = arith.muli %add3A, %mul3A_98 : i32
    %add3A_100 = arith.constant 31 : i32
    %add3A_101 = arith.addi %mul3A_99, %add3A_100 : i32
    %dma_wait3A_102 = arith.constant 1 : i32
    %dma_wait3A_103 = arith.constant 96 : i32
    %dma_wait3A_104 = arith.constant 0 : i32
    %dma_wait3A_105 = tpu.memref_slice %arg5[%add3A_101, %dma_wait3A_103, %dma_wait3A_104] : memref<1024x200x128xf32, #tpu.memory_space<hbm>> -> memref<1x104x128xf32, #tpu.memory_space<hbm>>
    %dma_wait3A_106 = tpu.memref_squeeze %dma_wait3A_105 : memref<1x104x128xf32, #tpu.memory_space<hbm>> -> memref<104x128xf32, #tpu.memory_space<hbm>>
    %dma_wait3A_107 = arith.constant 0 : i32
    %dma_wait3A_108 = arith.constant 0 : i32
    %dma_wait3A_109 = tpu.memref_slice %arg9[%arg1, %dma_wait3A_102, %dma_wait3A_107, %dma_wait3A_108] : memref<16x2x104x128xf32, #tpu.memory_space<vmem_shared>> -> memref<1x1x104x128xf32, #tpu.memory_space<vmem_shared>>
    %dma_wait3A_110 = tpu.memref_squeeze %dma_wait3A_109 : memref<1x1x104x128xf32, #tpu.memory_space<vmem_shared>> -> memref<104x128xf32, #tpu.memory_space<vmem_shared>>
    tpu.wait_dma2 semaphore(%arg19 : memref<!tpu.dma_semaphore, #tpu.memory_space<semaphore_mem>>) src(%dma_wait3A_110 : memref<104x128xf32, #tpu.memory_space<vmem_shared>>) dst(%dma_wait3A_106 : memref<104x128xf32, #tpu.memory_space<hbm>>)
    return
  }
}

</mosaic_0001>

<sc_bundles>
// kernel: kernel.3.cloned.1.call-start
scs
__scs_entry_jumppad:
0x0: {  	(pc) =	sbr.rel $0x88, $3  }
0x1: {  	(tag) =	ssettag $0x0;
	lr =	simm.s32 $0x1  }
0x2: {  	[smem:$0x3F9E] =	sst lr;
	_ =	strace $0xD0000000  }
0x3: {  	_ = 	snop  }
0x4: {  	_ = 	snop  }
0x5: {  	_ = 	snop  }
0x6: {  	_ = 	snop  }
0x7: {  	_ = 	snop  }
__scs_overlays_trampoline_lowered:
0x8: {  	[smem:$0x3FAD] =	sst s0  }
0x9: {  	[smem:$0x3FAE] =	sst s1  }
0xa: {  	[smem:$0x3FAF] =	sst s2  }
0xb: {  	[smem:$0x3FB0] =	sst s3  }
0xc: {  	[smem:$0x3FB1] =	sst s4  }
0xd: {  	[smem:$0x3FB2] =	sst s5  }
0xe: {  	[smem:$0x3FB3] =	sst s6  }
0xf: {  	[smem:$0x3FB4] =	sst s7  }
0x10: {  	[smem:$0x3FB5] =	sst s8  }
0x11: {  	[smem:$0x3FB6] =	sst s9;
	s0 =	simm.s32 @!p0 $0x0  }
0x12: {  	s1 =	sld [smem:$0x3F9C];
	s0 =	simm.s32 @p0 $0x1  }
0x13: {  	[smem:$0x3FB7] =	sst s0;
	s0 =	simm.s32 @!p1 $0x0  }
0x14: {  	s2 =	sld [smem:$0x3F9B];
	s0 =	simm.s32 @p1 $0x1  }
0x15: {  	[smem:$0x3FB8] =	sst s0;
	s0 =	simm.s32 @!p2 $0x0  }
0x16: {  	s3 =	sld [smem:$0x3FDB];
	s0 =	simm.s32 @p2 $0x1  }
0x17: {  	s4 =	simm.s32 $0x1BF5;
	[smem:$0x3FBA] =	sst s0  }
0x18: {  	s0 =	sld [smem:$0x3F9D];
	_ =	swait.ge [sflag:s4], $0x0  }
0x19: {  	s7 =	sld [smem:$0x3F9E]  }
0x1a: {  	s8 =	sadd.s32 $0xFFFFE003, lr  }
0x1b: {  	s9 =	sadd.s32 $0xFFFFFEF7, lr;
	s5 =	simm.s32 $0xFFFFFFFF;
	p2 =	slt.u32 s8, $0xFFFFF086  }
0x1c: {  	p1 =	slt.u32 s9, $0xF7A;
	s5 =	simm.s32 @!p2 $0x0  }
0x1d: {  	s5 =	simm.s32 @p1 $0x1;
	p0 =	seq.s32 s7, s2  }
0x1e: {  	s7 =	smul.u32 @!p0 $0xF7A, s2;
	p2 =	seq.s32 @!p0 s5, $0x0  }
0x1f: {  	s9 =	smul.u32 $0xF7A, s1;
	s8 =	simm.s32 @!p0 $0x1BF5;
	p2 =	por !p2, p0  }
0x20: {  	[sflag:s8] =	ssyncset.s32 @!p0 $0xFFFFF086;
	s6 =	sadd.s32 @!p0 s3, s7;
	s7 =	simm.s32 @!p0 $0x108  }
0x21: {  	s3 =	sadd.s32 s3, s9;
	s6 =	sadd.s32 @!p0 $0x88, s6;
	s7 =	simm.s32 @p2 $0x1082  }
0x22: {  	[simem:s7], [sflag:s8] =	dma.local @!p0 [hbm:s6], $0xF7A  }
0x23: {  	s9 =	sor.u32 $0xD0000000, s2;
	s6 =	simm.s32 $0x108;
	_ =	swait.ge @!p0 [sflag:s8], $0x0  }
0x24: {  	s3 =	sadd.s32 $0x88, s3;
	s6 =	simm.s32 @!p1 $0x1082;
	[sflag:s4] =	ssyncset.s32 $0xFFFFF086  }
0x25: {  	[simem:s6], [sflag:s4] =	dma.local [hbm:s3], $0xF7A  }
0x26: {  	[smem:$0x3F9E] =	sst s1;
	(tag) =	ssettag s2;
	_ =	strace s9  }
0x27: {  	s1 =	sld [smem:$0x3FAE]  }
0x28: {  	s2 =	sld [smem:$0x3FAF]  }
0x29: {  	s4 =	sld [smem:$0x3FB1]  }
0x2a: {  	p0 =	seq.s32 s5, $0x0;
	s5 =	sld [smem:$0x3FB2]  }
0x2b: {  	s6 =	sld [smem:$0x3FB3]  }
0x2c: {  	s7 =	sld [smem:$0x3FB4]  }
0x2d: {  	s3 =	simm.s32 $0x108;
	s8 =	sld [smem:$0x3FB5]  }
0x2e: {  	s3 =	simm.s32 @!p0 $0x1082;
	s9 =	sld [smem:$0x3FB6]  }
0x2f: {  	lr =	sadd.s32 s0, s3;
	s0 =	sld [smem:$0x3FAD]  }
0x30: {  	s3 =	sld [smem:$0x3FB0]  }
0x31: {  	[smem:$0x3FB9] =	sst s10  }
0x32: {  	s10 =	sld [smem:$0x3FB7];
	_ =	sdelay $0x3  }
0x33: {  	p0 =	seq.s32 s10, $0x1;
	s10 =	sld [smem:$0x3FB9];
	_ =	sdelay $0x3  }
0x34: {  	[smem:$0x3FB9] =	sst s10  }
0x35: {  	s10 =	sld [smem:$0x3FB8];
	_ =	sdelay $0x3  }
0x36: {  	p1 =	seq.s32 s10, $0x1;
	s10 =	sld [smem:$0x3FB9];
	_ =	sdelay $0x3  }
0x37: {  	[smem:$0x3FB9] =	sst s10  }
0x38: {  	s10 =	sld [smem:$0x3FBA]  }
0x39: {  	_ = 	snop;
	(pc) =	sbr.ind lr, $3  }
0x3a: {  	_ = 	snop  }
0x3b: {  	_ = 	snop  }
0x3c: {  	p2 =	seq.s32 s10, $0x1;
	s10 =	sld [smem:$0x3FB9]  }
0x3d: {  	_ =	shalt  }
0x3e: {  	_ =	shalt  }
0x3f: {  	_ =	shalt  }
0x40: {  	_ =	shalt  }
0x41: {  	_ =	shalt  }
0x42: {  	_ =	shalt  }
0x43: {  	_ =	shalt  }
0x44: {  	_ =	shalt  }
0x45: {  	_ =	shalt  }
0x46: {  	_ =	shalt  }
0x47: {  	_ =	shalt  }
0x48: {  	_ =	shalt  }
0x49: {  	_ =	shalt  }
0x4a: {  	_ =	shalt  }
0x4b: {  	_ =	shalt  }
0x4c: {  	_ =	shalt  }
0x4d: {  	_ =	shalt  }
0x4e: {  	_ =	shalt  }
0x4f: {  	_ =	shalt  }
0x50: {  	_ =	shalt  }
0x51: {  	_ =	shalt  }
0x52: {  	_ =	shalt  }
0x53: {  	_ =	shalt  }
0x54: {  	_ =	shalt  }
0x55: {  	_ =	shalt  }
0x56: {  	_ =	shalt  }
0x57: {  	_ =	shalt  }
0x58: {  	_ =	shalt  }
0x59: {  	_ =	shalt  }
0x5a: {  	_ =	shalt  }
0x5b: {  	_ =	shalt  }
0x5c: {  	_ =	shalt  }
0x5d: {  	_ =	shalt  }
0x5e: {  	_ =	shalt  }
0x5f: {  	_ =	shalt  }
0x60: {  	_ =	shalt  }
0x61: {  	_ =	shalt  }
0x62: {  	_ =	shalt  }
0x63: {  	_ =	shalt  }
0x64: {  	_ =	shalt  }
0x65: {  	_ =	shalt  }
0x66: {  	_ =	shalt  }
0x67: {  	_ =	shalt  }
0x68: {  	_ =	shalt  }
0x69: {  	_ =	shalt  }
0x6a: {  	_ =	shalt  }
0x6b: {  	_ =	shalt  }
0x6c: {  	_ =	shalt  }
0x6d: {  	_ =	shalt  }
0x6e: {  	_ =	shalt  }
0x6f: {  	_ =	shalt  }
0x70: {  	_ =	shalt  }
0x71: {  	_ =	shalt  }
0x72: {  	_ =	shalt  }
0x73: {  	_ =	shalt  }
0x74: {  	_ =	shalt  }
0x75: {  	_ =	shalt  }
0x76: {  	_ =	shalt  }
0x77: {  	_ =	shalt  }
0x78: {  	_ =	shalt  }
0x79: {  	_ =	shalt  }
0x7a: {  	_ =	shalt  }
0x7b: {  	_ =	shalt  }
0x7c: {  	_ =	shalt  }
0x7d: {  	_ =	shalt  }
0x7e: {  	_ =	shalt  }
0x7f: {  	_ =	shalt  }
0x80: {  	_ =	shalt  }
0x81: {  	_ =	shalt  }
0x82: {  	_ =	shalt  }
0x83: {  	_ =	shalt  }
0x84: {  	_ =	shalt  }
0x85: {  	_ =	shalt  }
0x86: {  	_ =	shalt  }
0x87: {  	_ =	shalt  }
.Lfunc_end0:
.L_simem_size_0:
called_computation_lowered:
.L_overlay_start_0:
0x88: {  	s2 =	sld [smem:$0x3FD9]  }
0x89: {  	s3 =	sld [smem:$0x3FFE];
	_ =	sdelay $0x1  }
0x8a: {  	s1 =	srdreg.scid  }
0x8b: {  	s0 =	sand.u32 $0x1, s1  }
0x8c: {  	s17 =	sshll.u32 s0, $0xA;
	s2 =	sadd.s32 s3, s2  }
0x8d: {  	s2 =	sadd.s32 s2, s17  }
0x8e: {  	[smem:$0x3FC5] =	sst s2  }
0x8f: {  	_ = 	snop  }
0x90: {  	s2 =	sld [smem:$0x3FC8]  }
0x91: {  	s18 =	sld [smem:$0x3FC7]  }
0x92: {  	s4 =	sld [smem:$0x3FD0];
	(tm) =	ssettm $0x1  }
0x93: {  	s5 =	sld [smem:$0x3FFB];
	_ =	sdelay $0x3  }
0x94: {  	_ =	strace s5  }
0x95: {  	s5 =	sld [smem:$0x3FFC];
	_ =	sdelay $0x3  }
0x96: {  	_ =	strace s5  }
0x97: {  	s5 =	sld [smem:$0x3FFD];
	_ =	sdelay $0x3  }
0x98: {  	_ =	strace s5  }
0x99: {  	_ =	strace $0x8FFFFFFF  }
0x9a: {  	s19 =	sld [smem:$0x3FDB];
	_ =	sdelay $0x1  }
0x9b: {  	s6 =	simm.s32 $_scs_section_size  }
0x9c: {  	s7 =	simm.s32 $_size__tile_overlayer_lowered;
	s8 =	simm.s32 $_tile_overlayer_lowered  }
0x9d: {  	s22 =	simm.s32 $0x1BFF;
	s21 =	sshll.u32 s8, $0x1;
	s5 =	sadd.s32 s6, s19  }
0x9e: {  	s9 =	simm.s32 $0x0;
	s20 =	sshll.u32 s7, $0x1;
	s7 =	sadd.s32 s21, s5  }
0x9f: {  	[timem:s9], [sflag:s22] =	dma.local [hbm:s7], s20  }
0xa0: {  	_ =	swait.ge [sflag:s22], s20  }
0xa1: {  	s6 =	ssub.s32 $0x0, s20;
	[sflag:s22] =	ssyncset.done $0x0  }
0xa2: {  	[sflag:s22] =	ssyncadd.s32 s6;
	_ =	sdelay $0x1  }
0xa3: {  	s23 =	simm.s32 $0x1B8B  }
0xa4: {  	_ =	swait.ge [sflag:s23], $0x1  }
0xa5: {  	[sflag:s23] =	ssyncset.done $0x0  }
0xa6: {  	s25 =	simm.s32 $0x1B8E;
	s24 =	sld [smem:$0x3FFE];
	[sflag:s23] =	ssyncadd.s32 $0xFFFFFFFF  }
0xa7: {  	s26 =	simm.s32 $execute0_lowered;
	[smem:$0x3FD2] =	sst s25  }
0xa8: {  	s7 =	sshll.u32 s26, $0x1;
	_ =	strace $0x80000046;
	[dreg:$0x1] =	wrdreg $0xFFFFFFFF  }
0xa9: {  	s28 =	simm.s32 $_size_execute0_lowered;
	s5 =	sadd.s32 s5, s7;
	[dreg:$0x0] =	wrdreg $0x0  }
0xaa: {  	s7 =	sshll.u32 s28, $0x1;
	[dreg:$0x2] =	wrdreg s5  }
0xab: {  	[dreg:$0x3] =	wrdreg s7  }
0xac: {  	[dreg:$0x4] =	wrdreg $0xC0  }
0xad: {  	_ =	task [dreg:s9], $0x5FFFF  }
0xae: {  	[dreg:$0x1] =	wrdreg $0xFFFFFFFF  }
0xaf: {  	[dreg:$0x0] =	wrdreg $0x60  }
0xb0: {  	[dreg:$0x2] =	wrdreg s24  }
0xb1: {  	[dreg:$0x3] =	wrdreg s2  }
0xb2: {  	[dreg:$0x4] =	wrdreg s18  }
0xb3: {  	[dreg:$0x5] =	wrdreg s4  }
0xb4: {  	[dreg:$0x6] =	wrdreg $0x154000  }
0xb5: {  	[dreg:$0x7] =	wrdreg $0x9  }
0xb6: {  	_ =	task.clear_ibuf [dreg:s9], $0x8FFFF;
	_ =	strace $0x90000046  }
0xb7: {  	s29 =	simm.s32 $0x9;
	_ =	strace $0x80000048  }
0xb8: {  	_ =	swait.ge [sflag:s29], $0x1  }
0xb9: {  	[sflag:s29] =	ssyncadd.s32 $0xFFFFFFFF  }
0xba: {  	_ =	strace $0x90000048  }
0xbb: {  	_ =	sfence  }
0xbc: {  	s30 =	sld [smem:$0x0];
	_ =	sdelay $0x2  }
0xbd: {  	s31 =	sshll.u32 s1, $0xD;
	s1 =	sshrl.u32 s1, $0x2  }
0xbe: {  	s3 =	sand.u32 $0x4000, s31;
	s1 =	sadd.s32 s1, s30  }
0xbf: {  	s0 =	sor.u32 s3, s0;
	s1 =	sshll.u32 s1, $0x11  }
0xc0: {  	s0 =	sor.u32 s1, s0  }
0xc1: {  	s0 =	sadd.s32 $0x8F2B, s0  }
0xc2: {  	[sflag:s0] =	ssyncadd.remote.s32 $0x1  }
0xc3: {  	_ =	sfence.sel $0xFFFF  }
0xc4: {  	[dreg:$0x0] =	wrdreg $0xFFFFFFFF;
	(pc) =	sbr.abs _section_cstart, $3  }
0xc5: {  	[dreg:$0x1] =	wrdreg $0xFFFFFFFF  }
0xc6: {  	_ =	task.clear_ibuf [dreg:s9], $0x2FFFF;
	_ =	strace $0x9FFFFFFF  }
0xc7: {  	(tm) =	ssettm $0x7FFFFFFF  }
tec
execute0_lowered:
.L_overlay_start_1:
0x0: {  	(tag) =	ssettag $0x1  }
0x1: {  	s0 =	rddreg [dreg:$0x0]  }
0x2: {  	s1 =	rddreg [dreg:$0x1]  }
0x3: {  	s4 =	rddreg [dreg:$0x3]  }
0x4: {  	s2 =	rddreg [dreg:$0x4]  }
0x5: {  	s5 =	srdreg.scid;
	s3 =	stileid.u32;
	s7 =	simm.s32 $0x0  }
0x6: {  	s14 =	simm.s32 $0x68;
	s15 =	simm.s32 $0x8400;
	s17 =	simm.s32 $0xB800  }
0x7: {  	s19 =	simm.s32 $0xEC00;
	s20 =	simm.s32 $0x9;
	s21 =	simm.s32 $0x1  }
0x8: {  	s22 =	simm.s32 $0x12000;
	s28 =	simm.s32 $0x4;
	s29 =	simm.s32 $0x7  }
0x9: {  	s30 =	simm.s32 $0xA;
	s5 =	sand.u32 $0x1, s5;
	s6 =	sshll.u32 s3, $0x1  }
0xa: {  	[smem:$0x7FF] =	sst s7;
	s23 =	smul.u32 $0x1A000, s3;
	s6 =	sor.u32 s5, s6  }
0xb: {  	s5 =	ssub.s32 $0x2, s5;
	_ =	strace $0x80000047;
	s8 =	sshll.u32 s6, $0xA  }
0xc: {  	s9 =	smul.u32 $0xC8000, s6;
	s24 =	sshrl.u32 s5, $0x1;
	s7 =	sshrl.u32 s23, $0x2  }
0xd: {  	s23 =	simm.s32 $0x2;
	s0 =	sadd.s32 s8, s0;
	s5 =	ssub.s32 s5, s24  }
0xe: {  	s7 =	sadd.s32 s7, s2;
	s8 =	sshll.u32 s6, $0x5;
	s24 =	simm.s32 $0x5  }
0xf: {  	s25 =	sshrl.u32 s9, $0x3;
	s0 =	sadd.s32 $0x600, s0;
	s9 =	sadd.s32 $0x3400, s7  }
0x10: {  	s31 =	smax.u32 s5, $0x1;
	[dreg:$0x6] =	wrdreg s0;
	s26 =	sadd.s32 s4, s25  }
0x11: {  	[dreg:$0x8] =	wrdreg s31;
	s25 =	simm.s32 $0x3;
	s0 =	sadd.s32 $0x18980, s26  }
0x12: {  	s26 =	simm.s32 $0x6;
	[dreg:$0x7] =	wrdreg s0;
	s0 =	simm.s32 $0x0  }
.LBB2_1:
0x13: {  	s5 =	simm.s32 $0x0;
	s2 =	rddreg [dreg:$0x6];
	s16 =	simm.s32 $0xB  }
0x14: {  	[tilespmem:s5], [sflag:$0xB] =	stream.linear.gather [hbm4b:s2+s5], $0x2000, $0x38;
	[tilespmem:$0x1BC00] =	vst v63  }
0x15: {  	_ =	swait.ge [sflag:s16], $0x2000  }
0x16: {  	[sflag:s16] =	ssyncset.done $0x0  }
0x17: {  	[sflag:s16] =	ssyncadd.s32 $0xFFFFE000  }
0x18: {  	s6 =	simm.s32 $0x2000;
	s2 =	rddreg [dreg:$0x2]  }
0x19: {  	[tilespmem:s6], [sflag:$0x9] =	stream.linear.gather [hbm4b:s2+s5], $0x6400, $0x38;
	[tilespmem:$0x1BC00] =	vst v63  }
0x1a: {  	_ = 	snop  }
0x1b: {  	[tilespmem:s15], [sflag:$0x1] =	stream.indirect.gather [hbm4b:s1+s14], $0x80, s5, s14, $0xb8;
	[tilespmem:$0x1BC00] =	vst v63  }
0x1c: {  	s18 =	simm.s32 $0x80  }
0x1d: {  	[tilespmem:s17], [sflag:$0x2] =	stream.indirect.gather [hbm4b:s1+s14], $0x80, s18, s14, $0xb8;
	[tilespmem:$0x1BC00] =	vst v63  }
0x1e: {  	s31 =	simm.s32 $0x100  }
0x1f: {  	[tilespmem:s19], [sflag:$0x3] =	stream.indirect.gather [hbm4b:s1+s14], $0x80, s31, s14, $0xb8;
	[tilespmem:$0x1BC00] =	vst v63  }
0x20: {  	_ =	swait.ge [sflag:s20], $0x6400  }
0x21: {  	[sflag:s20] =	ssyncset.done $0x0  }
0x22: {  	s2 =	simm.s32 $0x0;
	[sflag:s20] =	ssyncadd.s32 $0xFFFF9C00  }
.LBB2_2:
0x23: {  	_ =	swait.ge [sflag:s21], $0x3400  }
0x24: {  	[sflag:s21] =	ssyncset.done $0x0  }
0x25: {  	s6 =	simm.s32 $0x0;
	s5 =	simm.s32 $0x800;
	[sflag:s21] =	ssyncadd.s32 $0xFFFFCC00  }
.LBB2_3:
0x26: {  	p0 =	sne.s32 s5, $0xB800;
	v0 =	vld [tilespmem:s6+$0x21F0]  }
0x27: {  	v1 =	vld [tilespmem:s6+$0x2000]  }
0x28: {  	v2 =	vld [tilespmem:s6+$0x2010]  }
0x29: {  	v3 =	vld [tilespmem:s6+$0x2020]  }
0x2a: {  	v4 =	vld [tilespmem:s6+$0x2030]  }
0x2b: {  	[tilespmem:s6+$0x85F0] =	vst.add.f32.msk $0xffff, v0  }
0x2c: {  	v0 =	vld [tilespmem:s6+$0x2040]  }
0x2d: {  	v5 =	vld [tilespmem:s6+$0x2050]  }
0x2e: {  	v6 =	vld [tilespmem:s6+$0x2060]  }
0x2f: {  	v7 =	vld [tilespmem:s6+$0x2070]  }
0x30: {  	v8 =	vld [tilespmem:s6+$0x2080]  }
0x31: {  	v9 =	vld [tilespmem:s6+$0x2090]  }
0x32: {  	v10 =	vld [tilespmem:s6+$0x20A0]  }
0x33: {  	v11 =	vld [tilespmem:s6+$0x20B0]  }
0x34: {  	v12 =	vld [tilespmem:s6+$0x20C0]  }
0x35: {  	v13 =	vld [tilespmem:s6+$0x20D0]  }
0x36: {  	v14 =	vld [tilespmem:s6+$0x20E0]  }
0x37: {  	v15 =	vld [tilespmem:s6+$0x20F0]  }
0x38: {  	v16 =	vld [tilespmem:s6+$0x2100]  }
0x39: {  	v17 =	vld [tilespmem:s6+$0x2110]  }
0x3a: {  	v18 =	vld [tilespmem:s6+$0x2120]  }
0x3b: {  	v19 =	vld [tilespmem:s6+$0x2130]  }
0x3c: {  	v20 =	vld [tilespmem:s6+$0x2140]  }
0x3d: {  	v21 =	vld [tilespmem:s6+$0x2150]  }
0x3e: {  	v22 =	vld [tilespmem:s6+$0x2160]  }
0x3f: {  	v23 =	vld [tilespmem:s6+$0x2170]  }
0x40: {  	v24 =	vld [tilespmem:s6+$0x2180]  }
0x41: {  	v25 =	vld [tilespmem:s6+$0x2190]  }
0x42: {  	v26 =	vld [tilespmem:s6+$0x21A0]  }
0x43: {  	v27 =	vld [tilespmem:s6+$0x21B0]  }
0x44: {  	v28 =	vld [tilespmem:s6+$0x21C0]  }
0x45: {  	v29 =	vld [tilespmem:s6+$0x21D0]  }
0x46: {  	v30 =	vld [tilespmem:s6+$0x21E0]  }
0x47: {  	[tilespmem:s6+$0x8400] =	vst.add.f32.msk $0xffff, v1  }
0x48: {  	[tilespmem:s6+$0x8410] =	vst.add.f32.msk $0xffff, v2  }
0x49: {  	[tilespmem:s6+$0x8420] =	vst.add.f32.msk $0xffff, v3  }
0x4a: {  	[tilespmem:s6+$0x8430] =	vst.add.f32.msk $0xffff, v4  }
0x4b: {  	[tilespmem:s6+$0x8440] =	vst.add.f32.msk $0xffff, v0  }
0x4c: {  	[tilespmem:s6+$0x8450] =	vst.add.f32.msk $0xffff, v5  }
0x4d: {  	[tilespmem:s6+$0x8460] =	vst.add.f32.msk $0xffff, v6  }
0x4e: {  	[tilespmem:s6+$0x8470] =	vst.add.f32.msk $0xffff, v7  }
0x4f: {  	[tilespmem:s6+$0x8480] =	vst.add.f32.msk $0xffff, v8  }
0x50: {  	[tilespmem:s6+$0x8490] =	vst.add.f32.msk $0xffff, v9  }
0x51: {  	[tilespmem:s6+$0x84A0] =	vst.add.f32.msk $0xffff, v10  }
0x52: {  	[tilespmem:s6+$0x84B0] =	vst.add.f32.msk $0xffff, v11  }
0x53: {  	[tilespmem:s6+$0x84C0] =	vst.add.f32.msk $0xffff, v12  }
0x54: {  	[tilespmem:s6+$0x84D0] =	vst.add.f32.msk $0xffff, v13  }
0x55: {  	[tilespmem:s6+$0x84E0] =	vst.add.f32.msk $0xffff, v14  }
0x56: {  	[tilespmem:s6+$0x84F0] =	vst.add.f32.msk $0xffff, v15  }
0x57: {  	[tilespmem:s6+$0x8500] =	vst.add.f32.msk $0xffff, v16  }
0x58: {  	[tilespmem:s6+$0x8510] =	vst.add.f32.msk $0xffff, v17  }
0x59: {  	[tilespmem:s6+$0x8520] =	vst.add.f32.msk $0xffff, v18  }
0x5a: {  	[tilespmem:s6+$0x8530] =	vst.add.f32.msk $0xffff, v19  }
0x5b: {  	[tilespmem:s6+$0x8540] =	vst.add.f32.msk $0xffff, v20  }
0x5c: {  	[tilespmem:s6+$0x8550] =	vst.add.f32.msk $0xffff, v21  }
0x5d: {  	[tilespmem:s6+$0x8560] =	vst.add.f32.msk $0xffff, v22  }
0x5e: {  	[tilespmem:s6+$0x8570] =	vst.add.f32.msk $0xffff, v23  }
0x5f: {  	[tilespmem:s6+$0x8580] =	vst.add.f32.msk $0xffff, v24  }
0x60: {  	[tilespmem:s6+$0x8590] =	vst.add.f32.msk $0xffff, v25  }
.Ltmp0:
0x61: {  	[tilespmem:s6+$0x85A0] =	vst.add.f32.msk $0xffff, v26;
	(pc) =	sbr.rel @p0 .LBB2_3-.Ltmp0, $4  }
0x62: {  	[tilespmem:s6+$0x85B0] =	vst.add.f32.msk $0xffff, v27  }
0x63: {  	[tilespmem:s6+$0x85C0] =	vst.add.f32.msk $0xffff, v28  }
0x64: {  	[tilespmem:s6+$0x85D0] =	vst.add.f32.msk $0xffff, v29  }
0x65: {  	[tilespmem:s6+$0x85E0] =	vst.add.f32.msk $0xffff, v30;
	s6 =	sshra.s32 s5, $0x2;
	s5 =	sadd.s32 $0x800, s5  }
0x66: {  	v0 =	vld [tilespmem:s6+$0x21F0]  }
0x67: {  	v1 =	vld [tilespmem:s6+$0x2000]  }
0x68: {  	v2 =	vld [tilespmem:s6+$0x2010]  }
0x69: {  	v3 =	vld [tilespmem:s6+$0x2020]  }
0x6a: {  	v4 =	vld [tilespmem:s6+$0x2030]  }
0x6b: {  	v63 =	vld [tilespmem:s6+$0x2040]  }
0x6c: {  	v5 =	vld [tilespmem:s6+$0x2050]  }
0x6d: {  	v6 =	vld [tilespmem:s6+$0x2060]  }
0x6e: {  	v7 =	vld [tilespmem:s6+$0x2070]  }
0x6f: {  	v8 =	vld [tilespmem:s6+$0x2080]  }
0x70: {  	v9 =	vld [tilespmem:s6+$0x2090]  }
0x71: {  	v10 =	vld [tilespmem:s6+$0x20A0]  }
0x72: {  	v11 =	vld [tilespmem:s6+$0x20B0]  }
0x73: {  	v12 =	vld [tilespmem:s6+$0x20C0]  }
0x74: {  	v13 =	vld [tilespmem:s6+$0x20D0]  }
0x75: {  	v14 =	vld [tilespmem:s6+$0x20E0]  }
0x76: {  	v15 =	vld [tilespmem:s6+$0x20F0]  }
0x77: {  	v16 =	vld [tilespmem:s6+$0x2100]  }
0x78: {  	v17 =	vld [tilespmem:s6+$0x2110]  }
0x79: {  	v18 =	vld [tilespmem:s6+$0x2120]  }
0x7a: {  	v19 =	vld [tilespmem:s6+$0x2130]  }
0x7b: {  	v20 =	vld [tilespmem:s6+$0x2140]  }
0x7c: {  	v21 =	vld [tilespmem:s6+$0x2150]  }
0x7d: {  	v22 =	vld [tilespmem:s6+$0x2160]  }
0x7e: {  	v23 =	vld [tilespmem:s6+$0x2170]  }
0x7f: {  	v24 =	vld [tilespmem:s6+$0x2180]  }
0x80: {  	v25 =	vld [tilespmem:s6+$0x2190]  }
0x81: {  	v26 =	vld [tilespmem:s6+$0x21A0]  }
0x82: {  	v27 =	vld [tilespmem:s6+$0x21B0]  }
0x83: {  	v28 =	vld [tilespmem:s6+$0x21C0]  }
0x84: {  	v29 =	vld [tilespmem:s6+$0x21D0]  }
0x85: {  	v30 =	vld [tilespmem:s6+$0x21E0]  }
0x86: {  	[tilespmem:s6+$0x85F0] =	vst.add.f32.msk $0xffff, v0  }
0x87: {  	[tilespmem:s6+$0x8400] =	vst.add.f32.msk $0xffff, v1  }
0x88: {  	[tilespmem:s6+$0x8410] =	vst.add.f32.msk $0xffff, v2  }
0x89: {  	[tilespmem:s6+$0x8420] =	vst.add.f32.msk $0xffff, v3  }
0x8a: {  	[tilespmem:s6+$0x8430] =	vst.add.f32.msk $0xffff, v4  }
0x8b: {  	[tilespmem:s6+$0x8440] =	vst.add.f32.msk $0xffff, v63  }
0x8c: {  	[tilespmem:s6+$0x8450] =	vst.add.f32.msk $0xffff, v5  }
0x8d: {  	[tilespmem:s6+$0x8460] =	vst.add.f32.msk $0xffff, v6  }
0x8e: {  	[tilespmem:s6+$0x8470] =	vst.add.f32.msk $0xffff, v7  }
0x8f: {  	[tilespmem:s6+$0x8480] =	vst.add.f32.msk $0xffff, v8  }
0x90: {  	[tilespmem:s6+$0x8490] =	vst.add.f32.msk $0xffff, v9  }
0x91: {  	[tilespmem:s6+$0x84A0] =	vst.add.f32.msk $0xffff, v10  }
0x92: {  	[tilespmem:s6+$0x84B0] =	vst.add.f32.msk $0xffff, v11  }
0x93: {  	[tilespmem:s6+$0x84C0] =	vst.add.f32.msk $0xffff, v12  }
0x94: {  	[tilespmem:s6+$0x84D0] =	vst.add.f32.msk $0xffff, v13  }
0x95: {  	[tilespmem:s6+$0x84E0] =	vst.add.f32.msk $0xffff, v14  }
0x96: {  	[tilespmem:s6+$0x84F0] =	vst.add.f32.msk $0xffff, v15  }
0x97: {  	[tilespmem:s6+$0x8500] =	vst.add.f32.msk $0xffff, v16  }
0x98: {  	[tilespmem:s6+$0x8510] =	vst.add.f32.msk $0xffff, v17  }
0x99: {  	[tilespmem:s6+$0x8520] =	vst.add.f32.msk $0xffff, v18  }
0x9a: {  	[tilespmem:s6+$0x8530] =	vst.add.f32.msk $0xffff, v19  }
0x9b: {  	[tilespmem:s6+$0x8540] =	vst.add.f32.msk $0xffff, v20  }
0x9c: {  	[tilespmem:s6+$0x8550] =	vst.add.f32.msk $0xffff, v21  }
0x9d: {  	[tilespmem:s6+$0x8560] =	vst.add.f32.msk $0xffff, v22  }
0x9e: {  	[tilespmem:s6+$0x8570] =	vst.add.f32.msk $0xffff, v23  }
0x9f: {  	[tilespmem:s6+$0x8580] =	vst.add.f32.msk $0xffff, v24  }
0xa0: {  	p0 =	seq.s32 s2, $0x0;
	[tilespmem:s6+$0x8590] =	vst.add.f32.msk $0xffff, v25  }
0xa1: {  	s5 =	sshll.u32 @!p0 s2, $0x2;
	[tilespmem:s6+$0x85A0] =	vst.add.f32.msk $0xffff, v26  }
0xa2: {  	s5 =	sadd.s32 @!p0 $0xFFFFFFFE, s5;
	[tilespmem:s6+$0x85B0] =	vst.add.f32.msk $0xffff, v27  }
0xa3: {  	s5 =	sshrl.u32 @!p0 s5, $0x1;
	[tilespmem:s6+$0x85C0] =	vst.add.f32.msk $0xffff, v28  }
0xa4: {  	s5 =	sadd.s32 @!p0 s8, s5;
	[tilespmem:s6+$0x85D0] =	vst.add.f32.msk $0xffff, v29  }
0xa5: {  	[tilespmem:s6+$0x85E0] =	vst.add.f32.msk $0xffff, v30;
	s6 =	simm.s32 @!p0 $0x8;
	s5 =	smul.u32 @!p0 $0x6400, s5  }
0xa6: {  	_ =	swait.ge @!p0 [sflag:s6], $0x3400  }
0xa7: {  	[sflag:s6] =	ssyncset.done @!p0 $0x0;
	s5 =	sadd.s32 @!p0 $0x3000, s5  }
0xa8: {  	[sflag:s6] =	ssyncadd.s32 @!p0 $0xFFFFCC00;
	s5 =	sshrl.u32 @!p0 s5, $0x3;
	s6 =	sshll.u32 @!p0 s3, $0x6  }
0xa9: {  	s10 =	sshrl.u32 @!p0 s9, $0x3;
	s5 =	sadd.s32 @!p0 s4, s5;
	s6 =	sor.u32 @!p0 $0x1C0A, s6  }
0xaa: {  	[hbm:s5], [sflag:s6] =	dma.local @!p0 [spmem:s10], $0x680  }
0xab: {  	s5 =	simm.s32 @!p0 $0x9  }
0xac: {  	_ =	swait.ge @!p0 [sflag:s5], $0x600  }
0xad: {  	s31 =	sshll.u32 s2, $0x9;
	[sflag:s5] =	ssyncset.done @!p0 $0x0  }
0xae: {  	s13 =	sand.u32 $0x3FFFFE00, s31;
	[sflag:s5] =	ssyncadd.s32 @!p0 $0xFFFFFA00  }
0xaf: {  	[spmem:s7] =	stream.linear.scatter [tilespmem:s15], [sflag:$0x5], $0x3000, $0x38;
	[tilespmem:$0x1BC00] =	vst v63  }
0xb0: {  	s5 =	sor.u32 $0x180, s13  }
0xb1: {  	[tilespmem:s22], [sflag:$0x4] =	stream.indirect.gather [hbm4b:s1+s14], $0x80, s5, s14, $0xb8;
	[tilespmem:$0x1BC00] =	vst v63  }
0xb2: {  	_ =	swait.ge [sflag:s23], $0x3400  }
0xb3: {  	[sflag:s23] =	ssyncset.done $0x0  }
0xb4: {  	s6 =	simm.s32 $0x800;
	s5 =	simm.s32 $0x0;
	[sflag:s23] =	ssyncadd.s32 $0xFFFFCC00  }
.LBB2_5:
0xb5: {  	p0 =	sne.s32 s6, $0xC800;
	v0 =	vld [tilespmem:s5+$0x51F0]  }
0xb6: {  	v1 =	vld [tilespmem:s5+$0x5000]  }
0xb7: {  	v2 =	vld [tilespmem:s5+$0x5010]  }
0xb8: {  	v3 =	vld [tilespmem:s5+$0x5020]  }
0xb9: {  	v4 =	vld [tilespmem:s5+$0x5030]  }
0xba: {  	[tilespmem:s5+$0xB9F0] =	vst.add.f32.msk $0xffff, v0  }
0xbb: {  	v0 =	vld [tilespmem:s5+$0x5040]  }
0xbc: {  	v5 =	vld [tilespmem:s5+$0x5050]  }
0xbd: {  	v6 =	vld [tilespmem:s5+$0x5060]  }
0xbe: {  	v7 =	vld [tilespmem:s5+$0x5070]  }
0xbf: {  	v8 =	vld [tilespmem:s5+$0x5080]  }
0xc0: {  	v9 =	vld [tilespmem:s5+$0x5090]  }
0xc1: {  	v10 =	vld [tilespmem:s5+$0x50A0]  }
0xc2: {  	v11 =	vld [tilespmem:s5+$0x50B0]  }
0xc3: {  	v12 =	vld [tilespmem:s5+$0x50C0]  }
0xc4: {  	v13 =	vld [tilespmem:s5+$0x50D0]  }
0xc5: {  	v14 =	vld [tilespmem:s5+$0x50E0]  }
0xc6: {  	v15 =	vld [tilespmem:s5+$0x50F0]  }
0xc7: {  	v16 =	vld [tilespmem:s5+$0x5100]  }
0xc8: {  	v17 =	vld [tilespmem:s5+$0x5110]  }
0xc9: {  	v18 =	vld [tilespmem:s5+$0x5120]  }
0xca: {  	v19 =	vld [tilespmem:s5+$0x5130]  }
0xcb: {  	v20 =	vld [tilespmem:s5+$0x5140]  }
0xcc: {  	v21 =	vld [tilespmem:s5+$0x5150]  }
0xcd: {  	v22 =	vld [tilespmem:s5+$0x5160]  }
0xce: {  	v23 =	vld [tilespmem:s5+$0x5170]  }
0xcf: {  	v24 =	vld [tilespmem:s5+$0x5180]  }
0xd0: {  	v25 =	vld [tilespmem:s5+$0x5190]  }
0xd1: {  	v26 =	vld [tilespmem:s5+$0x51A0]  }
0xd2: {  	v27 =	vld [tilespmem:s5+$0x51B0]  }
0xd3: {  	v28 =	vld [tilespmem:s5+$0x51C0]  }
0xd4: {  	v29 =	vld [tilespmem:s5+$0x51D0]  }
0xd5: {  	v30 =	vld [tilespmem:s5+$0x51E0]  }
0xd6: {  	[tilespmem:s5+$0xB800] =	vst.add.f32.msk $0xffff, v1  }
0xd7: {  	[tilespmem:s5+$0xB810] =	vst.add.f32.msk $0xffff, v2  }
0xd8: {  	[tilespmem:s5+$0xB820] =	vst.add.f32.msk $0xffff, v3  }
0xd9: {  	[tilespmem:s5+$0xB830] =	vst.add.f32.msk $0xffff, v4  }
0xda: {  	[tilespmem:s5+$0xB840] =	vst.add.f32.msk $0xffff, v0  }
0xdb: {  	[tilespmem:s5+$0xB850] =	vst.add.f32.msk $0xffff, v5  }
0xdc: {  	[tilespmem:s5+$0xB860] =	vst.add.f32.msk $0xffff, v6  }
0xdd: {  	[tilespmem:s5+$0xB870] =	vst.add.f32.msk $0xffff, v7  }
0xde: {  	[tilespmem:s5+$0xB880] =	vst.add.f32.msk $0xffff, v8  }
0xdf: {  	[tilespmem:s5+$0xB890] =	vst.add.f32.msk $0xffff, v9  }
0xe0: {  	[tilespmem:s5+$0xB8A0] =	vst.add.f32.msk $0xffff, v10  }
0xe1: {  	[tilespmem:s5+$0xB8B0] =	vst.add.f32.msk $0xffff, v11  }
0xe2: {  	[tilespmem:s5+$0xB8C0] =	vst.add.f32.msk $0xffff, v12  }
0xe3: {  	[tilespmem:s5+$0xB8D0] =	vst.add.f32.msk $0xffff, v13  }
0xe4: {  	[tilespmem:s5+$0xB8E0] =	vst.add.f32.msk $0xffff, v14  }
0xe5: {  	[tilespmem:s5+$0xB8F0] =	vst.add.f32.msk $0xffff, v15  }
0xe6: {  	[tilespmem:s5+$0xB900] =	vst.add.f32.msk $0xffff, v16  }
0xe7: {  	[tilespmem:s5+$0xB910] =	vst.add.f32.msk $0xffff, v17  }
0xe8: {  	[tilespmem:s5+$0xB920] =	vst.add.f32.msk $0xffff, v18  }
0xe9: {  	[tilespmem:s5+$0xB930] =	vst.add.f32.msk $0xffff, v19  }
0xea: {  	[tilespmem:s5+$0xB940] =	vst.add.f32.msk $0xffff, v20  }
0xeb: {  	[tilespmem:s5+$0xB950] =	vst.add.f32.msk $0xffff, v21  }
0xec: {  	[tilespmem:s5+$0xB960] =	vst.add.f32.msk $0xffff, v22  }
0xed: {  	[tilespmem:s5+$0xB970] =	vst.add.f32.msk $0xffff, v23  }
0xee: {  	[tilespmem:s5+$0xB980] =	vst.add.f32.msk $0xffff, v24  }
0xef: {  	[tilespmem:s5+$0xB990] =	vst.add.f32.msk $0xffff, v25  }
.Ltmp1:
0xf0: {  	[tilespmem:s5+$0xB9A0] =	vst.add.f32.msk $0xffff, v26;
	(pc) =	sbr.rel @p0 .LBB2_5-.Ltmp1, $4  }
0xf1: {  	[tilespmem:s5+$0xB9B0] =	vst.add.f32.msk $0xffff, v27  }
0xf2: {  	[tilespmem:s5+$0xB9C0] =	vst.add.f32.msk $0xffff, v28  }
0xf3: {  	[tilespmem:s5+$0xB9D0] =	vst.add.f32.msk $0xffff, v29  }
0xf4: {  	[tilespmem:s5+$0xB9E0] =	vst.add.f32.msk $0xffff, v30;
	s5 =	sshra.s32 s6, $0x2;
	s6 =	sadd.s32 $0x800, s6  }
0xf5: {  	v0 =	vld [tilespmem:s5+$0x51F0]  }
0xf6: {  	v1 =	vld [tilespmem:s5+$0x5000]  }
0xf7: {  	v2 =	vld [tilespmem:s5+$0x5010]  }
0xf8: {  	v3 =	vld [tilespmem:s5+$0x5020]  }
0xf9: {  	v4 =	vld [tilespmem:s5+$0x5030]  }
0xfa: {  	v63 =	vld [tilespmem:s5+$0x5040]  }
0xfb: {  	v5 =	vld [tilespmem:s5+$0x5050]  }
0xfc: {  	v6 =	vld [tilespmem:s5+$0x5060]  }
0xfd: {  	v7 =	vld [tilespmem:s5+$0x5070]  }
0xfe: {  	v8 =	vld [tilespmem:s5+$0x5080]  }
0xff: {  	v9 =	vld [tilespmem:s5+$0x5090]  }
0x100: {  	v10 =	vld [tilespmem:s5+$0x50A0]  }
0x101: {  	v11 =	vld [tilespmem:s5+$0x50B0]  }
0x102: {  	v12 =	vld [tilespmem:s5+$0x50C0]  }
0x103: {  	v13 =	vld [tilespmem:s5+$0x50D0]  }
0x104: {  	v14 =	vld [tilespmem:s5+$0x50E0]  }
0x105: {  	v15 =	vld [tilespmem:s5+$0x50F0]  }
0x106: {  	v16 =	vld [tilespmem:s5+$0x5100]  }
0x107: {  	v17 =	vld [tilespmem:s5+$0x5110]  }
0x108: {  	v18 =	vld [tilespmem:s5+$0x5120]  }
0x109: {  	v19 =	vld [tilespmem:s5+$0x5130]  }
0x10a: {  	v20 =	vld [tilespmem:s5+$0x5140]  }
0x10b: {  	v21 =	vld [tilespmem:s5+$0x5150]  }
0x10c: {  	v22 =	vld [tilespmem:s5+$0x5160]  }
0x10d: {  	v23 =	vld [tilespmem:s5+$0x5170]  }
0x10e: {  	v24 =	vld [tilespmem:s5+$0x5180]  }
0x10f: {  	v25 =	vld [tilespmem:s5+$0x5190]  }
0x110: {  	v26 =	vld [tilespmem:s5+$0x51A0]  }
0x111: {  	v27 =	vld [tilespmem:s5+$0x51B0]  }
0x112: {  	v28 =	vld [tilespmem:s5+$0x51C0]  }
0x113: {  	v29 =	vld [tilespmem:s5+$0x51D0]  }
0x114: {  	v30 =	vld [tilespmem:s5+$0x51E0]  }
0x115: {  	[tilespmem:s5+$0xB9F0] =	vst.add.f32.msk $0xffff, v0  }
0x116: {  	[tilespmem:s5+$0xB800] =	vst.add.f32.msk $0xffff, v1  }
0x117: {  	[tilespmem:s5+$0xB810] =	vst.add.f32.msk $0xffff, v2  }
0x118: {  	[tilespmem:s5+$0xB820] =	vst.add.f32.msk $0xffff, v3  }
0x119: {  	[tilespmem:s5+$0xB830] =	vst.add.f32.msk $0xffff, v4  }
0x11a: {  	[tilespmem:s5+$0xB840] =	vst.add.f32.msk $0xffff, v63  }
0x11b: {  	[tilespmem:s5+$0xB850] =	vst.add.f32.msk $0xffff, v5  }
0x11c: {  	[tilespmem:s5+$0xB860] =	vst.add.f32.msk $0xffff, v6  }
0x11d: {  	[tilespmem:s5+$0xB870] =	vst.add.f32.msk $0xffff, v7  }
0x11e: {  	[tilespmem:s5+$0xB880] =	vst.add.f32.msk $0xffff, v8  }
0x11f: {  	[tilespmem:s5+$0xB890] =	vst.add.f32.msk $0xffff, v9  }
0x120: {  	[tilespmem:s5+$0xB8A0] =	vst.add.f32.msk $0xffff, v10  }
0x121: {  	[tilespmem:s5+$0xB8B0] =	vst.add.f32.msk $0xffff, v11  }
0x122: {  	[tilespmem:s5+$0xB8C0] =	vst.add.f32.msk $0xffff, v12  }
0x123: {  	[tilespmem:s5+$0xB8D0] =	vst.add.f32.msk $0xffff, v13  }
0x124: {  	[tilespmem:s5+$0xB8E0] =	vst.add.f32.msk $0xffff, v14  }
0x125: {  	[tilespmem:s5+$0xB8F0] =	vst.add.f32.msk $0xffff, v15  }
0x126: {  	[tilespmem:s5+$0xB900] =	vst.add.f32.msk $0xffff, v16  }
0x127: {  	[tilespmem:s5+$0xB910] =	vst.add.f32.msk $0xffff, v17  }
0x128: {  	[tilespmem:s5+$0xB920] =	vst.add.f32.msk $0xffff, v18  }
0x129: {  	[tilespmem:s5+$0xB930] =	vst.add.f32.msk $0xffff, v19  }
0x12a: {  	[tilespmem:s5+$0xB940] =	vst.add.f32.msk $0xffff, v20  }
0x12b: {  	[tilespmem:s5+$0xB950] =	vst.add.f32.msk $0xffff, v21  }
0x12c: {  	[tilespmem:s5+$0xB960] =	vst.add.f32.msk $0xffff, v22  }
0x12d: {  	[tilespmem:s5+$0xB970] =	vst.add.f32.msk $0xffff, v23  }
0x12e: {  	[tilespmem:s5+$0xB980] =	vst.add.f32.msk $0xffff, v24  }
0x12f: {  	[tilespmem:s5+$0xB990] =	vst.add.f32.msk $0xffff, v25  }
0x130: {  	[tilespmem:s5+$0xB9A0] =	vst.add.f32.msk $0xffff, v26  }
0x131: {  	[tilespmem:s5+$0xB9B0] =	vst.add.f32.msk $0xffff, v27  }
0x132: {  	[tilespmem:s5+$0xB9C0] =	vst.add.f32.msk $0xffff, v28  }
0x133: {  	s16 =	sshll.u32 s2, $0x1;
	p0 =	sne.s32 s2, $0x0;
	[tilespmem:s5+$0xB9D0] =	vst.add.f32.msk $0xffff, v29  }
.Ltmp2:
0x134: {  	s11 =	sor.u32 s8, s16;
	[tilespmem:s5+$0xB9E0] =	vst.add.f32.msk $0xffff, v30;
	(pc) =	sbr.rel @!p0 .LBB2_7-.Ltmp2, $4  }
0x135: {  	s31 =	smul.u32 $0xC80, s11;
	_ =	swait.ge [sflag:s24], $0x3000  }
0x136: {  	s10 =	sshll.u32 s3, $0x6;
	s6 =	sshrl.u32 s7, $0x3;
	[sflag:s24] =	ssyncset.done $0x0  }
0x137: {  	s18 =	sor.u32 $0x1C09, s10;
	s5 =	sadd.s32 s4, s31;
	[sflag:s24] =	ssyncadd.s32 $0xFFFFD000  }
0x138: {  	[hbm:s5], [sflag:s18] =	dma.local [spmem:s6], $0x600  }
0x139: {  	p1 =	seq.s32 s2, $0xF  }
.Ltmp3:
0x13a: {  	_ = 	snop;
	(pc) =	sbr.rel @p1 .LBB2_10-.Ltmp3, $4  }
.Ltmp4:
0x13b: {  	_ =	swait.ge [sflag:s30], $0x680;
	(pc) =	sbr.rel @!p1 .LBB2_9-.Ltmp4, $4  }
0x13c: {  	[sflag:s30] =	ssyncset.done $0x0  }
0x13d: {  	p0 =	por $0x1, $0x1;
	[sflag:s30] =	ssyncadd.s32 $0xFFFFF980  }
0x13e: {  	[spmem:s9] =	stream.linear.scatter [tilespmem:s17], [sflag:$0x6], $0x3400, $0x38;
	[tilespmem:$0x1BC00] =	vst v63  }
0x13f: {  	_ = 	snop  }
.LBB2_7:
0x140: {  	[spmem:s9] =	stream.linear.scatter [tilespmem:s17], [sflag:$0x6], $0x3400, $0x38;
	[tilespmem:$0x1BC00] =	vst v63  }
.LBB2_9:
0x141: {  	s5 =	sadd.s32 $0x200, s13;
	p0 =	por $0x0, $0x0  }
0x142: {  	[tilespmem:s15], [sflag:$0x1] =	stream.indirect.gather [hbm4b:s1+s14], $0x80, s5, s14, $0xb8;
	[tilespmem:$0x1BC00] =	vst v63  }
.LBB2_10:
0x143: {  	_ =	swait.ge [sflag:s25], $0x3400  }
0x144: {  	[sflag:s25] =	ssyncset.done $0x0  }
0x145: {  	s5 =	simm.s32 $0x0;
	s12 =	simm.s32 $0x800;
	[sflag:s25] =	ssyncadd.s32 $0xFFFFCC00  }
.LBB2_11:
0x146: {  	p1 =	sne.s32 s12, $0xB800;
	v0 =	vld [tilespmem:s5+$0x21F0]  }
0x147: {  	v1 =	vld [tilespmem:s5+$0x2000]  }
0x148: {  	v2 =	vld [tilespmem:s5+$0x2010]  }
0x149: {  	v3 =	vld [tilespmem:s5+$0x2020]  }
0x14a: {  	v4 =	vld [tilespmem:s5+$0x2030]  }
0x14b: {  	[tilespmem:s5+$0xEDF0] =	vst.add.f32.msk $0xffff, v0  }
0x14c: {  	v0 =	vld [tilespmem:s5+$0x2040]  }
0x14d: {  	v5 =	vld [tilespmem:s5+$0x2050]  }
0x14e: {  	v6 =	vld [tilespmem:s5+$0x2060]  }
0x14f: {  	v7 =	vld [tilespmem:s5+$0x2070]  }
0x150: {  	v8 =	vld [tilespmem:s5+$0x2080]  }
0x151: {  	v9 =	vld [tilespmem:s5+$0x2090]  }
0x152: {  	v10 =	vld [tilespmem:s5+$0x20A0]  }
0x153: {  	v11 =	vld [tilespmem:s5+$0x20B0]  }
0x154: {  	v12 =	vld [tilespmem:s5+$0x20C0]  }
0x155: {  	v13 =	vld [tilespmem:s5+$0x20D0]  }
0x156: {  	v14 =	vld [tilespmem:s5+$0x20E0]  }
0x157: {  	v15 =	vld [tilespmem:s5+$0x20F0]  }
0x158: {  	v16 =	vld [tilespmem:s5+$0x2100]  }
0x159: {  	v17 =	vld [tilespmem:s5+$0x2110]  }
0x15a: {  	v18 =	vld [tilespmem:s5+$0x2120]  }
0x15b: {  	v19 =	vld [tilespmem:s5+$0x2130]  }
0x15c: {  	v20 =	vld [tilespmem:s5+$0x2140]  }
0x15d: {  	v21 =	vld [tilespmem:s5+$0x2150]  }
0x15e: {  	v22 =	vld [tilespmem:s5+$0x2160]  }
0x15f: {  	v23 =	vld [tilespmem:s5+$0x2170]  }
0x160: {  	v24 =	vld [tilespmem:s5+$0x2180]  }
0x161: {  	v25 =	vld [tilespmem:s5+$0x2190]  }
0x162: {  	v26 =	vld [tilespmem:s5+$0x21A0]  }
0x163: {  	v27 =	vld [tilespmem:s5+$0x21B0]  }
0x164: {  	v28 =	vld [tilespmem:s5+$0x21C0]  }
0x165: {  	v29 =	vld [tilespmem:s5+$0x21D0]  }
0x166: {  	v30 =	vld [tilespmem:s5+$0x21E0]  }
0x167: {  	[tilespmem:s5+$0xEC00] =	vst.add.f32.msk $0xffff, v1  }
0x168: {  	[tilespmem:s5+$0xEC10] =	vst.add.f32.msk $0xffff, v2  }
0x169: {  	[tilespmem:s5+$0xEC20] =	vst.add.f32.msk $0xffff, v3  }
0x16a: {  	[tilespmem:s5+$0xEC30] =	vst.add.f32.msk $0xffff, v4  }
0x16b: {  	[tilespmem:s5+$0xEC40] =	vst.add.f32.msk $0xffff, v0  }
0x16c: {  	[tilespmem:s5+$0xEC50] =	vst.add.f32.msk $0xffff, v5  }
0x16d: {  	[tilespmem:s5+$0xEC60] =	vst.add.f32.msk $0xffff, v6  }
0x16e: {  	[tilespmem:s5+$0xEC70] =	vst.add.f32.msk $0xffff, v7  }
0x16f: {  	[tilespmem:s5+$0xEC80] =	vst.add.f32.msk $0xffff, v8  }
0x170: {  	[tilespmem:s5+$0xEC90] =	vst.add.f32.msk $0xffff, v9  }
0x171: {  	[tilespmem:s5+$0xECA0] =	vst.add.f32.msk $0xffff, v10  }
0x172: {  	[tilespmem:s5+$0xECB0] =	vst.add.f32.msk $0xffff, v11  }
0x173: {  	[tilespmem:s5+$0xECC0] =	vst.add.f32.msk $0xffff, v12  }
0x174: {  	[tilespmem:s5+$0xECD0] =	vst.add.f32.msk $0xffff, v13  }
0x175: {  	[tilespmem:s5+$0xECE0] =	vst.add.f32.msk $0xffff, v14  }
0x176: {  	[tilespmem:s5+$0xECF0] =	vst.add.f32.msk $0xffff, v15  }
0x177: {  	[tilespmem:s5+$0xED00] =	vst.add.f32.msk $0xffff, v16  }
0x178: {  	[tilespmem:s5+$0xED10] =	vst.add.f32.msk $0xffff, v17  }
0x179: {  	[tilespmem:s5+$0xED20] =	vst.add.f32.msk $0xffff, v18  }
0x17a: {  	[tilespmem:s5+$0xED30] =	vst.add.f32.msk $0xffff, v19  }
0x17b: {  	[tilespmem:s5+$0xED40] =	vst.add.f32.msk $0xffff, v20  }
0x17c: {  	[tilespmem:s5+$0xED50] =	vst.add.f32.msk $0xffff, v21  }
0x17d: {  	[tilespmem:s5+$0xED60] =	vst.add.f32.msk $0xffff, v22  }
0x17e: {  	[tilespmem:s5+$0xED70] =	vst.add.f32.msk $0xffff, v23  }
0x17f: {  	[tilespmem:s5+$0xED80] =	vst.add.f32.msk $0xffff, v24  }
0x180: {  	[tilespmem:s5+$0xED90] =	vst.add.f32.msk $0xffff, v25  }
.Ltmp5:
0x181: {  	[tilespmem:s5+$0xEDA0] =	vst.add.f32.msk $0xffff, v26;
	(pc) =	sbr.rel @p1 .LBB2_11-.Ltmp5, $4  }
0x182: {  	[tilespmem:s5+$0xEDB0] =	vst.add.f32.msk $0xffff, v27  }
0x183: {  	[tilespmem:s5+$0xEDC0] =	vst.add.f32.msk $0xffff, v28  }
0x184: {  	[tilespmem:s5+$0xEDD0] =	vst.add.f32.msk $0xffff, v29  }
0x185: {  	[tilespmem:s5+$0xEDE0] =	vst.add.f32.msk $0xffff, v30;
	s5 =	sshra.s32 s12, $0x2;
	s12 =	sadd.s32 $0x800, s12  }
0x186: {  	v0 =	vld [tilespmem:s5+$0x21F0]  }
0x187: {  	v1 =	vld [tilespmem:s5+$0x2000]  }
0x188: {  	v2 =	vld [tilespmem:s5+$0x2010]  }
0x189: {  	v3 =	vld [tilespmem:s5+$0x2020]  }
0x18a: {  	v4 =	vld [tilespmem:s5+$0x2030]  }
0x18b: {  	v63 =	vld [tilespmem:s5+$0x2040]  }
0x18c: {  	v5 =	vld [tilespmem:s5+$0x2050]  }
0x18d: {  	v6 =	vld [tilespmem:s5+$0x2060]  }
0x18e: {  	v7 =	vld [tilespmem:s5+$0x2070]  }
0x18f: {  	v8 =	vld [tilespmem:s5+$0x2080]  }
0x190: {  	v9 =	vld [tilespmem:s5+$0x2090]  }
0x191: {  	v10 =	vld [tilespmem:s5+$0x20A0]  }
0x192: {  	v11 =	vld [tilespmem:s5+$0x20B0]  }
0x193: {  	v12 =	vld [tilespmem:s5+$0x20C0]  }
0x194: {  	v13 =	vld [tilespmem:s5+$0x20D0]  }
0x195: {  	v14 =	vld [tilespmem:s5+$0x20E0]  }
0x196: {  	v15 =	vld [tilespmem:s5+$0x20F0]  }
0x197: {  	v16 =	vld [tilespmem:s5+$0x2100]  }
0x198: {  	v17 =	vld [tilespmem:s5+$0x2110]  }
0x199: {  	v18 =	vld [tilespmem:s5+$0x2120]  }
0x19a: {  	v19 =	vld [tilespmem:s5+$0x2130]  }
0x19b: {  	v20 =	vld [tilespmem:s5+$0x2140]  }
0x19c: {  	v21 =	vld [tilespmem:s5+$0x2150]  }
0x19d: {  	v22 =	vld [tilespmem:s5+$0x2160]  }
0x19e: {  	v23 =	vld [tilespmem:s5+$0x2170]  }
0x19f: {  	v24 =	vld [tilespmem:s5+$0x2180]  }
0x1a0: {  	v25 =	vld [tilespmem:s5+$0x2190]  }
0x1a1: {  	v26 =	vld [tilespmem:s5+$0x21A0]  }
0x1a2: {  	v27 =	vld [tilespmem:s5+$0x21B0]  }
0x1a3: {  	v28 =	vld [tilespmem:s5+$0x21C0]  }
0x1a4: {  	v29 =	vld [tilespmem:s5+$0x21D0]  }
0x1a5: {  	v30 =	vld [tilespmem:s5+$0x21E0]  }
0x1a6: {  	[tilespmem:s5+$0xEDF0] =	vst.add.f32.msk $0xffff, v0  }
0x1a7: {  	[tilespmem:s5+$0xEC00] =	vst.add.f32.msk $0xffff, v1  }
0x1a8: {  	[tilespmem:s5+$0xEC10] =	vst.add.f32.msk $0xffff, v2  }
0x1a9: {  	[tilespmem:s5+$0xEC20] =	vst.add.f32.msk $0xffff, v3  }
0x1aa: {  	[tilespmem:s5+$0xEC30] =	vst.add.f32.msk $0xffff, v4  }
0x1ab: {  	[tilespmem:s5+$0xEC40] =	vst.add.f32.msk $0xffff, v63  }
0x1ac: {  	[tilespmem:s5+$0xEC50] =	vst.add.f32.msk $0xffff, v5  }
0x1ad: {  	[tilespmem:s5+$0xEC60] =	vst.add.f32.msk $0xffff, v6  }
0x1ae: {  	[tilespmem:s5+$0xEC70] =	vst.add.f32.msk $0xffff, v7  }
0x1af: {  	[tilespmem:s5+$0xEC80] =	vst.add.f32.msk $0xffff, v8  }
0x1b0: {  	[tilespmem:s5+$0xEC90] =	vst.add.f32.msk $0xffff, v9  }
0x1b1: {  	[tilespmem:s5+$0xECA0] =	vst.add.f32.msk $0xffff, v10  }
0x1b2: {  	[tilespmem:s5+$0xECB0] =	vst.add.f32.msk $0xffff, v11  }
0x1b3: {  	[tilespmem:s5+$0xECC0] =	vst.add.f32.msk $0xffff, v12  }
0x1b4: {  	[tilespmem:s5+$0xECD0] =	vst.add.f32.msk $0xffff, v13  }
0x1b5: {  	[tilespmem:s5+$0xECE0] =	vst.add.f32.msk $0xffff, v14  }
0x1b6: {  	[tilespmem:s5+$0xECF0] =	vst.add.f32.msk $0xffff, v15  }
0x1b7: {  	[tilespmem:s5+$0xED00] =	vst.add.f32.msk $0xffff, v16  }
0x1b8: {  	[tilespmem:s5+$0xED10] =	vst.add.f32.msk $0xffff, v17  }
0x1b9: {  	[tilespmem:s5+$0xED20] =	vst.add.f32.msk $0xffff, v18  }
0x1ba: {  	[tilespmem:s5+$0xED30] =	vst.add.f32.msk $0xffff, v19  }
0x1bb: {  	[tilespmem:s5+$0xED40] =	vst.add.f32.msk $0xffff, v20  }
0x1bc: {  	[tilespmem:s5+$0xED50] =	vst.add.f32.msk $0xffff, v21  }
0x1bd: {  	[tilespmem:s5+$0xED60] =	vst.add.f32.msk $0xffff, v22  }
0x1be: {  	[tilespmem:s5+$0xED70] =	vst.add.f32.msk $0xffff, v23  }
0x1bf: {  	[tilespmem:s5+$0xED80] =	vst.add.f32.msk $0xffff, v24  }
0x1c0: {  	[tilespmem:s5+$0xED90] =	vst.add.f32.msk $0xffff, v25  }
0x1c1: {  	[tilespmem:s5+$0xEDA0] =	vst.add.f32.msk $0xffff, v26  }
0x1c2: {  	[tilespmem:s5+$0xEDB0] =	vst.add.f32.msk $0xffff, v27  }
0x1c3: {  	[tilespmem:s5+$0xEDC0] =	vst.add.f32.msk $0xffff, v28  }
0x1c4: {  	s31 =	smul.u32 $0x6400, s11;
	[tilespmem:s5+$0xEDD0] =	vst.add.f32.msk $0xffff, v29  }
0x1c5: {  	[tilespmem:s5+$0xEDE0] =	vst.add.f32.msk $0xffff, v30  }
0x1c6: {  	s5 =	sshrl.u32 s31, $0x3;
	_ =	swait.ge [sflag:s26], $0x3400  }
0x1c7: {  	s10 =	sor.u32 $0x1C0A, s10;
	s5 =	sadd.s32 s4, s5;
	[sflag:s26] =	ssyncset.done $0x0  }
0x1c8: {  	s11 =	sshrl.u32 s9, $0x3;
	s5 =	sadd.s32 $0x600, s5;
	[sflag:s26] =	ssyncadd.s32 $0xFFFFCC00  }
0x1c9: {  	[hbm:s5], [sflag:s10] =	dma.local [spmem:s11], $0x680  }
0x1ca: {  	_ =	swait.ge [sflag:s20], $0x600  }
0x1cb: {  	[sflag:s20] =	ssyncset.done $0x0  }
0x1cc: {  	[sflag:s20] =	ssyncadd.s32 $0xFFFFFA00  }
0x1cd: {  	[spmem:s7] =	stream.linear.scatter [tilespmem:s19], [sflag:$0x7], $0x3000, $0x38;
	[tilespmem:$0x1BC00] =	vst v63  }
0x1ce: {  	s12 =	simm.s32 @!p0 $0x68;
	s31 =	simm.s32 @!p0 $0xB800;
	s5 =	sadd.s32 @!p0 $0x280, s13  }
0x1cf: {  	[tilespmem:s31], [sflag:$0x2] =	stream.indirect.gather @!p0 [hbm4b:s1+s12], $0x80, s5, s12, $0xb8;
	[tilespmem:$0x1BC00] =	vst v63  }
0x1d0: {  	_ =	swait.ge [sflag:s28], $0x3400  }
0x1d1: {  	[sflag:s28] =	ssyncset.done $0x0  }
0x1d2: {  	s5 =	simm.s32 $0x0;
	s12 =	simm.s32 $0x800;
	[sflag:s28] =	ssyncadd.s32 $0xFFFFCC00  }
.LBB2_13:
0x1d3: {  	p1 =	sne.s32 s12, $0xC800;
	v0 =	vld [tilespmem:s5+$0x51F0]  }
0x1d4: {  	v1 =	vld [tilespmem:s5+$0x5000]  }
0x1d5: {  	v2 =	vld [tilespmem:s5+$0x5010]  }
0x1d6: {  	v3 =	vld [tilespmem:s5+$0x5020]  }
0x1d7: {  	v4 =	vld [tilespmem:s5+$0x5030]  }
0x1d8: {  	[tilespmem:s5+$0x121F0] =	vst.add.f32.msk $0xffff, v0  }
0x1d9: {  	v0 =	vld [tilespmem:s5+$0x5040]  }
0x1da: {  	v5 =	vld [tilespmem:s5+$0x5050]  }
0x1db: {  	v6 =	vld [tilespmem:s5+$0x5060]  }
0x1dc: {  	v7 =	vld [tilespmem:s5+$0x5070]  }
0x1dd: {  	v8 =	vld [tilespmem:s5+$0x5080]  }
0x1de: {  	v9 =	vld [tilespmem:s5+$0x5090]  }
0x1df: {  	v10 =	vld [tilespmem:s5+$0x50A0]  }
0x1e0: {  	v11 =	vld [tilespmem:s5+$0x50B0]  }
0x1e1: {  	v12 =	vld [tilespmem:s5+$0x50C0]  }
0x1e2: {  	v13 =	vld [tilespmem:s5+$0x50D0]  }
0x1e3: {  	v14 =	vld [tilespmem:s5+$0x50E0]  }
0x1e4: {  	v15 =	vld [tilespmem:s5+$0x50F0]  }
0x1e5: {  	v16 =	vld [tilespmem:s5+$0x5100]  }
0x1e6: {  	v17 =	vld [tilespmem:s5+$0x5110]  }
0x1e7: {  	v18 =	vld [tilespmem:s5+$0x5120]  }
0x1e8: {  	v19 =	vld [tilespmem:s5+$0x5130]  }
0x1e9: {  	v20 =	vld [tilespmem:s5+$0x5140]  }
0x1ea: {  	v21 =	vld [tilespmem:s5+$0x5150]  }
0x1eb: {  	v22 =	vld [tilespmem:s5+$0x5160]  }
0x1ec: {  	v23 =	vld [tilespmem:s5+$0x5170]  }
0x1ed: {  	v24 =	vld [tilespmem:s5+$0x5180]  }
0x1ee: {  	v25 =	vld [tilespmem:s5+$0x5190]  }
0x1ef: {  	v26 =	vld [tilespmem:s5+$0x51A0]  }
0x1f0: {  	v27 =	vld [tilespmem:s5+$0x51B0]  }
0x1f1: {  	v28 =	vld [tilespmem:s5+$0x51C0]  }
0x1f2: {  	v29 =	vld [tilespmem:s5+$0x51D0]  }
0x1f3: {  	v30 =	vld [tilespmem:s5+$0x51E0]  }
0x1f4: {  	[tilespmem:s5+$0x12000] =	vst.add.f32.msk $0xffff, v1  }
0x1f5: {  	[tilespmem:s5+$0x12010] =	vst.add.f32.msk $0xffff, v2  }
0x1f6: {  	[tilespmem:s5+$0x12020] =	vst.add.f32.msk $0xffff, v3  }
0x1f7: {  	[tilespmem:s5+$0x12030] =	vst.add.f32.msk $0xffff, v4  }
0x1f8: {  	[tilespmem:s5+$0x12040] =	vst.add.f32.msk $0xffff, v0  }
0x1f9: {  	[tilespmem:s5+$0x12050] =	vst.add.f32.msk $0xffff, v5  }
0x1fa: {  	[tilespmem:s5+$0x12060] =	vst.add.f32.msk $0xffff, v6  }
0x1fb: {  	[tilespmem:s5+$0x12070] =	vst.add.f32.msk $0xffff, v7  }
0x1fc: {  	[tilespmem:s5+$0x12080] =	vst.add.f32.msk $0xffff, v8  }
0x1fd: {  	[tilespmem:s5+$0x12090] =	vst.add.f32.msk $0xffff, v9  }
0x1fe: {  	[tilespmem:s5+$0x120A0] =	vst.add.f32.msk $0xffff, v10  }
0x1ff: {  	[tilespmem:s5+$0x120B0] =	vst.add.f32.msk $0xffff, v11  }
0x200: {  	[tilespmem:s5+$0x120C0] =	vst.add.f32.msk $0xffff, v12  }
0x201: {  	[tilespmem:s5+$0x120D0] =	vst.add.f32.msk $0xffff, v13  }
0x202: {  	[tilespmem:s5+$0x120E0] =	vst.add.f32.msk $0xffff, v14  }
0x203: {  	[tilespmem:s5+$0x120F0] =	vst.add.f32.msk $0xffff, v15  }
0x204: {  	[tilespmem:s5+$0x12100] =	vst.add.f32.msk $0xffff, v16  }
0x205: {  	[tilespmem:s5+$0x12110] =	vst.add.f32.msk $0xffff, v17  }
0x206: {  	[tilespmem:s5+$0x12120] =	vst.add.f32.msk $0xffff, v18  }
0x207: {  	[tilespmem:s5+$0x12130] =	vst.add.f32.msk $0xffff, v19  }
0x208: {  	[tilespmem:s5+$0x12140] =	vst.add.f32.msk $0xffff, v20  }
0x209: {  	[tilespmem:s5+$0x12150] =	vst.add.f32.msk $0xffff, v21  }
0x20a: {  	[tilespmem:s5+$0x12160] =	vst.add.f32.msk $0xffff, v22  }
0x20b: {  	[tilespmem:s5+$0x12170] =	vst.add.f32.msk $0xffff, v23  }
0x20c: {  	[tilespmem:s5+$0x12180] =	vst.add.f32.msk $0xffff, v24  }
0x20d: {  	[tilespmem:s5+$0x12190] =	vst.add.f32.msk $0xffff, v25  }
.Ltmp6:
0x20e: {  	[tilespmem:s5+$0x121A0] =	vst.add.f32.msk $0xffff, v26;
	(pc) =	sbr.rel @p1 .LBB2_13-.Ltmp6, $4  }
0x20f: {  	[tilespmem:s5+$0x121B0] =	vst.add.f32.msk $0xffff, v27  }
0x210: {  	[tilespmem:s5+$0x121C0] =	vst.add.f32.msk $0xffff, v28  }
0x211: {  	[tilespmem:s5+$0x121D0] =	vst.add.f32.msk $0xffff, v29  }
0x212: {  	[tilespmem:s5+$0x121E0] =	vst.add.f32.msk $0xffff, v30;
	s5 =	sshra.s32 s12, $0x2;
	s12 =	sadd.s32 $0x800, s12  }
0x213: {  	v0 =	vld [tilespmem:s5+$0x51F0]  }
0x214: {  	v1 =	vld [tilespmem:s5+$0x5000]  }
0x215: {  	v2 =	vld [tilespmem:s5+$0x5010]  }
0x216: {  	v3 =	vld [tilespmem:s5+$0x5020]  }
0x217: {  	v4 =	vld [tilespmem:s5+$0x5030]  }
0x218: {  	v63 =	vld [tilespmem:s5+$0x5040]  }
0x219: {  	v5 =	vld [tilespmem:s5+$0x5050]  }
0x21a: {  	v6 =	vld [tilespmem:s5+$0x5060]  }
0x21b: {  	v7 =	vld [tilespmem:s5+$0x5070]  }
0x21c: {  	v8 =	vld [tilespmem:s5+$0x5080]  }
0x21d: {  	v9 =	vld [tilespmem:s5+$0x5090]  }
0x21e: {  	v10 =	vld [tilespmem:s5+$0x50A0]  }
0x21f: {  	v11 =	vld [tilespmem:s5+$0x50B0]  }
0x220: {  	v12 =	vld [tilespmem:s5+$0x50C0]  }
0x221: {  	v13 =	vld [tilespmem:s5+$0x50D0]  }
0x222: {  	v14 =	vld [tilespmem:s5+$0x50E0]  }
0x223: {  	v15 =	vld [tilespmem:s5+$0x50F0]  }
0x224: {  	v16 =	vld [tilespmem:s5+$0x5100]  }
0x225: {  	v17 =	vld [tilespmem:s5+$0x5110]  }
0x226: {  	v18 =	vld [tilespmem:s5+$0x5120]  }
0x227: {  	v19 =	vld [tilespmem:s5+$0x5130]  }
0x228: {  	v20 =	vld [tilespmem:s5+$0x5140]  }
0x229: {  	v21 =	vld [tilespmem:s5+$0x5150]  }
0x22a: {  	v22 =	vld [tilespmem:s5+$0x5160]  }
0x22b: {  	v23 =	vld [tilespmem:s5+$0x5170]  }
0x22c: {  	v24 =	vld [tilespmem:s5+$0x5180]  }
0x22d: {  	v25 =	vld [tilespmem:s5+$0x5190]  }
0x22e: {  	v26 =	vld [tilespmem:s5+$0x51A0]  }
0x22f: {  	v27 =	vld [tilespmem:s5+$0x51B0]  }
0x230: {  	v28 =	vld [tilespmem:s5+$0x51C0]  }
0x231: {  	v29 =	vld [tilespmem:s5+$0x51D0]  }
0x232: {  	v30 =	vld [tilespmem:s5+$0x51E0]  }
0x233: {  	[tilespmem:s5+$0x121F0] =	vst.add.f32.msk $0xffff, v0  }
0x234: {  	[tilespmem:s5+$0x12000] =	vst.add.f32.msk $0xffff, v1  }
0x235: {  	[tilespmem:s5+$0x12010] =	vst.add.f32.msk $0xffff, v2  }
0x236: {  	[tilespmem:s5+$0x12020] =	vst.add.f32.msk $0xffff, v3  }
0x237: {  	[tilespmem:s5+$0x12030] =	vst.add.f32.msk $0xffff, v4  }
0x238: {  	[tilespmem:s5+$0x12040] =	vst.add.f32.msk $0xffff, v63  }
0x239: {  	[tilespmem:s5+$0x12050] =	vst.add.f32.msk $0xffff, v5  }
0x23a: {  	[tilespmem:s5+$0x12060] =	vst.add.f32.msk $0xffff, v6  }
0x23b: {  	[tilespmem:s5+$0x12070] =	vst.add.f32.msk $0xffff, v7  }
0x23c: {  	[tilespmem:s5+$0x12080] =	vst.add.f32.msk $0xffff, v8  }
0x23d: {  	[tilespmem:s5+$0x12090] =	vst.add.f32.msk $0xffff, v9  }
0x23e: {  	[tilespmem:s5+$0x120A0] =	vst.add.f32.msk $0xffff, v10  }
0x23f: {  	[tilespmem:s5+$0x120B0] =	vst.add.f32.msk $0xffff, v11  }
0x240: {  	[tilespmem:s5+$0x120C0] =	vst.add.f32.msk $0xffff, v12  }
0x241: {  	[tilespmem:s5+$0x120D0] =	vst.add.f32.msk $0xffff, v13  }
0x242: {  	[tilespmem:s5+$0x120E0] =	vst.add.f32.msk $0xffff, v14  }
0x243: {  	[tilespmem:s5+$0x120F0] =	vst.add.f32.msk $0xffff, v15  }
0x244: {  	[tilespmem:s5+$0x12100] =	vst.add.f32.msk $0xffff, v16  }
0x245: {  	[tilespmem:s5+$0x12110] =	vst.add.f32.msk $0xffff, v17  }
0x246: {  	[tilespmem:s5+$0x12120] =	vst.add.f32.msk $0xffff, v18  }
0x247: {  	[tilespmem:s5+$0x12130] =	vst.add.f32.msk $0xffff, v19  }
0x248: {  	[tilespmem:s5+$0x12140] =	vst.add.f32.msk $0xffff, v20  }
0x249: {  	[tilespmem:s5+$0x12150] =	vst.add.f32.msk $0xffff, v21  }
0x24a: {  	[tilespmem:s5+$0x12160] =	vst.add.f32.msk $0xffff, v22  }
0x24b: {  	[tilespmem:s5+$0x12170] =	vst.add.f32.msk $0xffff, v23  }
0x24c: {  	[tilespmem:s5+$0x12180] =	vst.add.f32.msk $0xffff, v24  }
0x24d: {  	[tilespmem:s5+$0x12190] =	vst.add.f32.msk $0xffff, v25  }
0x24e: {  	[tilespmem:s5+$0x121A0] =	vst.add.f32.msk $0xffff, v26  }
0x24f: {  	[tilespmem:s5+$0x121B0] =	vst.add.f32.msk $0xffff, v27  }
0x250: {  	[tilespmem:s5+$0x121C0] =	vst.add.f32.msk $0xffff, v28  }
0x251: {  	s12 =	sadd.s32 s16, s8;
	[tilespmem:s5+$0x121D0] =	vst.add.f32.msk $0xffff, v29  }
0x252: {  	s31 =	smul.u32 $0xC80, s12;
	[tilespmem:s5+$0x121E0] =	vst.add.f32.msk $0xffff, v30  }
0x253: {  	_ =	swait.ge [sflag:s29], $0x3000  }
0x254: {  	s5 =	sadd.s32 s4, s31;
	[sflag:s29] =	ssyncset.done $0x0  }
0x255: {  	s5 =	sadd.s32 $0xC80, s5;
	[sflag:s29] =	ssyncadd.s32 $0xFFFFD000  }
0x256: {  	[hbm:s5], [sflag:s18] =	dma.local [spmem:s6], $0x600  }
0x257: {  	_ =	swait.ge [sflag:s30], $0x680  }
0x258: {  	[sflag:s30] =	ssyncset.done $0x0  }
0x259: {  	s2 =	sadd.s32 $0x1, s2;
	[sflag:s30] =	ssyncadd.s32 $0xFFFFF980  }
0x25a: {  	[spmem:s9] =	stream.linear.scatter [tilespmem:s22], [sflag:$0x8], $0x3400, $0x38;
	[tilespmem:$0x1BC00] =	vst v63  }
0x25b: {  	s12 =	simm.s32 @!p0 $0xEC00;
	s5 =	sadd.s32 @!p0 $0x300, s13;
	s6 =	simm.s32 @!p0 $0x68  }
0x25c: {  	[tilespmem:s12], [sflag:$0x3] =	stream.indirect.gather @!p0 [hbm4b:s1+s6], $0x80, s5, s6, $0xb8;
	[tilespmem:$0x1BC00] =	vst v63  }
0x25d: {  	p0 =	sne.s32 s2, $0x10  }
.Ltmp7:
0x25e: {  	_ = 	snop;
	(pc) =	sbr.rel @p0 .LBB2_2-.Ltmp7, $1  }
0x25f: {  	_ =	sdelay $0x3  }
0x260: {  	s2 =	simm.s32 $0x8  }
0x261: {  	_ =	swait.ge [sflag:s2], $0x3400  }
0x262: {  	[sflag:s2] =	ssyncset.done $0x0  }
0x263: {  	s18 =	rddreg [dreg:$0x7];
	[sflag:s2] =	ssyncadd.s32 $0xFFFFCC00  }
0x264: {  	[hbm:s18], [sflag:s10] =	dma.local [spmem:s11], $0x680  }
0x265: {  	_ =	swait.ge [sflag:s20], $0x600  }
0x266: {  	[sflag:s20] =	ssyncset.done $0x0  }
0x267: {  	[sflag:s20] =	ssyncadd.s32 $0xFFFFFA00  }
0x268: {  	_ =	swait.ge [sflag:s30], $0x680  }
0x269: {  	s0 =	sadd.s32 $0x1, s0;
	s31 =	rddreg [dreg:$0x8]  }
0x26a: {  	p0 =	sne.s32 s0, s31  }
.Ltmp8:
0x26b: {  	_ = 	snop;
	(pc) =	sbr.rel @p0 .LBB2_1-.Ltmp8, $3  }
0x26c: {  	_ =	sdelay $0x1  }
0x26d: {  	[sflag:s30] =	ssyncset.done $0x0  }
0x26e: {  	[sflag:s30] =	ssyncadd.s32 $0xFFFFF980  }
0x26f: {  	_ =	sfence.sel $0x180000  }
0x270: {  	[bflag:$0x0] =	sbarrier.arrive $0xFFFF  }
0x271: {  	_ =	strace $0x90000047  }
0x272: {  	[bflag:$0x2] =	sbarrier.arrive $0xFFFF  }
0x273: {  	p0 =	sne.s32 s3, $0x0;
	s0 =	rddreg [dreg:$0x5]  }
0x274: {  	s0 =	sadd.s32 @!p0 $0x100000, s0  }
0x275: {  	[sflag:s0] =	ssyncadd.tile.s32 @!p0 $0x1;
	_ =	shalt  }
.Lfunc_end2:
_tile_overlayer_lowered:
.L_overlay_start_2:
0x276: {  	(tag) =	ssettag $0x2  }
0x277: {  	s0 =	rddreg [dreg:$0x0];
	s2 =	stileid.u32  }
0x278: {  	s1 =	rddreg [dreg:$0x1];
	p0 =	sne.s32 s2, $0x0  }
0x279: {  	s3 =	rddreg [dreg:$0x2];
	[bflag:$0x3] =	sbarrier.arrive $0xFFFF;
	s2 =	simm.s32 @!p0 $0x1C0B  }
0x27a: {  	[timem:s3], [sflag:s2] =	dma.local @!p0 [hbm:s0], s1  }
0x27b: {  	s0 =	simm.s32 @!p0 $0xB  }
0x27c: {  	_ =	swait.ge @!p0 [sflag:s0], s1  }
0x27d: {  	s1 =	ssub.s32 @!p0 $0x0, s1;
	[sflag:s0] =	ssyncset.done @!p0 $0x0  }
0x27e: {  	[sflag:s0] =	ssyncadd.s32 @!p0 s1  }
0x27f: {  	[bflag:$0x3] =	sbarrier.arrive $0xFFFF  }
0x280: {  	_ =	shalt  }

</sc_bundles>
